<compile_context>
chip_gen: v7x
topology: tpu7x:2x2x1
jax: 0.10.2.dev20260603
libtpu: 0.0.44.dev20260713+nightly
codegen_flags: <defaults>
</compile_context>

<pallas_src>
import functools

import jax
import jax.numpy as jnp
from jax import lax
from jax.experimental import pallas as pl
from jax.experimental.pallas import tpu as pltpu
from jax.experimental.pallas import tpu_sc as plsc

N_NODES = 10000
NFEAT = 128
NHID = 64
NCLASS = 16
K_STEPS = 10
ALPHA = 0.1

NS = 16
CB = 512
ROWS_PER_TILE = 640
PAD_ROWS = NS * ROWS_PER_TILE
ZR = 64
RSQRT_MAGIC = 0x5F3759DF


def _mlp_body(x_ref, w1_ref, b1_ref, w2_ref, b2_ref, o_ref):
    h = jnp.dot(x_ref[...], w1_ref[...], preferred_element_type=jnp.float32)
    h = jnp.maximum(h + b1_ref[...], 0.0)
    o_ref[...] = (
        jnp.dot(h, w2_ref[...], preferred_element_type=jnp.float32) + b2_ref[...]
    )


def _mlp(x, w1t, b1, w2t, b2):
    return pl.pallas_call(
        _mlp_body,
        out_shape=jax.ShapeDtypeStruct((N_NODES, NCLASS), jnp.float32),
    )(x, w1t, b1.reshape(1, NHID), w2t, b2.reshape(1, NCLASS))


def _appnp_sc(z, src_pad, dst_pad, nchunk):
    mesh = plsc.VectorSubcoreMesh(
        core_axis_name="c", subcore_axis_name="s", num_cores=2, num_subcores=NS
    )

    @functools.partial(
        pl.kernel,
        out_type=jax.ShapeDtypeStruct((PAD_ROWS, NCLASS), jnp.float32),
        mesh=mesh,
        compiler_params=pltpu.CompilerParams(
            needs_layout_passes=False, use_tc_tiling_on_sc=False
        ),
        scratch_types=[
            pltpu.VMEM_SHARED((PAD_ROWS, NCLASS), jnp.float32),
            pltpu.VMEM_SHARED((PAD_ROWS, NCLASS), jnp.float32),
            pltpu.VMEM((nchunk, CB), jnp.int32),
            pltpu.VMEM((nchunk, CB), jnp.int32),
            pltpu.VMEM((ROWS_PER_TILE, NCLASS), jnp.float32),
            pltpu.VMEM((ROWS_PER_TILE, NCLASS), jnp.float32),
            pltpu.VMEM((ZR, NCLASS), jnp.float32),
            pltpu.VMEM((ROWS_PER_TILE, NCLASS), jnp.float32),
            pltpu.VMEM((ROWS_PER_TILE, NCLASS), jnp.float32),
            pltpu.VMEM((ROWS_PER_TILE, NCLASS), jnp.float32),
            pltpu.VMEM((ROWS_PER_TILE, NCLASS), jnp.float32),
            pltpu.VMEM_SHARED((PAD_ROWS,), jnp.float32),
            pltpu.VMEM((CB,), jnp.float32),
            pltpu.VMEM((ROWS_PER_TILE,), jnp.float32),
            pltpu.SemaphoreType.DMA,
            pltpu.SemaphoreType.DMA,
            pltpu.SemaphoreType.DMA,
            pltpu.SemaphoreType.DMA,
        ],
    )
    def k(z_hbm, srcp_hbm, dstp_hbm, out_hbm, outa_sh, s_sh, src_t, dst_t,
          g_a, g_b, zer_t, a_t, c1_t, c2_t, dis_t, deg_sh, ones1, dstage,
          sem_ga, sem_gb, sem_sa, sem_sb):
        cid = lax.axis_index("c")
        sid = lax.axis_index("s")

        @pl.when(cid == 0)
        def _():
            rbase = sid * ROWS_PER_TILE
            rows = pl.ds(rbase, ROWS_PER_TILE)
            gsl_a = g_a.at[pl.ds(0, CB)]
            gsl_b = g_b.at[pl.ds(0, CB)]

            pltpu.sync_copy(srcp_hbm.at[sid], src_t)
            pltpu.sync_copy(dstp_hbm.at[sid], dst_t)

            @pl.loop(0, ZR)
            def _(i):
                zer_t[i, :] = jnp.full((NCLASS,), 0.0, jnp.float32)

            @pl.loop(0, CB // 16)
            def _(i):
                ones1[pl.ds(i * 16, 16)] = jnp.full((16,), 1.0, jnp.float32)

            @pl.loop(0, ROWS_PER_TILE // 16)
            def _(i):
                dstage[pl.ds(i * 16, 16)] = jnp.full((16,), 0.0, jnp.float32)

            pltpu.sync_copy(dstage, deg_sh.at[rows])

            @pl.loop(0, ROWS_PER_TILE // ZR)
            def _(t):
                pltpu.sync_copy(zer_t, s_sh.at[pl.ds(rbase + t * ZR, ZR)])

            plsc.subcore_barrier()

            @pl.loop(0, nchunk, step=8)
            def _(j):
                for b in range(8):
                    pltpu.async_copy(
                        ones1, deg_sh.at[dst_t.at[j + b]], sem_sa, add=True
                    )
                for b in range(8):
                    pltpu.make_async_copy(
                        ones1, deg_sh.at[dst_t.at[j + b]], sem_sa
                    ).wait()

            plsc.subcore_barrier()

            pltpu.sync_copy(deg_sh.at[rows], dstage)
            pltpu.sync_copy(z_hbm.at[rows], g_b)

            @pl.loop(0, ROWS_PER_TILE // 16)
            def _(g):
                d = dstage[pl.ds(g * 16, 16)] + 1.0
                ihalf = plsc.bitcast(d, jnp.int32) >> 1
                y = plsc.bitcast(
                    jnp.full((16,), RSQRT_MAGIC, jnp.int32) - ihalf,
                    jnp.float32,
                )
                y = y * (1.5 - 0.5 * d * y * y)
                y = y * (1.5 - 0.5 * d * y * y)
                y = y * (1.5 - 0.5 * d * y * y)
                lane = lax.iota(jnp.int32, 16)
                for b in range(16):
                    onehot = jnp.where(lane == b, 1.0, 0.0).astype(jnp.float32)
                    yb = jnp.sum(y * onehot)
                    i = g * 16 + b
                    zrow = g_b[i, :]
                    dis_t[i, :] = jnp.full((NCLASS,), 1.0, jnp.float32) * yb
                    c1_t[i, :] = dis_t[i, :] * ((1.0 - ALPHA) * yb)
                    c2_t[i, :] = (ALPHA * yb) * zrow
                    a_t[i, :] = yb * zrow

            pltpu.sync_copy(a_t, outa_sh.at[rows])
            plsc.subcore_barrier()

            @pl.loop(0, K_STEPS)
            def _(_k):
                pltpu.async_copy(outa_sh.at[src_t.at[0]], gsl_a, sem_ga)

                @pl.loop(0, nchunk, step=2)
                def _(j):
                    pltpu.make_async_copy(
                        outa_sh.at[src_t.at[j]], gsl_a, sem_ga
                    ).wait()
                    pltpu.async_copy(
                        gsl_a, s_sh.at[dst_t.at[j]], sem_sa, add=True
                    )
                    pltpu.async_copy(outa_sh.at[src_t.at[j + 1]], gsl_b, sem_gb)
                    pltpu.make_async_copy(
                        outa_sh.at[src_t.at[j + 1]], gsl_b, sem_gb
                    ).wait()
                    pltpu.make_async_copy(
                        gsl_a, s_sh.at[dst_t.at[j]], sem_sa
                    ).wait()
                    pltpu.async_copy(
                        gsl_b, s_sh.at[dst_t.at[j + 1]], sem_sb, add=True
                    )
                    jn = jnp.minimum(j + 2, nchunk - 1)
                    pltpu.async_copy(outa_sh.at[src_t.at[jn]], gsl_a, sem_ga)
                    pltpu.make_async_copy(
                        gsl_b, s_sh.at[dst_t.at[j + 1]], sem_sb
                    ).wait()

                pltpu.make_async_copy(
                    outa_sh.at[src_t.at[0]], gsl_a, sem_ga
                ).wait()
                plsc.subcore_barrier()

                pltpu.sync_copy(s_sh.at[rows], g_a)

                @pl.loop(0, ROWS_PER_TILE, step=8)
                def _(i0):
                    for b in range(8):
                        i = i0 + b
                        a_t[i, :] = (
                            c1_t[i, :] * (g_a[i, :] + a_t[i, :]) + c2_t[i, :]
                        )

                pltpu.sync_copy(a_t, outa_sh.at[rows])

                @pl.loop(0, ROWS_PER_TILE // ZR)
                def _(t):
                    pltpu.sync_copy(zer_t, s_sh.at[pl.ds(rbase + t * ZR, ZR)])

                plsc.subcore_barrier()

            @pl.loop(0, ROWS_PER_TILE)
            def _(i):
                a_t[i, :] = a_t[i, :] / dis_t[i, :]

            pltpu.sync_copy(a_t, out_hbm.at[rows])

    return k(z, src_pad, dst_pad)


def kernel(x, edge_index, W1, b1, W2, b2):
    z = _mlp(x, W1.T, b1, W2.T, b2)
    z = jnp.pad(z, ((0, PAD_ROWS - N_NODES), (0, 0)))

    e = edge_index.shape[1]
    nchunk = -(-e // (NS * CB))
    nchunk += nchunk % 2
    ep = nchunk * NS * CB
    npad = ep - e
    pad_idx = N_NODES + (jnp.arange(npad, dtype=jnp.int32) % (PAD_ROWS - N_NODES))
    src_pad = jnp.concatenate([edge_index[0], pad_idx]).reshape(NS, nchunk, CB)
    dst_pad = jnp.concatenate([edge_index[1], pad_idx]).reshape(NS, nchunk, CB)

    return _appnp_sc(z, src_pad, dst_pad, nchunk)[:N_NODES]

# --- scband reference (transcript-rebuilt; emitter-appended) ---
"""Pipeline reference for scband-appnp-48369921687751 (READ-ONLY COPY).

The authoritative reference and input builder live on the scoring server;
editing this copy changes nothing except your own understanding.
"""

import jax, jax.numpy as jnp
import numpy as np

N = 10000
E = 320000
NFEAT = 128
NHID = 64
NCLASS = 16
K = 10
ALPHA = 0.1


def setup_inputs(seed: int = 0) -> dict:
    key = jax.random.key(seed)
    ks = jax.random.split(key, 6)
    x = jax.random.normal(ks[0], (N, NFEAT), dtype=jnp.float32)
    edge_index = jax.random.randint(ks[1], (2, E), 0, N, dtype=jnp.int32)
    W1 = jax.random.normal(ks[2], (NHID, NFEAT), dtype=jnp.float32) * 0.05
    b1 = jnp.zeros((NHID,), dtype=jnp.float32)
    W2 = jax.random.normal(ks[3], (NCLASS, NHID), dtype=jnp.float32) * 0.05
    b2 = jnp.zeros((NCLASS,), dtype=jnp.float32)
    return {"x": x, "edge_index": edge_index, "W1": W1, "b1": b1, "W2": W2, "b2": b2}


def reference(x, edge_index, W1, b1, W2, b2):
    # MLP part (dropout is identity in eval mode)
    h = jax.nn.relu(x @ W1.T + b1)
    z = h @ W2.T + b2

    # APPNP propagation with GCN normalization (self-loops added)
    loop = jnp.arange(N, dtype=edge_index.dtype)
    src = jnp.concatenate([edge_index[0], loop])
    dst = jnp.concatenate([edge_index[1], loop])
    deg = jnp.zeros((N,), dtype=jnp.float32).at[dst].add(1.0)
    dis = jnp.where(deg > 0, jax.lax.rsqrt(jnp.maximum(deg, 1e-12)), 0.0)
    norm = dis[src] * dis[dst]

    h0 = z
    out = z
    for _ in range(K):
        msgs = out[src] * norm[:, None]
        agg = jax.ops.segment_sum(msgs, dst, num_segments=N)
        out = (1.0 - ALPHA) * agg + ALPHA * h0
    return out

if __name__ == "__main__":
    import jax
    _d = setup_inputs()
    print(jax.jit(kernel)(*tuple(_d.values())))

</pallas_src>

<mosaic_0001>
#map = affine_map<(d0, d1) -> (0, 0)>
#map1 = affine_map<(d0, d1) -> (0, 0, 0)>
module attributes {stable_mosaic.version = 14 : i64} {
  func.func @k(%arg0: i32, %arg1: i32, %arg2: memref<10240x16xf32, #tpu.memory_space<hbm>>, %arg3: memref<16x40x512xi32, #tpu.memory_space<hbm>>, %arg4: memref<16x40x512xi32, #tpu.memory_space<hbm>>, %arg5: memref<10240x16xf32, #tpu.memory_space<hbm>>, %arg6: memref<10240x16xf32, #tpu.memory_space<vmem_shared>>, %arg7: memref<10240x16xf32, #tpu.memory_space<vmem_shared>>, %arg8: memref<40x512xi32, #tpu.memory_space<vmem>>, %arg9: memref<40x512xi32, #tpu.memory_space<vmem>>, %arg10: memref<640x16xf32, #tpu.memory_space<vmem>>, %arg11: memref<640x16xf32, #tpu.memory_space<vmem>>, %arg12: memref<64x16xf32, #tpu.memory_space<vmem>>, %arg13: memref<640x16xf32, #tpu.memory_space<vmem>>, %arg14: memref<640x16xf32, #tpu.memory_space<vmem>>, %arg15: memref<640x16xf32, #tpu.memory_space<vmem>>, %arg16: memref<640x16xf32, #tpu.memory_space<vmem>>, %arg17: memref<10240xf32, #tpu.memory_space<vmem_shared>>, %arg18: memref<512xf32, #tpu.memory_space<vmem>>, %arg19: memref<640xf32, #tpu.memory_space<vmem>>, %arg20: memref<!tpu.dma_semaphore, #tpu.memory_space<semaphore_mem>>, %arg21: memref<!tpu.dma_semaphore, #tpu.memory_space<semaphore_mem>>, %arg22: memref<!tpu.dma_semaphore, #tpu.memory_space<semaphore_mem>>, %arg23: memref<!tpu.dma_semaphore, #tpu.memory_space<semaphore_mem>>) attributes {dimension_semantics = [#tpu.dimension_semantics<core_parallel>, #tpu.dimension_semantics<subcore_parallel>], iteration_bounds = array<i64: 2, 16>, scalar_prefetch = 0 : i64, scratch_operands = 18 : i64, tpu.core_type = #tpu.core_type<sc_vector_subcore>, window_params = [{transform_indices = #map}, {transform_indices = #map1}, {transform_indices = #map1}, {transform_indices = #map}]} {
    %eq3A = arith.constant 0 : i32
    %eq3A_0 = arith.cmpi eq, %arg0, %eq3A : i32
    %convert_element_type3A = arith.extui %eq3A_0 : i1 to i32
    %cond3A = arith.constant 0 : i32
    %cond3A_1 = arith.cmpi ne, %convert_element_type3A, %cond3A : i32
    scf.if %cond3A_1 {
      %mul3A = arith.constant 640 : i32
      %mul3A_2 = arith.muli %arg1, %mul3A : i32
      "tpu.region"() ({
        %run_scoped3A = tpu.sem_alloc : memref<!tpu.dma_semaphore, #tpu.memory_space<semaphore_mem>>
        %dma_start3A = arith.constant 0 : i32
        %dma_start3A_44 = arith.constant 0 : i32
        %dma_start3A_45 = tpu.memref_slice %arg3[%arg1, %dma_start3A, %dma_start3A_44] : memref<16x40x512xi32, #tpu.memory_space<hbm>> -> memref<1x40x512xi32, #tpu.memory_space<hbm>>
        %dma_start3A_46 = tpu.memref_squeeze %dma_start3A_45 : memref<1x40x512xi32, #tpu.memory_space<hbm>> -> memref<40x512xi32, #tpu.memory_space<hbm>>
        %dma_start3A_47 = arith.constant 0 : i32
        %dma_start3A_48 = arith.constant 0 : i32
        %dma_start3A_49 = tpu.memref_slice %arg3[%arg1, %dma_start3A_47, %dma_start3A_48] : memref<16x40x512xi32, #tpu.memory_space<hbm>> -> memref<1x40x512xi32, #tpu.memory_space<hbm>>
        %dma_start3A_50 = tpu.memref_squeeze %dma_start3A_49 : memref<1x40x512xi32, #tpu.memory_space<hbm>> -> memref<40x512xi32, #tpu.memory_space<hbm>>
        tpu.enqueue_dma source(%dma_start3A_50 : memref<40x512xi32, #tpu.memory_space<hbm>>) target(%arg8 : memref<40x512xi32, #tpu.memory_space<vmem>>) target_semaphore(%run_scoped3A : memref<!tpu.dma_semaphore, #tpu.memory_space<semaphore_mem>>)
        %dma_wait3A = arith.constant 0 : i32
        %dma_wait3A_51 = arith.constant 0 : i32
        %dma_wait3A_52 = tpu.memref_slice %arg3[%arg1, %dma_wait3A, %dma_wait3A_51] : memref<16x40x512xi32, #tpu.memory_space<hbm>> -> memref<1x40x512xi32, #tpu.memory_space<hbm>>
        %dma_wait3A_53 = tpu.memref_squeeze %dma_wait3A_52 : memref<1x40x512xi32, #tpu.memory_space<hbm>> -> memref<40x512xi32, #tpu.memory_space<hbm>>
        %dma_wait3A_54 = arith.constant 0 : i32
        %dma_wait3A_55 = arith.constant 0 : i32
        %dma_wait3A_56 = tpu.memref_slice %arg3[%arg1, %dma_wait3A_54, %dma_wait3A_55] : memref<16x40x512xi32, #tpu.memory_space<hbm>> -> memref<1x40x512xi32, #tpu.memory_space<hbm>>
        %dma_wait3A_57 = tpu.memref_squeeze %dma_wait3A_56 : memref<1x40x512xi32, #tpu.memory_space<hbm>> -> memref<40x512xi32, #tpu.memory_space<hbm>>
        tpu.wait_dma2 semaphore(%run_scoped3A : memref<!tpu.dma_semaphore, #tpu.memory_space<semaphore_mem>>) src(%dma_wait3A_57 : memref<40x512xi32, #tpu.memory_space<hbm>>) dst(%arg8 : memref<40x512xi32, #tpu.memory_space<vmem>>)
        tpu.yield
      }) : () -> ()
      "tpu.region"() ({
        %run_scoped3A = tpu.sem_alloc : memref<!tpu.dma_semaphore, #tpu.memory_space<semaphore_mem>>
        %dma_start3A = arith.constant 0 : i32
        %dma_start3A_44 = arith.constant 0 : i32
        %dma_start3A_45 = tpu.memref_slice %arg4[%arg1, %dma_start3A, %dma_start3A_44] : memref<16x40x512xi32, #tpu.memory_space<hbm>> -> memref<1x40x512xi32, #tpu.memory_space<hbm>>
        %dma_start3A_46 = tpu.memref_squeeze %dma_start3A_45 : memref<1x40x512xi32, #tpu.memory_space<hbm>> -> memref<40x512xi32, #tpu.memory_space<hbm>>
        %dma_start3A_47 = arith.constant 0 : i32
        %dma_start3A_48 = arith.constant 0 : i32
        %dma_start3A_49 = tpu.memref_slice %arg4[%arg1, %dma_start3A_47, %dma_start3A_48] : memref<16x40x512xi32, #tpu.memory_space<hbm>> -> memref<1x40x512xi32, #tpu.memory_space<hbm>>
        %dma_start3A_50 = tpu.memref_squeeze %dma_start3A_49 : memref<1x40x512xi32, #tpu.memory_space<hbm>> -> memref<40x512xi32, #tpu.memory_space<hbm>>
        tpu.enqueue_dma source(%dma_start3A_50 : memref<40x512xi32, #tpu.memory_space<hbm>>) target(%arg9 : memref<40x512xi32, #tpu.memory_space<vmem>>) target_semaphore(%run_scoped3A : memref<!tpu.dma_semaphore, #tpu.memory_space<semaphore_mem>>)
        %dma_wait3A = arith.constant 0 : i32
        %dma_wait3A_51 = arith.constant 0 : i32
        %dma_wait3A_52 = tpu.memref_slice %arg4[%arg1, %dma_wait3A, %dma_wait3A_51] : memref<16x40x512xi32, #tpu.memory_space<hbm>> -> memref<1x40x512xi32, #tpu.memory_space<hbm>>
        %dma_wait3A_53 = tpu.memref_squeeze %dma_wait3A_52 : memref<1x40x512xi32, #tpu.memory_space<hbm>> -> memref<40x512xi32, #tpu.memory_space<hbm>>
        %dma_wait3A_54 = arith.constant 0 : i32
        %dma_wait3A_55 = arith.constant 0 : i32
        %dma_wait3A_56 = tpu.memref_slice %arg4[%arg1, %dma_wait3A_54, %dma_wait3A_55] : memref<16x40x512xi32, #tpu.memory_space<hbm>> -> memref<1x40x512xi32, #tpu.memory_space<hbm>>
        %dma_wait3A_57 = tpu.memref_squeeze %dma_wait3A_56 : memref<1x40x512xi32, #tpu.memory_space<hbm>> -> memref<40x512xi32, #tpu.memory_space<hbm>>
        tpu.wait_dma2 semaphore(%run_scoped3A : memref<!tpu.dma_semaphore, #tpu.memory_space<semaphore_mem>>) src(%dma_wait3A_57 : memref<40x512xi32, #tpu.memory_space<hbm>>) dst(%arg9 : memref<40x512xi32, #tpu.memory_space<vmem>>)
        tpu.yield
      }) : () -> ()
      %scan3A = arith.constant 0 : i32
      %scan3A_3 = arith.constant 64 : i32
      %scan3A_4 = arith.addi %scan3A, %scan3A_3 : i32
      %scan3A_5 = arith.constant 1 : i32
      scf.for %scan3A_44 = %scan3A to %scan3A_4 step %scan3A_5  : i32 {
        %mul3A_45 = arith.constant 1 : i32
        %mul3A_46 = arith.muli %scan3A_44, %mul3A_45 : i32
        %add3A = arith.constant 0 : i32
        %add3A_47 = arith.addi %add3A, %mul3A_46 : i32
        %broadcast_in_dim3A = arith.constant 0.000000e+00 : f32
        %broadcast_in_dim3A_48 = vector.broadcast %broadcast_in_dim3A : f32 to vector<16xf32>
        %swap3A = arith.index_cast %add3A_47 : i32 to index
        %swap3A_49 = arith.constant 0 : index
        %swap3A_50 = tpu.vector_load %arg12[%swap3A, %swap3A_49] {strides = array<i32>} : memref<64x16xf32, #tpu.memory_space<vmem>>, vector<16xf32>,
        tpu.vector_store %arg12[%swap3A, %swap3A_49], %broadcast_in_dim3A_48 {strides = array<i32>} : memref<64x16xf32, #tpu.memory_space<vmem>>, vector<16xf32>,
      }
      %scan3A_6 = arith.constant 64 : i32
      %scan3A_7 = arith.constant 0 : i32
      %scan3A_8 = arith.constant 32 : i32
      %scan3A_9 = arith.addi %scan3A_7, %scan3A_8 : i32
      %scan3A_10 = arith.constant 1 : i32
      scf.for %scan3A_44 = %scan3A_7 to %scan3A_9 step %scan3A_10  : i32 {
        %mul3A_45 = arith.constant 1 : i32
        %mul3A_46 = arith.muli %scan3A_44, %mul3A_45 : i32
        %add3A = arith.constant 0 : i32
        %add3A_47 = arith.addi %add3A, %mul3A_46 : i32
        %broadcast_in_dim3A = arith.constant 1.000000e+00 : f32
        %broadcast_in_dim3A_48 = vector.broadcast %broadcast_in_dim3A : f32 to vector<16xf32>
        %mul3A_49 = arith.constant 16 : i32
        %mul3A_50 = arith.muli %add3A_47, %mul3A_49 : i32
        %swap3A = arith.index_cast %mul3A_50 : i32 to index
        %swap3A_51 = tpu.vector_load %arg18[%swap3A] {strides = array<i32>} : memref<512xf32, #tpu.memory_space<vmem>>, vector<16xf32>,
        tpu.vector_store %arg18[%swap3A], %broadcast_in_dim3A_48 {strides = array<i32>} : memref<512xf32, #tpu.memory_space<vmem>>, vector<16xf32>,
      }
      %scan3A_11 = arith.constant 32 : i32
      %scan3A_12 = arith.constant 0 : i32
      %scan3A_13 = arith.constant 40 : i32
      %scan3A_14 = arith.addi %scan3A_12, %scan3A_13 : i32
      %scan3A_15 = arith.constant 1 : i32
      scf.for %scan3A_44 = %scan3A_12 to %scan3A_14 step %scan3A_15  : i32 {
        %mul3A_45 = arith.constant 1 : i32
        %mul3A_46 = arith.muli %scan3A_44, %mul3A_45 : i32
        %add3A = arith.constant 0 : i32
        %add3A_47 = arith.addi %add3A, %mul3A_46 : i32
        %broadcast_in_dim3A = arith.constant 0.000000e+00 : f32
        %broadcast_in_dim3A_48 = vector.broadcast %broadcast_in_dim3A : f32 to vector<16xf32>
        %mul3A_49 = arith.constant 16 : i32
        %mul3A_50 = arith.muli %add3A_47, %mul3A_49 : i32
        %swap3A = arith.index_cast %mul3A_50 : i32 to index
        %swap3A_51 = tpu.vector_load %arg19[%swap3A] {strides = array<i32>} : memref<640xf32, #tpu.memory_space<vmem>>, vector<16xf32>,
        tpu.vector_store %arg19[%swap3A], %broadcast_in_dim3A_48 {strides = array<i32>} : memref<640xf32, #tpu.memory_space<vmem>>, vector<16xf32>,
      }
      %scan3A_16 = arith.constant 40 : i32
      "tpu.region"() ({
        %run_scoped3A = tpu.sem_alloc : memref<!tpu.dma_semaphore, #tpu.memory_space<semaphore_mem>>
        %dma_start3A = tpu.memref_slice %arg17[%mul3A_2] : memref<10240xf32, #tpu.memory_space<vmem_shared>> -> memref<640xf32, #tpu.memory_space<vmem_shared>>
        %dma_start3A_44 = tpu.memref_slice %arg17[%mul3A_2] : memref<10240xf32, #tpu.memory_space<vmem_shared>> -> memref<640xf32, #tpu.memory_space<vmem_shared>>
        tpu.enqueue_dma source(%arg19 : memref<640xf32, #tpu.memory_space<vmem>>) target(%dma_start3A_44 : memref<640xf32, #tpu.memory_space<vmem_shared>>) target_semaphore(%run_scoped3A : memref<!tpu.dma_semaphore, #tpu.memory_space<semaphore_mem>>)
        %dma_wait3A = tpu.memref_slice %arg17[%mul3A_2] : memref<10240xf32, #tpu.memory_space<vmem_shared>> -> memref<640xf32, #tpu.memory_space<vmem_shared>>
        %dma_wait3A_45 = tpu.memref_slice %arg17[%mul3A_2] : memref<10240xf32, #tpu.memory_space<vmem_shared>> -> memref<640xf32, #tpu.memory_space<vmem_shared>>
        tpu.wait_dma2 semaphore(%run_scoped3A : memref<!tpu.dma_semaphore, #tpu.memory_space<semaphore_mem>>) src(%arg19 : memref<640xf32, #tpu.memory_space<vmem>>) dst(%dma_wait3A_45 : memref<640xf32, #tpu.memory_space<vmem_shared>>)
        tpu.yield
      }) : () -> ()
      %scan3A_17 = arith.constant 0 : i32
      %scan3A_18 = arith.constant 10 : i32
      %scan3A_19 = arith.addi %scan3A_17, %scan3A_18 : i32
      %scan3A_20 = arith.constant 1 : i32
      scf.for %scan3A_44 = %scan3A_17 to %scan3A_19 step %scan3A_20  : i32 {
        %mul3A_45 = arith.constant 1 : i32
        %mul3A_46 = arith.muli %scan3A_44, %mul3A_45 : i32
        %add3A = arith.constant 0 : i32
        %add3A_47 = arith.addi %add3A, %mul3A_46 : i32
        %mul3A_48 = arith.constant 64 : i32
        %mul3A_49 = arith.muli %add3A_47, %mul3A_48 : i32
        %add3A_50 = arith.addi %mul3A_2, %mul3A_49 : i32
        "tpu.region"() ({
          %run_scoped3A = tpu.sem_alloc : memref<!tpu.dma_semaphore, #tpu.memory_space<semaphore_mem>>
          %dma_start3A = arith.constant 0 : i32
          %dma_start3A_51 = tpu.memref_slice %arg7[%add3A_50, %dma_start3A] : memref<10240x16xf32, #tpu.memory_space<vmem_shared>> -> memref<64x16xf32, #tpu.memory_space<vmem_shared>>
          %dma_start3A_52 = arith.constant 0 : i32
          %dma_start3A_53 = tpu.memref_slice %arg7[%add3A_50, %dma_start3A_52] : memref<10240x16xf32, #tpu.memory_space<vmem_shared>> -> memref<64x16xf32, #tpu.memory_space<vmem_shared>>
          tpu.enqueue_dma source(%arg12 : memref<64x16xf32, #tpu.memory_space<vmem>>) target(%dma_start3A_53 : memref<64x16xf32, #tpu.memory_space<vmem_shared>>) target_semaphore(%run_scoped3A : memref<!tpu.dma_semaphore, #tpu.memory_space<semaphore_mem>>)
          %dma_wait3A = arith.constant 0 : i32
          %dma_wait3A_54 = tpu.memref_slice %arg7[%add3A_50, %dma_wait3A] : memref<10240x16xf32, #tpu.memory_space<vmem_shared>> -> memref<64x16xf32, #tpu.memory_space<vmem_shared>>
          %dma_wait3A_55 = arith.constant 0 : i32
          %dma_wait3A_56 = tpu.memref_slice %arg7[%add3A_50, %dma_wait3A_55] : memref<10240x16xf32, #tpu.memory_space<vmem_shared>> -> memref<64x16xf32, #tpu.memory_space<vmem_shared>>
          tpu.wait_dma2 semaphore(%run_scoped3A : memref<!tpu.dma_semaphore, #tpu.memory_space<semaphore_mem>>) src(%arg12 : memref<64x16xf32, #tpu.memory_space<vmem>>) dst(%dma_wait3A_56 : memref<64x16xf32, #tpu.memory_space<vmem_shared>>)
          tpu.yield
        }) : () -> ()
      }
      %scan3A_21 = arith.constant 10 : i32
      %barrier3A = arith.constant 0 : index
      tpu.barrier barrier_id(%barrier3A)
      %scan3A_22 = arith.constant 0 : i32
      %scan3A_23 = arith.constant 5 : i32
      %scan3A_24 = arith.addi %scan3A_22, %scan3A_23 : i32
      %scan3A_25 = arith.constant 1 : i32
      scf.for %scan3A_44 = %scan3A_22 to %scan3A_24 step %scan3A_25  : i32 {
        %mul3A_45 = arith.constant 8 : i32
        %mul3A_46 = arith.muli %scan3A_44, %mul3A_45 : i32
        %add3A = arith.constant 0 : i32
        %add3A_47 = arith.addi %add3A, %mul3A_46 : i32
        %add3A_48 = arith.constant 0 : i32
        %add3A_49 = arith.addi %add3A_47, %add3A_48 : i32
        %dma_start3A = arith.constant 0 : i32
        %dma_start3A_50 = tpu.memref_slice %arg9[%add3A_49, %dma_start3A] : memref<40x512xi32, #tpu.memory_space<vmem>> -> memref<1x512xi32, #tpu.memory_space<vmem>>
        %dma_start3A_51 = tpu.memref_squeeze %dma_start3A_50 : memref<1x512xi32, #tpu.memory_space<vmem>> -> memref<512xi32, #tpu.memory_space<vmem>>
        %dma_start3A_52 = arith.constant 0 : i32
        %dma_start3A_53 = tpu.memref_slice %arg17[%dma_start3A_52] : memref<10240xf32, #tpu.memory_space<vmem_shared>> -> memref<10240xf32, #tpu.memory_space<vmem_shared>>
        tpu.enqueue_indirect_dma source(%arg18 : memref<512xf32, #tpu.memory_space<vmem>>) target(%dma_start3A_53 : memref<10240xf32, #tpu.memory_space<vmem_shared>>) offsets(%dma_start3A_51 : memref<512xi32, #tpu.memory_space<vmem>>) semaphore(%arg22 : memref<!tpu.dma_semaphore, #tpu.memory_space<semaphore_mem>>) {add = true}
        %add3A_54 = arith.constant 1 : i32
        %add3A_55 = arith.addi %add3A_47, %add3A_54 : i32
        %dma_start3A_56 = arith.constant 0 : i32
        %dma_start3A_57 = tpu.memref_slice %arg9[%add3A_55, %dma_start3A_56] : memref<40x512xi32, #tpu.memory_space<vmem>> -> memref<1x512xi32, #tpu.memory_space<vmem>>
        %dma_start3A_58 = tpu.memref_squeeze %dma_start3A_57 : memref<1x512xi32, #tpu.memory_space<vmem>> -> memref<512xi32, #tpu.memory_space<vmem>>
        %dma_start3A_59 = arith.constant 0 : i32
        %dma_start3A_60 = tpu.memref_slice %arg17[%dma_start3A_59] : memref<10240xf32, #tpu.memory_space<vmem_shared>> -> memref<10240xf32, #tpu.memory_space<vmem_shared>>
        tpu.enqueue_indirect_dma source(%arg18 : memref<512xf32, #tpu.memory_space<vmem>>) target(%dma_start3A_60 : memref<10240xf32, #tpu.memory_space<vmem_shared>>) offsets(%dma_start3A_58 : memref<512xi32, #tpu.memory_space<vmem>>) semaphore(%arg22 : memref<!tpu.dma_semaphore, #tpu.memory_space<semaphore_mem>>) {add = true}
        %add3A_61 = arith.constant 2 : i32
        %add3A_62 = arith.addi %add3A_47, %add3A_61 : i32
        %dma_start3A_63 = arith.constant 0 : i32
        %dma_start3A_64 = tpu.memref_slice %arg9[%add3A_62, %dma_start3A_63] : memref<40x512xi32, #tpu.memory_space<vmem>> -> memref<1x512xi32, #tpu.memory_space<vmem>>
        %dma_start3A_65 = tpu.memref_squeeze %dma_start3A_64 : memref<1x512xi32, #tpu.memory_space<vmem>> -> memref<512xi32, #tpu.memory_space<vmem>>
        %dma_start3A_66 = arith.constant 0 : i32
        %dma_start3A_67 = tpu.memref_slice %arg17[%dma_start3A_66] : memref<10240xf32, #tpu.memory_space<vmem_shared>> -> memref<10240xf32, #tpu.memory_space<vmem_shared>>
        tpu.enqueue_indirect_dma source(%arg18 : memref<512xf32, #tpu.memory_space<vmem>>) target(%dma_start3A_67 : memref<10240xf32, #tpu.memory_space<vmem_shared>>) offsets(%dma_start3A_65 : memref<512xi32, #tpu.memory_space<vmem>>) semaphore(%arg22 : memref<!tpu.dma_semaphore, #tpu.memory_space<semaphore_mem>>) {add = true}
        %add3A_68 = arith.constant 3 : i32
        %add3A_69 = arith.addi %add3A_47, %add3A_68 : i32
        %dma_start3A_70 = arith.constant 0 : i32
        %dma_start3A_71 = tpu.memref_slice %arg9[%add3A_69, %dma_start3A_70] : memref<40x512xi32, #tpu.memory_space<vmem>> -> memref<1x512xi32, #tpu.memory_space<vmem>>
        %dma_start3A_72 = tpu.memref_squeeze %dma_start3A_71 : memref<1x512xi32, #tpu.memory_space<vmem>> -> memref<512xi32, #tpu.memory_space<vmem>>
        %dma_start3A_73 = arith.constant 0 : i32
        %dma_start3A_74 = tpu.memref_slice %arg17[%dma_start3A_73] : memref<10240xf32, #tpu.memory_space<vmem_shared>> -> memref<10240xf32, #tpu.memory_space<vmem_shared>>
        tpu.enqueue_indirect_dma source(%arg18 : memref<512xf32, #tpu.memory_space<vmem>>) target(%dma_start3A_74 : memref<10240xf32, #tpu.memory_space<vmem_shared>>) offsets(%dma_start3A_72 : memref<512xi32, #tpu.memory_space<vmem>>) semaphore(%arg22 : memref<!tpu.dma_semaphore, #tpu.memory_space<semaphore_mem>>) {add = true}
        %add3A_75 = arith.constant 4 : i32
        %add3A_76 = arith.addi %add3A_47, %add3A_75 : i32
        %dma_start3A_77 = arith.constant 0 : i32
        %dma_start3A_78 = tpu.memref_slice %arg9[%add3A_76, %dma_start3A_77] : memref<40x512xi32, #tpu.memory_space<vmem>> -> memref<1x512xi32, #tpu.memory_space<vmem>>
        %dma_start3A_79 = tpu.memref_squeeze %dma_start3A_78 : memref<1x512xi32, #tpu.memory_space<vmem>> -> memref<512xi32, #tpu.memory_space<vmem>>
        %dma_start3A_80 = arith.constant 0 : i32
        %dma_start3A_81 = tpu.memref_slice %arg17[%dma_start3A_80] : memref<10240xf32, #tpu.memory_space<vmem_shared>> -> memref<10240xf32, #tpu.memory_space<vmem_shared>>
        tpu.enqueue_indirect_dma source(%arg18 : memref<512xf32, #tpu.memory_space<vmem>>) target(%dma_start3A_81 : memref<10240xf32, #tpu.memory_space<vmem_shared>>) offsets(%dma_start3A_79 : memref<512xi32, #tpu.memory_space<vmem>>) semaphore(%arg22 : memref<!tpu.dma_semaphore, #tpu.memory_space<semaphore_mem>>) {add = true}
        %add3A_82 = arith.constant 5 : i32
        %add3A_83 = arith.addi %add3A_47, %add3A_82 : i32
        %dma_start3A_84 = arith.constant 0 : i32
        %dma_start3A_85 = tpu.memref_slice %arg9[%add3A_83, %dma_start3A_84] : memref<40x512xi32, #tpu.memory_space<vmem>> -> memref<1x512xi32, #tpu.memory_space<vmem>>
        %dma_start3A_86 = tpu.memref_squeeze %dma_start3A_85 : memref<1x512xi32, #tpu.memory_space<vmem>> -> memref<512xi32, #tpu.memory_space<vmem>>
        %dma_start3A_87 = arith.constant 0 : i32
        %dma_start3A_88 = tpu.memref_slice %arg17[%dma_start3A_87] : memref<10240xf32, #tpu.memory_space<vmem_shared>> -> memref<10240xf32, #tpu.memory_space<vmem_shared>>
        tpu.enqueue_indirect_dma source(%arg18 : memref<512xf32, #tpu.memory_space<vmem>>) target(%dma_start3A_88 : memref<10240xf32, #tpu.memory_space<vmem_shared>>) offsets(%dma_start3A_86 : memref<512xi32, #tpu.memory_space<vmem>>) semaphore(%arg22 : memref<!tpu.dma_semaphore, #tpu.memory_space<semaphore_mem>>) {add = true}
        %add3A_89 = arith.constant 6 : i32
        %add3A_90 = arith.addi %add3A_47, %add3A_89 : i32
        %dma_start3A_91 = arith.constant 0 : i32
        %dma_start3A_92 = tpu.memref_slice %arg9[%add3A_90, %dma_start3A_91] : memref<40x512xi32, #tpu.memory_space<vmem>> -> memref<1x512xi32, #tpu.memory_space<vmem>>
        %dma_start3A_93 = tpu.memref_squeeze %dma_start3A_92 : memref<1x512xi32, #tpu.memory_space<vmem>> -> memref<512xi32, #tpu.memory_space<vmem>>
        %dma_start3A_94 = arith.constant 0 : i32
        %dma_start3A_95 = tpu.memref_slice %arg17[%dma_start3A_94] : memref<10240xf32, #tpu.memory_space<vmem_shared>> -> memref<10240xf32, #tpu.memory_space<vmem_shared>>
        tpu.enqueue_indirect_dma source(%arg18 : memref<512xf32, #tpu.memory_space<vmem>>) target(%dma_start3A_95 : memref<10240xf32, #tpu.memory_space<vmem_shared>>) offsets(%dma_start3A_93 : memref<512xi32, #tpu.memory_space<vmem>>) semaphore(%arg22 : memref<!tpu.dma_semaphore, #tpu.memory_space<semaphore_mem>>) {add = true}
        %add3A_96 = arith.constant 7 : i32
        %add3A_97 = arith.addi %add3A_47, %add3A_96 : i32
        %dma_start3A_98 = arith.constant 0 : i32
        %dma_start3A_99 = tpu.memref_slice %arg9[%add3A_97, %dma_start3A_98] : memref<40x512xi32, #tpu.memory_space<vmem>> -> memref<1x512xi32, #tpu.memory_space<vmem>>
        %dma_start3A_100 = tpu.memref_squeeze %dma_start3A_99 : memref<1x512xi32, #tpu.memory_space<vmem>> -> memref<512xi32, #tpu.memory_space<vmem>>
        %dma_start3A_101 = arith.constant 0 : i32
        %dma_start3A_102 = tpu.memref_slice %arg17[%dma_start3A_101] : memref<10240xf32, #tpu.memory_space<vmem_shared>> -> memref<10240xf32, #tpu.memory_space<vmem_shared>>
        tpu.enqueue_indirect_dma source(%arg18 : memref<512xf32, #tpu.memory_space<vmem>>) target(%dma_start3A_102 : memref<10240xf32, #tpu.memory_space<vmem_shared>>) offsets(%dma_start3A_100 : memref<512xi32, #tpu.memory_space<vmem>>) semaphore(%arg22 : memref<!tpu.dma_semaphore, #tpu.memory_space<semaphore_mem>>) {add = true}
        %add3A_103 = arith.constant 0 : i32
        %add3A_104 = arith.addi %add3A_47, %add3A_103 : i32
        %dma_wait3A = arith.constant 0 : i32
        %dma_wait3A_105 = tpu.memref_slice %arg9[%add3A_104, %dma_wait3A] : memref<40x512xi32, #tpu.memory_space<vmem>> -> memref<1x512xi32, #tpu.memory_space<vmem>>
        %dma_wait3A_106 = tpu.memref_squeeze %dma_wait3A_105 : memref<1x512xi32, #tpu.memory_space<vmem>> -> memref<512xi32, #tpu.memory_space<vmem>>
        %dma_wait3A_107 = arith.constant 0 : i32
        %dma_wait3A_108 = tpu.memref_slice %arg17[%dma_wait3A_107] : memref<10240xf32, #tpu.memory_space<vmem_shared>> -> memref<10240xf32, #tpu.memory_space<vmem_shared>>
        tpu.wait_indirect_dma semaphore(%arg22 : memref<!tpu.dma_semaphore, #tpu.memory_space<semaphore_mem>>) src(%arg18 : memref<512xf32, #tpu.memory_space<vmem>>) dst(%dma_wait3A_108 : memref<10240xf32, #tpu.memory_space<vmem_shared>>)
        %add3A_109 = arith.constant 1 : i32
        %add3A_110 = arith.addi %add3A_47, %add3A_109 : i32
        %dma_wait3A_111 = arith.constant 0 : i32
        %dma_wait3A_112 = tpu.memref_slice %arg9[%add3A_110, %dma_wait3A_111] : memref<40x512xi32, #tpu.memory_space<vmem>> -> memref<1x512xi32, #tpu.memory_space<vmem>>
        %dma_wait3A_113 = tpu.memref_squeeze %dma_wait3A_112 : memref<1x512xi32, #tpu.memory_space<vmem>> -> memref<512xi32, #tpu.memory_space<vmem>>
        %dma_wait3A_114 = arith.constant 0 : i32
        %dma_wait3A_115 = tpu.memref_slice %arg17[%dma_wait3A_114] : memref<10240xf32, #tpu.memory_space<vmem_shared>> -> memref<10240xf32, #tpu.memory_space<vmem_shared>>
        tpu.wait_indirect_dma semaphore(%arg22 : memref<!tpu.dma_semaphore, #tpu.memory_space<semaphore_mem>>) src(%arg18 : memref<512xf32, #tpu.memory_space<vmem>>) dst(%dma_wait3A_115 : memref<10240xf32, #tpu.memory_space<vmem_shared>>)
        %add3A_116 = arith.constant 2 : i32
        %add3A_117 = arith.addi %add3A_47, %add3A_116 : i32
        %dma_wait3A_118 = arith.constant 0 : i32
        %dma_wait3A_119 = tpu.memref_slice %arg9[%add3A_117, %dma_wait3A_118] : memref<40x512xi32, #tpu.memory_space<vmem>> -> memref<1x512xi32, #tpu.memory_space<vmem>>
        %dma_wait3A_120 = tpu.memref_squeeze %dma_wait3A_119 : memref<1x512xi32, #tpu.memory_space<vmem>> -> memref<512xi32, #tpu.memory_space<vmem>>
        %dma_wait3A_121 = arith.constant 0 : i32
        %dma_wait3A_122 = tpu.memref_slice %arg17[%dma_wait3A_121] : memref<10240xf32, #tpu.memory_space<vmem_shared>> -> memref<10240xf32, #tpu.memory_space<vmem_shared>>
        tpu.wait_indirect_dma semaphore(%arg22 : memref<!tpu.dma_semaphore, #tpu.memory_space<semaphore_mem>>) src(%arg18 : memref<512xf32, #tpu.memory_space<vmem>>) dst(%dma_wait3A_122 : memref<10240xf32, #tpu.memory_space<vmem_shared>>)
        %add3A_123 = arith.constant 3 : i32
        %add3A_124 = arith.addi %add3A_47, %add3A_123 : i32
        %dma_wait3A_125 = arith.constant 0 : i32
        %dma_wait3A_126 = tpu.memref_slice %arg9[%add3A_124, %dma_wait3A_125] : memref<40x512xi32, #tpu.memory_space<vmem>> -> memref<1x512xi32, #tpu.memory_space<vmem>>
        %dma_wait3A_127 = tpu.memref_squeeze %dma_wait3A_126 : memref<1x512xi32, #tpu.memory_space<vmem>> -> memref<512xi32, #tpu.memory_space<vmem>>
        %dma_wait3A_128 = arith.constant 0 : i32
        %dma_wait3A_129 = tpu.memref_slice %arg17[%dma_wait3A_128] : memref<10240xf32, #tpu.memory_space<vmem_shared>> -> memref<10240xf32, #tpu.memory_space<vmem_shared>>
        tpu.wait_indirect_dma semaphore(%arg22 : memref<!tpu.dma_semaphore, #tpu.memory_space<semaphore_mem>>) src(%arg18 : memref<512xf32, #tpu.memory_space<vmem>>) dst(%dma_wait3A_129 : memref<10240xf32, #tpu.memory_space<vmem_shared>>)
        %add3A_130 = arith.constant 4 : i32
        %add3A_131 = arith.addi %add3A_47, %add3A_130 : i32
        %dma_wait3A_132 = arith.constant 0 : i32
        %dma_wait3A_133 = tpu.memref_slice %arg9[%add3A_131, %dma_wait3A_132] : memref<40x512xi32, #tpu.memory_space<vmem>> -> memref<1x512xi32, #tpu.memory_space<vmem>>
        %dma_wait3A_134 = tpu.memref_squeeze %dma_wait3A_133 : memref<1x512xi32, #tpu.memory_space<vmem>> -> memref<512xi32, #tpu.memory_space<vmem>>
        %dma_wait3A_135 = arith.constant 0 : i32
        %dma_wait3A_136 = tpu.memref_slice %arg17[%dma_wait3A_135] : memref<10240xf32, #tpu.memory_space<vmem_shared>> -> memref<10240xf32, #tpu.memory_space<vmem_shared>>
        tpu.wait_indirect_dma semaphore(%arg22 : memref<!tpu.dma_semaphore, #tpu.memory_space<semaphore_mem>>) src(%arg18 : memref<512xf32, #tpu.memory_space<vmem>>) dst(%dma_wait3A_136 : memref<10240xf32, #tpu.memory_space<vmem_shared>>)
        %add3A_137 = arith.constant 5 : i32
        %add3A_138 = arith.addi %add3A_47, %add3A_137 : i32
        %dma_wait3A_139 = arith.constant 0 : i32
        %dma_wait3A_140 = tpu.memref_slice %arg9[%add3A_138, %dma_wait3A_139] : memref<40x512xi32, #tpu.memory_space<vmem>> -> memref<1x512xi32, #tpu.memory_space<vmem>>
        %dma_wait3A_141 = tpu.memref_squeeze %dma_wait3A_140 : memref<1x512xi32, #tpu.memory_space<vmem>> -> memref<512xi32, #tpu.memory_space<vmem>>
        %dma_wait3A_142 = arith.constant 0 : i32
        %dma_wait3A_143 = tpu.memref_slice %arg17[%dma_wait3A_142] : memref<10240xf32, #tpu.memory_space<vmem_shared>> -> memref<10240xf32, #tpu.memory_space<vmem_shared>>
        tpu.wait_indirect_dma semaphore(%arg22 : memref<!tpu.dma_semaphore, #tpu.memory_space<semaphore_mem>>) src(%arg18 : memref<512xf32, #tpu.memory_space<vmem>>) dst(%dma_wait3A_143 : memref<10240xf32, #tpu.memory_space<vmem_shared>>)
        %add3A_144 = arith.constant 6 : i32
        %add3A_145 = arith.addi %add3A_47, %add3A_144 : i32
        %dma_wait3A_146 = arith.constant 0 : i32
        %dma_wait3A_147 = tpu.memref_slice %arg9[%add3A_145, %dma_wait3A_146] : memref<40x512xi32, #tpu.memory_space<vmem>> -> memref<1x512xi32, #tpu.memory_space<vmem>>
        %dma_wait3A_148 = tpu.memref_squeeze %dma_wait3A_147 : memref<1x512xi32, #tpu.memory_space<vmem>> -> memref<512xi32, #tpu.memory_space<vmem>>
        %dma_wait3A_149 = arith.constant 0 : i32
        %dma_wait3A_150 = tpu.memref_slice %arg17[%dma_wait3A_149] : memref<10240xf32, #tpu.memory_space<vmem_shared>> -> memref<10240xf32, #tpu.memory_space<vmem_shared>>
        tpu.wait_indirect_dma semaphore(%arg22 : memref<!tpu.dma_semaphore, #tpu.memory_space<semaphore_mem>>) src(%arg18 : memref<512xf32, #tpu.memory_space<vmem>>) dst(%dma_wait3A_150 : memref<10240xf32, #tpu.memory_space<vmem_shared>>)
        %add3A_151 = arith.constant 7 : i32
        %add3A_152 = arith.addi %add3A_47, %add3A_151 : i32
        %dma_wait3A_153 = arith.constant 0 : i32
        %dma_wait3A_154 = tpu.memref_slice %arg9[%add3A_152, %dma_wait3A_153] : memref<40x512xi32, #tpu.memory_space<vmem>> -> memref<1x512xi32, #tpu.memory_space<vmem>>
        %dma_wait3A_155 = tpu.memref_squeeze %dma_wait3A_154 : memref<1x512xi32, #tpu.memory_space<vmem>> -> memref<512xi32, #tpu.memory_space<vmem>>
        %dma_wait3A_156 = arith.constant 0 : i32
        %dma_wait3A_157 = tpu.memref_slice %arg17[%dma_wait3A_156] : memref<10240xf32, #tpu.memory_space<vmem_shared>> -> memref<10240xf32, #tpu.memory_space<vmem_shared>>
        tpu.wait_indirect_dma semaphore(%arg22 : memref<!tpu.dma_semaphore, #tpu.memory_space<semaphore_mem>>) src(%arg18 : memref<512xf32, #tpu.memory_space<vmem>>) dst(%dma_wait3A_157 : memref<10240xf32, #tpu.memory_space<vmem_shared>>)
      }
      %scan3A_26 = arith.constant 5 : i32
      %barrier3A_27 = arith.constant 0 : index
      tpu.barrier barrier_id(%barrier3A_27)
      "tpu.region"() ({
        %run_scoped3A = tpu.sem_alloc : memref<!tpu.dma_semaphore, #tpu.memory_space<semaphore_mem>>
        %dma_start3A = tpu.memref_slice %arg17[%mul3A_2] : memref<10240xf32, #tpu.memory_space<vmem_shared>> -> memref<640xf32, #tpu.memory_space<vmem_shared>>
        %dma_start3A_44 = tpu.memref_slice %arg17[%mul3A_2] : memref<10240xf32, #tpu.memory_space<vmem_shared>> -> memref<640xf32, #tpu.memory_space<vmem_shared>>
        tpu.enqueue_dma source(%dma_start3A_44 : memref<640xf32, #tpu.memory_space<vmem_shared>>) target(%arg19 : memref<640xf32, #tpu.memory_space<vmem>>) target_semaphore(%run_scoped3A : memref<!tpu.dma_semaphore, #tpu.memory_space<semaphore_mem>>)
        %dma_wait3A = tpu.memref_slice %arg17[%mul3A_2] : memref<10240xf32, #tpu.memory_space<vmem_shared>> -> memref<640xf32, #tpu.memory_space<vmem_shared>>
        %dma_wait3A_45 = tpu.memref_slice %arg17[%mul3A_2] : memref<10240xf32, #tpu.memory_space<vmem_shared>> -> memref<640xf32, #tpu.memory_space<vmem_shared>>
        tpu.wait_dma2 semaphore(%run_scoped3A : memref<!tpu.dma_semaphore, #tpu.memory_space<semaphore_mem>>) src(%dma_wait3A_45 : memref<640xf32, #tpu.memory_space<vmem_shared>>) dst(%arg19 : memref<640xf32, #tpu.memory_space<vmem>>)
        tpu.yield
      }) : () -> ()
      "tpu.region"() ({
        %run_scoped3A = tpu.sem_alloc : memref<!tpu.dma_semaphore, #tpu.memory_space<semaphore_mem>>
        %dma_start3A = arith.constant 0 : i32
        %dma_start3A_44 = tpu.memref_slice %arg2[%mul3A_2, %dma_start3A] : memref<10240x16xf32, #tpu.memory_space<hbm>> -> memref<640x16xf32, #tpu.memory_space<hbm>>
        %dma_start3A_45 = arith.constant 0 : i32
        %dma_start3A_46 = tpu.memref_slice %arg2[%mul3A_2, %dma_start3A_45] : memref<10240x16xf32, #tpu.memory_space<hbm>> -> memref<640x16xf32, #tpu.memory_space<hbm>>
        tpu.enqueue_dma source(%dma_start3A_46 : memref<640x16xf32, #tpu.memory_space<hbm>>) target(%arg11 : memref<640x16xf32, #tpu.memory_space<vmem>>) target_semaphore(%run_scoped3A : memref<!tpu.dma_semaphore, #tpu.memory_space<semaphore_mem>>)
        %dma_wait3A = arith.constant 0 : i32
        %dma_wait3A_47 = tpu.memref_slice %arg2[%mul3A_2, %dma_wait3A] : memref<10240x16xf32, #tpu.memory_space<hbm>> -> memref<640x16xf32, #tpu.memory_space<hbm>>
        %dma_wait3A_48 = arith.constant 0 : i32
        %dma_wait3A_49 = tpu.memref_slice %arg2[%mul3A_2, %dma_wait3A_48] : memref<10240x16xf32, #tpu.memory_space<hbm>> -> memref<640x16xf32, #tpu.memory_space<hbm>>
        tpu.wait_dma2 semaphore(%run_scoped3A : memref<!tpu.dma_semaphore, #tpu.memory_space<semaphore_mem>>) src(%dma_wait3A_49 : memref<640x16xf32, #tpu.memory_space<hbm>>) dst(%arg11 : memref<640x16xf32, #tpu.memory_space<vmem>>)
        tpu.yield
      }) : () -> ()
      %scan3A_28 = arith.constant 0 : i32
      %scan3A_29 = arith.constant 40 : i32
      %scan3A_30 = arith.addi %scan3A_28, %scan3A_29 : i32
      %scan3A_31 = arith.constant 1 : i32
      scf.for %scan3A_44 = %scan3A_28 to %scan3A_30 step %scan3A_31  : i32 {
        %mul3A_45 = arith.constant 1 : i32
        %mul3A_46 = arith.muli %scan3A_44, %mul3A_45 : i32
        %add3A = arith.constant 0 : i32
        %add3A_47 = arith.addi %add3A, %mul3A_46 : i32
        %mul3A_48 = arith.constant 16 : i32
        %mul3A_49 = arith.muli %add3A_47, %mul3A_48 : i32
        %get3A = arith.index_cast %mul3A_49 : i32 to index
        %get3A_50 = tpu.vector_load %arg19[%get3A] {strides = array<i32>} : memref<640xf32, #tpu.memory_space<vmem>>, vector<16xf32>,
        %add3A_51 = arith.constant 1.000000e+00 : f32
        %add3A_52 = vector.broadcast %add3A_51 : f32 to vector<16xf32>
        %add3A_53 = arith.addf %get3A_50, %add3A_52 : vector<16xf32>
        %bitcast3A = vector.bitcast %add3A_53 : vector<16xf32> to vector<16xi32>
        %shift_right_arithmetic3A = arith.constant 1 : i32
        %shift_right_arithmetic3A_54 = vector.broadcast %shift_right_arithmetic3A : i32 to vector<16xi32>
        %shift_right_arithmetic3A_55 = arith.shrsi %bitcast3A, %shift_right_arithmetic3A_54 : vector<16xi32>
        %broadcast_in_dim3A = arith.constant 1597463007 : i32
        %broadcast_in_dim3A_56 = vector.broadcast %broadcast_in_dim3A : i32 to vector<16xi32>
        %sub3A = arith.subi %broadcast_in_dim3A_56, %shift_right_arithmetic3A_55 : vector<16xi32>
        %bitcast3A_57 = vector.bitcast %sub3A : vector<16xi32> to vector<16xf32>
        %mul3A_58 = arith.constant 5.000000e-01 : f32
        %mul3A_59 = vector.broadcast %mul3A_58 : f32 to vector<16xf32>
        %mul3A_60 = arith.mulf %mul3A_59, %add3A_53 : vector<16xf32>
        %mul3A_61 = arith.mulf %mul3A_60, %bitcast3A_57 : vector<16xf32>
        %mul3A_62 = arith.mulf %mul3A_61, %bitcast3A_57 : vector<16xf32>
        %sub3A_63 = arith.constant 1.500000e+00 : f32
        %sub3A_64 = vector.broadcast %sub3A_63 : f32 to vector<16xf32>
        %sub3A_65 = arith.subf %sub3A_64, %mul3A_62 : vector<16xf32>
        %mul3A_66 = arith.mulf %bitcast3A_57, %sub3A_65 : vector<16xf32>
        %mul3A_67 = arith.constant 5.000000e-01 : f32
        %mul3A_68 = vector.broadcast %mul3A_67 : f32 to vector<16xf32>
        %mul3A_69 = arith.mulf %mul3A_68, %add3A_53 : vector<16xf32>
        %mul3A_70 = arith.mulf %mul3A_69, %mul3A_66 : vector<16xf32>
        %mul3A_71 = arith.mulf %mul3A_70, %mul3A_66 : vector<16xf32>
        %sub3A_72 = arith.constant 1.500000e+00 : f32
        %sub3A_73 = vector.broadcast %sub3A_72 : f32 to vector<16xf32>
        %sub3A_74 = arith.subf %sub3A_73, %mul3A_71 : vector<16xf32>
        %mul3A_75 = arith.mulf %mul3A_66, %sub3A_74 : vector<16xf32>
        %mul3A_76 = arith.constant 5.000000e-01 : f32
        %mul3A_77 = vector.broadcast %mul3A_76 : f32 to vector<16xf32>
        %mul3A_78 = arith.mulf %mul3A_77, %add3A_53 : vector<16xf32>
        %mul3A_79 = arith.mulf %mul3A_78, %mul3A_75 : vector<16xf32>
        %mul3A_80 = arith.mulf %mul3A_79, %mul3A_75 : vector<16xf32>
        %sub3A_81 = arith.constant 1.500000e+00 : f32
        %sub3A_82 = vector.broadcast %sub3A_81 : f32 to vector<16xf32>
        %sub3A_83 = arith.subf %sub3A_82, %mul3A_80 : vector<16xf32>
        %mul3A_84 = arith.mulf %mul3A_75, %sub3A_83 : vector<16xf32>
        %iota3A = tpu.iota {dimensions = array<i32: 0>} : vector<16xi32>
        %eq3A_85 = arith.constant 0 : i32
        %eq3A_86 = vector.broadcast %eq3A_85 : i32 to vector<16xi32>
        %eq3A_87 = arith.cmpi eq, %iota3A, %eq3A_86 : vector<16xi32>
        %jit3A = arith.constant 1.000000e+00 : f32
        %jit3A_88 = arith.constant 0.000000e+00 : f32
        %broadcast_in_dim3A_89 = vector.broadcast %jit3A : f32 to vector<16xf32>
        %broadcast_in_dim3A_90 = vector.broadcast %jit3A_88 : f32 to vector<16xf32>
        %select_n3A = arith.select %eq3A_87, %broadcast_in_dim3A_89, %broadcast_in_dim3A_90 : vector<16xi1>, vector<16xf32>
        %mul3A_91 = arith.mulf %mul3A_84, %select_n3A : vector<16xf32>
        %reduce_sum3A = arith.constant true
        %reduce_sum3A_92 = vector.broadcast %reduce_sum3A : i1 to vector<16xi1>
        %reduce_sum3A_93 = tpu.scan <sum>, %mul3A_91 masked %reduce_sum3A_92 : vector<16xf32>, vector<16xi1> -> vector<16xf32>
        %reduce_sum3A_94 = vector.extract %reduce_sum3A_93[15] : f32 from vector<16xf32>
        %mul3A_95 = arith.constant 16 : i32
        %mul3A_96 = arith.muli %add3A_47, %mul3A_95 : i32
        %add3A_97 = arith.constant 0 : i32
        %add3A_98 = arith.addi %mul3A_96, %add3A_97 : i32
        %get3A_99 = arith.index_cast %add3A_98 : i32 to index
        %get3A_100 = arith.constant 0 : index
        %get3A_101 = tpu.vector_load %arg11[%get3A_99, %get3A_100] {strides = array<i32>} : memref<640x16xf32, #tpu.memory_space<vmem>>, vector<16xf32>,
        %broadcast_in_dim3A_102 = arith.constant 1.000000e+00 : f32
        %broadcast_in_dim3A_103 = vector.broadcast %broadcast_in_dim3A_102 : f32 to vector<16xf32>
        %mul3A_104 = vector.broadcast %reduce_sum3A_94 : f32 to vector<16xf32>
        %mul3A_105 = arith.mulf %broadcast_in_dim3A_103, %mul3A_104 : vector<16xf32>
        %swap3A = arith.index_cast %add3A_98 : i32 to index
        %swap3A_106 = arith.constant 0 : index
        %swap3A_107 = tpu.vector_load %arg16[%swap3A, %swap3A_106] {strides = array<i32>} : memref<640x16xf32, #tpu.memory_space<vmem>>, vector<16xf32>,
        tpu.vector_store %arg16[%swap3A, %swap3A_106], %mul3A_105 {strides = array<i32>} : memref<640x16xf32, #tpu.memory_space<vmem>>, vector<16xf32>,
        %get3A_108 = arith.index_cast %add3A_98 : i32 to index
        %get3A_109 = arith.constant 0 : index
        %get3A_110 = tpu.vector_load %arg16[%get3A_108, %get3A_109] {strides = array<i32>} : memref<640x16xf32, #tpu.memory_space<vmem>>, vector<16xf32>,
        %mul3A_111 = arith.constant 0.899999976 : f32
        %mul3A_112 = arith.mulf %mul3A_111, %reduce_sum3A_94 : f32
        %mul3A_113 = vector.broadcast %mul3A_112 : f32 to vector<16xf32>
        %mul3A_114 = arith.mulf %get3A_110, %mul3A_113 : vector<16xf32>
        %swap3A_115 = arith.index_cast %add3A_98 : i32 to index
        %swap3A_116 = arith.constant 0 : index
        %swap3A_117 = tpu.vector_load %arg14[%swap3A_115, %swap3A_116] {strides = array<i32>} : memref<640x16xf32, #tpu.memory_space<vmem>>, vector<16xf32>,
        tpu.vector_store %arg14[%swap3A_115, %swap3A_116], %mul3A_114 {strides = array<i32>} : memref<640x16xf32, #tpu.memory_space<vmem>>, vector<16xf32>,
        %mul3A_118 = arith.constant 1.000000e-01 : f32
        %mul3A_119 = arith.mulf %mul3A_118, %reduce_sum3A_94 : f32
        %mul3A_120 = vector.broadcast %mul3A_119 : f32 to vector<16xf32>
        %mul3A_121 = arith.mulf %mul3A_120, %get3A_101 : vector<16xf32>
        %swap3A_122 = arith.index_cast %add3A_98 : i32 to index
        %swap3A_123 = arith.constant 0 : index
        %swap3A_124 = tpu.vector_load %arg15[%swap3A_122, %swap3A_123] {strides = array<i32>} : memref<640x16xf32, #tpu.memory_space<vmem>>, vector<16xf32>,
        tpu.vector_store %arg15[%swap3A_122, %swap3A_123], %mul3A_121 {strides = array<i32>} : memref<640x16xf32, #tpu.memory_space<vmem>>, vector<16xf32>,
        %mul3A_125 = vector.broadcast %reduce_sum3A_94 : f32 to vector<16xf32>
        %mul3A_126 = arith.mulf %mul3A_125, %get3A_101 : vector<16xf32>
        %swap3A_127 = arith.index_cast %add3A_98 : i32 to index
        %swap3A_128 = arith.constant 0 : index
        %swap3A_129 = tpu.vector_load %arg13[%swap3A_127, %swap3A_128] {strides = array<i32>} : memref<640x16xf32, #tpu.memory_space<vmem>>, vector<16xf32>,
        tpu.vector_store %arg13[%swap3A_127, %swap3A_128], %mul3A_126 {strides = array<i32>} : memref<640x16xf32, #tpu.memory_space<vmem>>, vector<16xf32>,
        %eq3A_130 = arith.constant 1 : i32
        %eq3A_131 = vector.broadcast %eq3A_130 : i32 to vector<16xi32>
        %eq3A_132 = arith.cmpi eq, %iota3A, %eq3A_131 : vector<16xi32>
        %jit3A_133 = arith.constant 1.000000e+00 : f32
        %jit3A_134 = arith.constant 0.000000e+00 : f32
        %broadcast_in_dim3A_135 = vector.broadcast %jit3A_133 : f32 to vector<16xf32>
        %broadcast_in_dim3A_136 = vector.broadcast %jit3A_134 : f32 to vector<16xf32>
        %select_n3A_137 = arith.select %eq3A_132, %broadcast_in_dim3A_135, %broadcast_in_dim3A_136 : vector<16xi1>, vector<16xf32>
        %mul3A_138 = arith.mulf %mul3A_84, %select_n3A_137 : vector<16xf32>
        %reduce_sum3A_139 = arith.constant true
        %reduce_sum3A_140 = vector.broadcast %reduce_sum3A_139 : i1 to vector<16xi1>
        %reduce_sum3A_141 = tpu.scan <sum>, %mul3A_138 masked %reduce_sum3A_140 : vector<16xf32>, vector<16xi1> -> vector<16xf32>
        %reduce_sum3A_142 = vector.extract %reduce_sum3A_141[15] : f32 from vector<16xf32>
        %mul3A_143 = arith.constant 16 : i32
        %mul3A_144 = arith.muli %add3A_47, %mul3A_143 : i32
        %add3A_145 = arith.constant 1 : i32
        %add3A_146 = arith.addi %mul3A_144, %add3A_145 : i32
        %get3A_147 = arith.index_cast %add3A_146 : i32 to index
        %get3A_148 = arith.constant 0 : index
        %get3A_149 = tpu.vector_load %arg11[%get3A_147, %get3A_148] {strides = array<i32>} : memref<640x16xf32, #tpu.memory_space<vmem>>, vector<16xf32>,
        %broadcast_in_dim3A_150 = arith.constant 1.000000e+00 : f32
        %broadcast_in_dim3A_151 = vector.broadcast %broadcast_in_dim3A_150 : f32 to vector<16xf32>
        %mul3A_152 = vector.broadcast %reduce_sum3A_142 : f32 to vector<16xf32>
        %mul3A_153 = arith.mulf %broadcast_in_dim3A_151, %mul3A_152 : vector<16xf32>
        %swap3A_154 = arith.index_cast %add3A_146 : i32 to index
        %swap3A_155 = arith.constant 0 : index
        %swap3A_156 = tpu.vector_load %arg16[%swap3A_154, %swap3A_155] {strides = array<i32>} : memref<640x16xf32, #tpu.memory_space<vmem>>, vector<16xf32>,
        tpu.vector_store %arg16[%swap3A_154, %swap3A_155], %mul3A_153 {strides = array<i32>} : memref<640x16xf32, #tpu.memory_space<vmem>>, vector<16xf32>,
        %get3A_157 = arith.index_cast %add3A_146 : i32 to index
        %get3A_158 = arith.constant 0 : index
        %get3A_159 = tpu.vector_load %arg16[%get3A_157, %get3A_158] {strides = array<i32>} : memref<640x16xf32, #tpu.memory_space<vmem>>, vector<16xf32>,
        %mul3A_160 = arith.constant 0.899999976 : f32
        %mul3A_161 = arith.mulf %mul3A_160, %reduce_sum3A_142 : f32
        %mul3A_162 = vector.broadcast %mul3A_161 : f32 to vector<16xf32>
        %mul3A_163 = arith.mulf %get3A_159, %mul3A_162 : vector<16xf32>
        %swap3A_164 = arith.index_cast %add3A_146 : i32 to index
        %swap3A_165 = arith.constant 0 : index
        %swap3A_166 = tpu.vector_load %arg14[%swap3A_164, %swap3A_165] {strides = array<i32>} : memref<640x16xf32, #tpu.memory_space<vmem>>, vector<16xf32>,
        tpu.vector_store %arg14[%swap3A_164, %swap3A_165], %mul3A_163 {strides = array<i32>} : memref<640x16xf32, #tpu.memory_space<vmem>>, vector<16xf32>,
        %mul3A_167 = arith.constant 1.000000e-01 : f32
        %mul3A_168 = arith.mulf %mul3A_167, %reduce_sum3A_142 : f32
        %mul3A_169 = vector.broadcast %mul3A_168 : f32 to vector<16xf32>
        %mul3A_170 = arith.mulf %mul3A_169, %get3A_149 : vector<16xf32>
        %swap3A_171 = arith.index_cast %add3A_146 : i32 to index
        %swap3A_172 = arith.constant 0 : index
        %swap3A_173 = tpu.vector_load %arg15[%swap3A_171, %swap3A_172] {strides = array<i32>} : memref<640x16xf32, #tpu.memory_space<vmem>>, vector<16xf32>,
        tpu.vector_store %arg15[%swap3A_171, %swap3A_172], %mul3A_170 {strides = array<i32>} : memref<640x16xf32, #tpu.memory_space<vmem>>, vector<16xf32>,
        %mul3A_174 = vector.broadcast %reduce_sum3A_142 : f32 to vector<16xf32>
        %mul3A_175 = arith.mulf %mul3A_174, %get3A_149 : vector<16xf32>
        %swap3A_176 = arith.index_cast %add3A_146 : i32 to index
        %swap3A_177 = arith.constant 0 : index
        %swap3A_178 = tpu.vector_load %arg13[%swap3A_176, %swap3A_177] {strides = array<i32>} : memref<640x16xf32, #tpu.memory_space<vmem>>, vector<16xf32>,
        tpu.vector_store %arg13[%swap3A_176, %swap3A_177], %mul3A_175 {strides = array<i32>} : memref<640x16xf32, #tpu.memory_space<vmem>>, vector<16xf32>,
        %eq3A_179 = arith.constant 2 : i32
        %eq3A_180 = vector.broadcast %eq3A_179 : i32 to vector<16xi32>
        %eq3A_181 = arith.cmpi eq, %iota3A, %eq3A_180 : vector<16xi32>
        %jit3A_182 = arith.constant 1.000000e+00 : f32
        %jit3A_183 = arith.constant 0.000000e+00 : f32
        %broadcast_in_dim3A_184 = vector.broadcast %jit3A_182 : f32 to vector<16xf32>
        %broadcast_in_dim3A_185 = vector.broadcast %jit3A_183 : f32 to vector<16xf32>
        %select_n3A_186 = arith.select %eq3A_181, %broadcast_in_dim3A_184, %broadcast_in_dim3A_185 : vector<16xi1>, vector<16xf32>
        %mul3A_187 = arith.mulf %mul3A_84, %select_n3A_186 : vector<16xf32>
        %reduce_sum3A_188 = arith.constant true
        %reduce_sum3A_189 = vector.broadcast %reduce_sum3A_188 : i1 to vector<16xi1>
        %reduce_sum3A_190 = tpu.scan <sum>, %mul3A_187 masked %reduce_sum3A_189 : vector<16xf32>, vector<16xi1> -> vector<16xf32>
        %reduce_sum3A_191 = vector.extract %reduce_sum3A_190[15] : f32 from vector<16xf32>
        %mul3A_192 = arith.constant 16 : i32
        %mul3A_193 = arith.muli %add3A_47, %mul3A_192 : i32
        %add3A_194 = arith.constant 2 : i32
        %add3A_195 = arith.addi %mul3A_193, %add3A_194 : i32
        %get3A_196 = arith.index_cast %add3A_195 : i32 to index
        %get3A_197 = arith.constant 0 : index
        %get3A_198 = tpu.vector_load %arg11[%get3A_196, %get3A_197] {strides = array<i32>} : memref<640x16xf32, #tpu.memory_space<vmem>>, vector<16xf32>,
        %broadcast_in_dim3A_199 = arith.constant 1.000000e+00 : f32
        %broadcast_in_dim3A_200 = vector.broadcast %broadcast_in_dim3A_199 : f32 to vector<16xf32>
        %mul3A_201 = vector.broadcast %reduce_sum3A_191 : f32 to vector<16xf32>
        %mul3A_202 = arith.mulf %broadcast_in_dim3A_200, %mul3A_201 : vector<16xf32>
        %swap3A_203 = arith.index_cast %add3A_195 : i32 to index
        %swap3A_204 = arith.constant 0 : index
        %swap3A_205 = tpu.vector_load %arg16[%swap3A_203, %swap3A_204] {strides = array<i32>} : memref<640x16xf32, #tpu.memory_space<vmem>>, vector<16xf32>,
        tpu.vector_store %arg16[%swap3A_203, %swap3A_204], %mul3A_202 {strides = array<i32>} : memref<640x16xf32, #tpu.memory_space<vmem>>, vector<16xf32>,
        %get3A_206 = arith.index_cast %add3A_195 : i32 to index
        %get3A_207 = arith.constant 0 : index
        %get3A_208 = tpu.vector_load %arg16[%get3A_206, %get3A_207] {strides = array<i32>} : memref<640x16xf32, #tpu.memory_space<vmem>>, vector<16xf32>,
        %mul3A_209 = arith.constant 0.899999976 : f32
        %mul3A_210 = arith.mulf %mul3A_209, %reduce_sum3A_191 : f32
        %mul3A_211 = vector.broadcast %mul3A_210 : f32 to vector<16xf32>
        %mul3A_212 = arith.mulf %get3A_208, %mul3A_211 : vector<16xf32>
        %swap3A_213 = arith.index_cast %add3A_195 : i32 to index
        %swap3A_214 = arith.constant 0 : index
        %swap3A_215 = tpu.vector_load %arg14[%swap3A_213, %swap3A_214] {strides = array<i32>} : memref<640x16xf32, #tpu.memory_space<vmem>>, vector<16xf32>,
        tpu.vector_store %arg14[%swap3A_213, %swap3A_214], %mul3A_212 {strides = array<i32>} : memref<640x16xf32, #tpu.memory_space<vmem>>, vector<16xf32>,
        %mul3A_216 = arith.constant 1.000000e-01 : f32
        %mul3A_217 = arith.mulf %mul3A_216, %reduce_sum3A_191 : f32
        %mul3A_218 = vector.broadcast %mul3A_217 : f32 to vector<16xf32>
        %mul3A_219 = arith.mulf %mul3A_218, %get3A_198 : vector<16xf32>
        %swap3A_220 = arith.index_cast %add3A_195 : i32 to index
        %swap3A_221 = arith.constant 0 : index
        %swap3A_222 = tpu.vector_load %arg15[%swap3A_220, %swap3A_221] {strides = array<i32>} : memref<640x16xf32, #tpu.memory_space<vmem>>, vector<16xf32>,
        tpu.vector_store %arg15[%swap3A_220, %swap3A_221], %mul3A_219 {strides = array<i32>} : memref<640x16xf32, #tpu.memory_space<vmem>>, vector<16xf32>,
        %mul3A_223 = vector.broadcast %reduce_sum3A_191 : f32 to vector<16xf32>
        %mul3A_224 = arith.mulf %mul3A_223, %get3A_198 : vector<16xf32>
        %swap3A_225 = arith.index_cast %add3A_195 : i32 to index
        %swap3A_226 = arith.constant 0 : index
        %swap3A_227 = tpu.vector_load %arg13[%swap3A_225, %swap3A_226] {strides = array<i32>} : memref<640x16xf32, #tpu.memory_space<vmem>>, vector<16xf32>,
        tpu.vector_store %arg13[%swap3A_225, %swap3A_226], %mul3A_224 {strides = array<i32>} : memref<640x16xf32, #tpu.memory_space<vmem>>, vector<16xf32>,
        %eq3A_228 = arith.constant 3 : i32
        %eq3A_229 = vector.broadcast %eq3A_228 : i32 to vector<16xi32>
        %eq3A_230 = arith.cmpi eq, %iota3A, %eq3A_229 : vector<16xi32>
        %jit3A_231 = arith.constant 1.000000e+00 : f32
        %jit3A_232 = arith.constant 0.000000e+00 : f32
        %broadcast_in_dim3A_233 = vector.broadcast %jit3A_231 : f32 to vector<16xf32>
        %broadcast_in_dim3A_234 = vector.broadcast %jit3A_232 : f32 to vector<16xf32>
        %select_n3A_235 = arith.select %eq3A_230, %broadcast_in_dim3A_233, %broadcast_in_dim3A_234 : vector<16xi1>, vector<16xf32>
        %mul3A_236 = arith.mulf %mul3A_84, %select_n3A_235 : vector<16xf32>
        %reduce_sum3A_237 = arith.constant true
        %reduce_sum3A_238 = vector.broadcast %reduce_sum3A_237 : i1 to vector<16xi1>
        %reduce_sum3A_239 = tpu.scan <sum>, %mul3A_236 masked %reduce_sum3A_238 : vector<16xf32>, vector<16xi1> -> vector<16xf32>
        %reduce_sum3A_240 = vector.extract %reduce_sum3A_239[15] : f32 from vector<16xf32>
        %mul3A_241 = arith.constant 16 : i32
        %mul3A_242 = arith.muli %add3A_47, %mul3A_241 : i32
        %add3A_243 = arith.constant 3 : i32
        %add3A_244 = arith.addi %mul3A_242, %add3A_243 : i32
        %get3A_245 = arith.index_cast %add3A_244 : i32 to index
        %get3A_246 = arith.constant 0 : index
        %get3A_247 = tpu.vector_load %arg11[%get3A_245, %get3A_246] {strides = array<i32>} : memref<640x16xf32, #tpu.memory_space<vmem>>, vector<16xf32>,
        %broadcast_in_dim3A_248 = arith.constant 1.000000e+00 : f32
        %broadcast_in_dim3A_249 = vector.broadcast %broadcast_in_dim3A_248 : f32 to vector<16xf32>
        %mul3A_250 = vector.broadcast %reduce_sum3A_240 : f32 to vector<16xf32>
        %mul3A_251 = arith.mulf %broadcast_in_dim3A_249, %mul3A_250 : vector<16xf32>
        %swap3A_252 = arith.index_cast %add3A_244 : i32 to index
        %swap3A_253 = arith.constant 0 : index
        %swap3A_254 = tpu.vector_load %arg16[%swap3A_252, %swap3A_253] {strides = array<i32>} : memref<640x16xf32, #tpu.memory_space<vmem>>, vector<16xf32>,
        tpu.vector_store %arg16[%swap3A_252, %swap3A_253], %mul3A_251 {strides = array<i32>} : memref<640x16xf32, #tpu.memory_space<vmem>>, vector<16xf32>,
        %get3A_255 = arith.index_cast %add3A_244 : i32 to index
        %get3A_256 = arith.constant 0 : index
        %get3A_257 = tpu.vector_load %arg16[%get3A_255, %get3A_256] {strides = array<i32>} : memref<640x16xf32, #tpu.memory_space<vmem>>, vector<16xf32>,
        %mul3A_258 = arith.constant 0.899999976 : f32
        %mul3A_259 = arith.mulf %mul3A_258, %reduce_sum3A_240 : f32
        %mul3A_260 = vector.broadcast %mul3A_259 : f32 to vector<16xf32>
        %mul3A_261 = arith.mulf %get3A_257, %mul3A_260 : vector<16xf32>
        %swap3A_262 = arith.index_cast %add3A_244 : i32 to index
        %swap3A_263 = arith.constant 0 : index
        %swap3A_264 = tpu.vector_load %arg14[%swap3A_262, %swap3A_263] {strides = array<i32>} : memref<640x16xf32, #tpu.memory_space<vmem>>, vector<16xf32>,
        tpu.vector_store %arg14[%swap3A_262, %swap3A_263], %mul3A_261 {strides = array<i32>} : memref<640x16xf32, #tpu.memory_space<vmem>>, vector<16xf32>,
        %mul3A_265 = arith.constant 1.000000e-01 : f32
        %mul3A_266 = arith.mulf %mul3A_265, %reduce_sum3A_240 : f32
        %mul3A_267 = vector.broadcast %mul3A_266 : f32 to vector<16xf32>
        %mul3A_268 = arith.mulf %mul3A_267, %get3A_247 : vector<16xf32>
        %swap3A_269 = arith.index_cast %add3A_244 : i32 to index
        %swap3A_270 = arith.constant 0 : index
        %swap3A_271 = tpu.vector_load %arg15[%swap3A_269, %swap3A_270] {strides = array<i32>} : memref<640x16xf32, #tpu.memory_space<vmem>>, vector<16xf32>,
        tpu.vector_store %arg15[%swap3A_269, %swap3A_270], %mul3A_268 {strides = array<i32>} : memref<640x16xf32, #tpu.memory_space<vmem>>, vector<16xf32>,
        %mul3A_272 = vector.broadcast %reduce_sum3A_240 : f32 to vector<16xf32>
        %mul3A_273 = arith.mulf %mul3A_272, %get3A_247 : vector<16xf32>
        %swap3A_274 = arith.index_cast %add3A_244 : i32 to index
        %swap3A_275 = arith.constant 0 : index
        %swap3A_276 = tpu.vector_load %arg13[%swap3A_274, %swap3A_275] {strides = array<i32>} : memref<640x16xf32, #tpu.memory_space<vmem>>, vector<16xf32>,
        tpu.vector_store %arg13[%swap3A_274, %swap3A_275], %mul3A_273 {strides = array<i32>} : memref<640x16xf32, #tpu.memory_space<vmem>>, vector<16xf32>,
        %eq3A_277 = arith.constant 4 : i32
        %eq3A_278 = vector.broadcast %eq3A_277 : i32 to vector<16xi32>
        %eq3A_279 = arith.cmpi eq, %iota3A, %eq3A_278 : vector<16xi32>
        %jit3A_280 = arith.constant 1.000000e+00 : f32
        %jit3A_281 = arith.constant 0.000000e+00 : f32
        %broadcast_in_dim3A_282 = vector.broadcast %jit3A_280 : f32 to vector<16xf32>
        %broadcast_in_dim3A_283 = vector.broadcast %jit3A_281 : f32 to vector<16xf32>
        %select_n3A_284 = arith.select %eq3A_279, %broadcast_in_dim3A_282, %broadcast_in_dim3A_283 : vector<16xi1>, vector<16xf32>
        %mul3A_285 = arith.mulf %mul3A_84, %select_n3A_284 : vector<16xf32>
        %reduce_sum3A_286 = arith.constant true
        %reduce_sum3A_287 = vector.broadcast %reduce_sum3A_286 : i1 to vector<16xi1>
        %reduce_sum3A_288 = tpu.scan <sum>, %mul3A_285 masked %reduce_sum3A_287 : vector<16xf32>, vector<16xi1> -> vector<16xf32>
        %reduce_sum3A_289 = vector.extract %reduce_sum3A_288[15] : f32 from vector<16xf32>
        %mul3A_290 = arith.constant 16 : i32
        %mul3A_291 = arith.muli %add3A_47, %mul3A_290 : i32
        %add3A_292 = arith.constant 4 : i32
        %add3A_293 = arith.addi %mul3A_291, %add3A_292 : i32
        %get3A_294 = arith.index_cast %add3A_293 : i32 to index
        %get3A_295 = arith.constant 0 : index
        %get3A_296 = tpu.vector_load %arg11[%get3A_294, %get3A_295] {strides = array<i32>} : memref<640x16xf32, #tpu.memory_space<vmem>>, vector<16xf32>,
        %broadcast_in_dim3A_297 = arith.constant 1.000000e+00 : f32
        %broadcast_in_dim3A_298 = vector.broadcast %broadcast_in_dim3A_297 : f32 to vector<16xf32>
        %mul3A_299 = vector.broadcast %reduce_sum3A_289 : f32 to vector<16xf32>
        %mul3A_300 = arith.mulf %broadcast_in_dim3A_298, %mul3A_299 : vector<16xf32>
        %swap3A_301 = arith.index_cast %add3A_293 : i32 to index
        %swap3A_302 = arith.constant 0 : index
        %swap3A_303 = tpu.vector_load %arg16[%swap3A_301, %swap3A_302] {strides = array<i32>} : memref<640x16xf32, #tpu.memory_space<vmem>>, vector<16xf32>,
        tpu.vector_store %arg16[%swap3A_301, %swap3A_302], %mul3A_300 {strides = array<i32>} : memref<640x16xf32, #tpu.memory_space<vmem>>, vector<16xf32>,
        %get3A_304 = arith.index_cast %add3A_293 : i32 to index
        %get3A_305 = arith.constant 0 : index
        %get3A_306 = tpu.vector_load %arg16[%get3A_304, %get3A_305] {strides = array<i32>} : memref<640x16xf32, #tpu.memory_space<vmem>>, vector<16xf32>,
        %mul3A_307 = arith.constant 0.899999976 : f32
        %mul3A_308 = arith.mulf %mul3A_307, %reduce_sum3A_289 : f32
        %mul3A_309 = vector.broadcast %mul3A_308 : f32 to vector<16xf32>
        %mul3A_310 = arith.mulf %get3A_306, %mul3A_309 : vector<16xf32>
        %swap3A_311 = arith.index_cast %add3A_293 : i32 to index
        %swap3A_312 = arith.constant 0 : index
        %swap3A_313 = tpu.vector_load %arg14[%swap3A_311, %swap3A_312] {strides = array<i32>} : memref<640x16xf32, #tpu.memory_space<vmem>>, vector<16xf32>,
        tpu.vector_store %arg14[%swap3A_311, %swap3A_312], %mul3A_310 {strides = array<i32>} : memref<640x16xf32, #tpu.memory_space<vmem>>, vector<16xf32>,
        %mul3A_314 = arith.constant 1.000000e-01 : f32
        %mul3A_315 = arith.mulf %mul3A_314, %reduce_sum3A_289 : f32
        %mul3A_316 = vector.broadcast %mul3A_315 : f32 to vector<16xf32>
        %mul3A_317 = arith.mulf %mul3A_316, %get3A_296 : vector<16xf32>
        %swap3A_318 = arith.index_cast %add3A_293 : i32 to index
        %swap3A_319 = arith.constant 0 : index
        %swap3A_320 = tpu.vector_load %arg15[%swap3A_318, %swap3A_319] {strides = array<i32>} : memref<640x16xf32, #tpu.memory_space<vmem>>, vector<16xf32>,
        tpu.vector_store %arg15[%swap3A_318, %swap3A_319], %mul3A_317 {strides = array<i32>} : memref<640x16xf32, #tpu.memory_space<vmem>>, vector<16xf32>,
        %mul3A_321 = vector.broadcast %reduce_sum3A_289 : f32 to vector<16xf32>
        %mul3A_322 = arith.mulf %mul3A_321, %get3A_296 : vector<16xf32>
        %swap3A_323 = arith.index_cast %add3A_293 : i32 to index
        %swap3A_324 = arith.constant 0 : index
        %swap3A_325 = tpu.vector_load %arg13[%swap3A_323, %swap3A_324] {strides = array<i32>} : memref<640x16xf32, #tpu.memory_space<vmem>>, vector<16xf32>,
        tpu.vector_store %arg13[%swap3A_323, %swap3A_324], %mul3A_322 {strides = array<i32>} : memref<640x16xf32, #tpu.memory_space<vmem>>, vector<16xf32>,
        %eq3A_326 = arith.constant 5 : i32
        %eq3A_327 = vector.broadcast %eq3A_326 : i32 to vector<16xi32>
        %eq3A_328 = arith.cmpi eq, %iota3A, %eq3A_327 : vector<16xi32>
        %jit3A_329 = arith.constant 1.000000e+00 : f32
        %jit3A_330 = arith.constant 0.000000e+00 : f32
        %broadcast_in_dim3A_331 = vector.broadcast %jit3A_329 : f32 to vector<16xf32>
        %broadcast_in_dim3A_332 = vector.broadcast %jit3A_330 : f32 to vector<16xf32>
        %select_n3A_333 = arith.select %eq3A_328, %broadcast_in_dim3A_331, %broadcast_in_dim3A_332 : vector<16xi1>, vector<16xf32>
        %mul3A_334 = arith.mulf %mul3A_84, %select_n3A_333 : vector<16xf32>
        %reduce_sum3A_335 = arith.constant true
        %reduce_sum3A_336 = vector.broadcast %reduce_sum3A_335 : i1 to vector<16xi1>
        %reduce_sum3A_337 = tpu.scan <sum>, %mul3A_334 masked %reduce_sum3A_336 : vector<16xf32>, vector<16xi1> -> vector<16xf32>
        %reduce_sum3A_338 = vector.extract %reduce_sum3A_337[15] : f32 from vector<16xf32>
        %mul3A_339 = arith.constant 16 : i32
        %mul3A_340 = arith.muli %add3A_47, %mul3A_339 : i32
        %add3A_341 = arith.constant 5 : i32
        %add3A_342 = arith.addi %mul3A_340, %add3A_341 : i32
        %get3A_343 = arith.index_cast %add3A_342 : i32 to index
        %get3A_344 = arith.constant 0 : index
        %get3A_345 = tpu.vector_load %arg11[%get3A_343, %get3A_344] {strides = array<i32>} : memref<640x16xf32, #tpu.memory_space<vmem>>, vector<16xf32>,
        %broadcast_in_dim3A_346 = arith.constant 1.000000e+00 : f32
        %broadcast_in_dim3A_347 = vector.broadcast %broadcast_in_dim3A_346 : f32 to vector<16xf32>
        %mul3A_348 = vector.broadcast %reduce_sum3A_338 : f32 to vector<16xf32>
        %mul3A_349 = arith.mulf %broadcast_in_dim3A_347, %mul3A_348 : vector<16xf32>
        %swap3A_350 = arith.index_cast %add3A_342 : i32 to index
        %swap3A_351 = arith.constant 0 : index
        %swap3A_352 = tpu.vector_load %arg16[%swap3A_350, %swap3A_351] {strides = array<i32>} : memref<640x16xf32, #tpu.memory_space<vmem>>, vector<16xf32>,
        tpu.vector_store %arg16[%swap3A_350, %swap3A_351], %mul3A_349 {strides = array<i32>} : memref<640x16xf32, #tpu.memory_space<vmem>>, vector<16xf32>,
        %get3A_353 = arith.index_cast %add3A_342 : i32 to index
        %get3A_354 = arith.constant 0 : index
        %get3A_355 = tpu.vector_load %arg16[%get3A_353, %get3A_354] {strides = array<i32>} : memref<640x16xf32, #tpu.memory_space<vmem>>, vector<16xf32>,
        %mul3A_356 = arith.constant 0.899999976 : f32
        %mul3A_357 = arith.mulf %mul3A_356, %reduce_sum3A_338 : f32
        %mul3A_358 = vector.broadcast %mul3A_357 : f32 to vector<16xf32>
        %mul3A_359 = arith.mulf %get3A_355, %mul3A_358 : vector<16xf32>
        %swap3A_360 = arith.index_cast %add3A_342 : i32 to index
        %swap3A_361 = arith.constant 0 : index
        %swap3A_362 = tpu.vector_load %arg14[%swap3A_360, %swap3A_361] {strides = array<i32>} : memref<640x16xf32, #tpu.memory_space<vmem>>, vector<16xf32>,
        tpu.vector_store %arg14[%swap3A_360, %swap3A_361], %mul3A_359 {strides = array<i32>} : memref<640x16xf32, #tpu.memory_space<vmem>>, vector<16xf32>,
        %mul3A_363 = arith.constant 1.000000e-01 : f32
        %mul3A_364 = arith.mulf %mul3A_363, %reduce_sum3A_338 : f32
        %mul3A_365 = vector.broadcast %mul3A_364 : f32 to vector<16xf32>
        %mul3A_366 = arith.mulf %mul3A_365, %get3A_345 : vector<16xf32>
        %swap3A_367 = arith.index_cast %add3A_342 : i32 to index
        %swap3A_368 = arith.constant 0 : index
        %swap3A_369 = tpu.vector_load %arg15[%swap3A_367, %swap3A_368] {strides = array<i32>} : memref<640x16xf32, #tpu.memory_space<vmem>>, vector<16xf32>,
        tpu.vector_store %arg15[%swap3A_367, %swap3A_368], %mul3A_366 {strides = array<i32>} : memref<640x16xf32, #tpu.memory_space<vmem>>, vector<16xf32>,
        %mul3A_370 = vector.broadcast %reduce_sum3A_338 : f32 to vector<16xf32>
        %mul3A_371 = arith.mulf %mul3A_370, %get3A_345 : vector<16xf32>
        %swap3A_372 = arith.index_cast %add3A_342 : i32 to index
        %swap3A_373 = arith.constant 0 : index
        %swap3A_374 = tpu.vector_load %arg13[%swap3A_372, %swap3A_373] {strides = array<i32>} : memref<640x16xf32, #tpu.memory_space<vmem>>, vector<16xf32>,
        tpu.vector_store %arg13[%swap3A_372, %swap3A_373], %mul3A_371 {strides = array<i32>} : memref<640x16xf32, #tpu.memory_space<vmem>>, vector<16xf32>,
        %eq3A_375 = arith.constant 6 : i32
        %eq3A_376 = vector.broadcast %eq3A_375 : i32 to vector<16xi32>
        %eq3A_377 = arith.cmpi eq, %iota3A, %eq3A_376 : vector<16xi32>
        %jit3A_378 = arith.constant 1.000000e+00 : f32
        %jit3A_379 = arith.constant 0.000000e+00 : f32
        %broadcast_in_dim3A_380 = vector.broadcast %jit3A_378 : f32 to vector<16xf32>
        %broadcast_in_dim3A_381 = vector.broadcast %jit3A_379 : f32 to vector<16xf32>
        %select_n3A_382 = arith.select %eq3A_377, %broadcast_in_dim3A_380, %broadcast_in_dim3A_381 : vector<16xi1>, vector<16xf32>
        %mul3A_383 = arith.mulf %mul3A_84, %select_n3A_382 : vector<16xf32>
        %reduce_sum3A_384 = arith.constant true
        %reduce_sum3A_385 = vector.broadcast %reduce_sum3A_384 : i1 to vector<16xi1>
        %reduce_sum3A_386 = tpu.scan <sum>, %mul3A_383 masked %reduce_sum3A_385 : vector<16xf32>, vector<16xi1> -> vector<16xf32>
        %reduce_sum3A_387 = vector.extract %reduce_sum3A_386[15] : f32 from vector<16xf32>
        %mul3A_388 = arith.constant 16 : i32
        %mul3A_389 = arith.muli %add3A_47, %mul3A_388 : i32
        %add3A_390 = arith.constant 6 : i32
        %add3A_391 = arith.addi %mul3A_389, %add3A_390 : i32
        %get3A_392 = arith.index_cast %add3A_391 : i32 to index
        %get3A_393 = arith.constant 0 : index
        %get3A_394 = tpu.vector_load %arg11[%get3A_392, %get3A_393] {strides = array<i32>} : memref<640x16xf32, #tpu.memory_space<vmem>>, vector<16xf32>,
        %broadcast_in_dim3A_395 = arith.constant 1.000000e+00 : f32
        %broadcast_in_dim3A_396 = vector.broadcast %broadcast_in_dim3A_395 : f32 to vector<16xf32>
        %mul3A_397 = vector.broadcast %reduce_sum3A_387 : f32 to vector<16xf32>
        %mul3A_398 = arith.mulf %broadcast_in_dim3A_396, %mul3A_397 : vector<16xf32>
        %swap3A_399 = arith.index_cast %add3A_391 : i32 to index
        %swap3A_400 = arith.constant 0 : index
        %swap3A_401 = tpu.vector_load %arg16[%swap3A_399, %swap3A_400] {strides = array<i32>} : memref<640x16xf32, #tpu.memory_space<vmem>>, vector<16xf32>,
        tpu.vector_store %arg16[%swap3A_399, %swap3A_400], %mul3A_398 {strides = array<i32>} : memref<640x16xf32, #tpu.memory_space<vmem>>, vector<16xf32>,
        %get3A_402 = arith.index_cast %add3A_391 : i32 to index
        %get3A_403 = arith.constant 0 : index
        %get3A_404 = tpu.vector_load %arg16[%get3A_402, %get3A_403] {strides = array<i32>} : memref<640x16xf32, #tpu.memory_space<vmem>>, vector<16xf32>,
        %mul3A_405 = arith.constant 0.899999976 : f32
        %mul3A_406 = arith.mulf %mul3A_405, %reduce_sum3A_387 : f32
        %mul3A_407 = vector.broadcast %mul3A_406 : f32 to vector<16xf32>
        %mul3A_408 = arith.mulf %get3A_404, %mul3A_407 : vector<16xf32>
        %swap3A_409 = arith.index_cast %add3A_391 : i32 to index
        %swap3A_410 = arith.constant 0 : index
        %swap3A_411 = tpu.vector_load %arg14[%swap3A_409, %swap3A_410] {strides = array<i32>} : memref<640x16xf32, #tpu.memory_space<vmem>>, vector<16xf32>,
        tpu.vector_store %arg14[%swap3A_409, %swap3A_410], %mul3A_408 {strides = array<i32>} : memref<640x16xf32, #tpu.memory_space<vmem>>, vector<16xf32>,
        %mul3A_412 = arith.constant 1.000000e-01 : f32
        %mul3A_413 = arith.mulf %mul3A_412, %reduce_sum3A_387 : f32
        %mul3A_414 = vector.broadcast %mul3A_413 : f32 to vector<16xf32>
        %mul3A_415 = arith.mulf %mul3A_414, %get3A_394 : vector<16xf32>
        %swap3A_416 = arith.index_cast %add3A_391 : i32 to index
        %swap3A_417 = arith.constant 0 : index
        %swap3A_418 = tpu.vector_load %arg15[%swap3A_416, %swap3A_417] {strides = array<i32>} : memref<640x16xf32, #tpu.memory_space<vmem>>, vector<16xf32>,
        tpu.vector_store %arg15[%swap3A_416, %swap3A_417], %mul3A_415 {strides = array<i32>} : memref<640x16xf32, #tpu.memory_space<vmem>>, vector<16xf32>,
        %mul3A_419 = vector.broadcast %reduce_sum3A_387 : f32 to vector<16xf32>
        %mul3A_420 = arith.mulf %mul3A_419, %get3A_394 : vector<16xf32>
        %swap3A_421 = arith.index_cast %add3A_391 : i32 to index
        %swap3A_422 = arith.constant 0 : index
        %swap3A_423 = tpu.vector_load %arg13[%swap3A_421, %swap3A_422] {strides = array<i32>} : memref<640x16xf32, #tpu.memory_space<vmem>>, vector<16xf32>,
        tpu.vector_store %arg13[%swap3A_421, %swap3A_422], %mul3A_420 {strides = array<i32>} : memref<640x16xf32, #tpu.memory_space<vmem>>, vector<16xf32>,
        %eq3A_424 = arith.constant 7 : i32
        %eq3A_425 = vector.broadcast %eq3A_424 : i32 to vector<16xi32>
        %eq3A_426 = arith.cmpi eq, %iota3A, %eq3A_425 : vector<16xi32>
        %jit3A_427 = arith.constant 1.000000e+00 : f32
        %jit3A_428 = arith.constant 0.000000e+00 : f32
        %broadcast_in_dim3A_429 = vector.broadcast %jit3A_427 : f32 to vector<16xf32>
        %broadcast_in_dim3A_430 = vector.broadcast %jit3A_428 : f32 to vector<16xf32>
        %select_n3A_431 = arith.select %eq3A_426, %broadcast_in_dim3A_429, %broadcast_in_dim3A_430 : vector<16xi1>, vector<16xf32>
        %mul3A_432 = arith.mulf %mul3A_84, %select_n3A_431 : vector<16xf32>
        %reduce_sum3A_433 = arith.constant true
        %reduce_sum3A_434 = vector.broadcast %reduce_sum3A_433 : i1 to vector<16xi1>
        %reduce_sum3A_435 = tpu.scan <sum>, %mul3A_432 masked %reduce_sum3A_434 : vector<16xf32>, vector<16xi1> -> vector<16xf32>
        %reduce_sum3A_436 = vector.extract %reduce_sum3A_435[15] : f32 from vector<16xf32>
        %mul3A_437 = arith.constant 16 : i32
        %mul3A_438 = arith.muli %add3A_47, %mul3A_437 : i32
        %add3A_439 = arith.constant 7 : i32
        %add3A_440 = arith.addi %mul3A_438, %add3A_439 : i32
        %get3A_441 = arith.index_cast %add3A_440 : i32 to index
        %get3A_442 = arith.constant 0 : index
        %get3A_443 = tpu.vector_load %arg11[%get3A_441, %get3A_442] {strides = array<i32>} : memref<640x16xf32, #tpu.memory_space<vmem>>, vector<16xf32>,
        %broadcast_in_dim3A_444 = arith.constant 1.000000e+00 : f32
        %broadcast_in_dim3A_445 = vector.broadcast %broadcast_in_dim3A_444 : f32 to vector<16xf32>
        %mul3A_446 = vector.broadcast %reduce_sum3A_436 : f32 to vector<16xf32>
        %mul3A_447 = arith.mulf %broadcast_in_dim3A_445, %mul3A_446 : vector<16xf32>
        %swap3A_448 = arith.index_cast %add3A_440 : i32 to index
        %swap3A_449 = arith.constant 0 : index
        %swap3A_450 = tpu.vector_load %arg16[%swap3A_448, %swap3A_449] {strides = array<i32>} : memref<640x16xf32, #tpu.memory_space<vmem>>, vector<16xf32>,
        tpu.vector_store %arg16[%swap3A_448, %swap3A_449], %mul3A_447 {strides = array<i32>} : memref<640x16xf32, #tpu.memory_space<vmem>>, vector<16xf32>,
        %get3A_451 = arith.index_cast %add3A_440 : i32 to index
        %get3A_452 = arith.constant 0 : index
        %get3A_453 = tpu.vector_load %arg16[%get3A_451, %get3A_452] {strides = array<i32>} : memref<640x16xf32, #tpu.memory_space<vmem>>, vector<16xf32>,
        %mul3A_454 = arith.constant 0.899999976 : f32
        %mul3A_455 = arith.mulf %mul3A_454, %reduce_sum3A_436 : f32
        %mul3A_456 = vector.broadcast %mul3A_455 : f32 to vector<16xf32>
        %mul3A_457 = arith.mulf %get3A_453, %mul3A_456 : vector<16xf32>
        %swap3A_458 = arith.index_cast %add3A_440 : i32 to index
        %swap3A_459 = arith.constant 0 : index
        %swap3A_460 = tpu.vector_load %arg14[%swap3A_458, %swap3A_459] {strides = array<i32>} : memref<640x16xf32, #tpu.memory_space<vmem>>, vector<16xf32>,
        tpu.vector_store %arg14[%swap3A_458, %swap3A_459], %mul3A_457 {strides = array<i32>} : memref<640x16xf32, #tpu.memory_space<vmem>>, vector<16xf32>,
        %mul3A_461 = arith.constant 1.000000e-01 : f32
        %mul3A_462 = arith.mulf %mul3A_461, %reduce_sum3A_436 : f32
        %mul3A_463 = vector.broadcast %mul3A_462 : f32 to vector<16xf32>
        %mul3A_464 = arith.mulf %mul3A_463, %get3A_443 : vector<16xf32>
        %swap3A_465 = arith.index_cast %add3A_440 : i32 to index
        %swap3A_466 = arith.constant 0 : index
        %swap3A_467 = tpu.vector_load %arg15[%swap3A_465, %swap3A_466] {strides = array<i32>} : memref<640x16xf32, #tpu.memory_space<vmem>>, vector<16xf32>,
        tpu.vector_store %arg15[%swap3A_465, %swap3A_466], %mul3A_464 {strides = array<i32>} : memref<640x16xf32, #tpu.memory_space<vmem>>, vector<16xf32>,
        %mul3A_468 = vector.broadcast %reduce_sum3A_436 : f32 to vector<16xf32>
        %mul3A_469 = arith.mulf %mul3A_468, %get3A_443 : vector<16xf32>
        %swap3A_470 = arith.index_cast %add3A_440 : i32 to index
        %swap3A_471 = arith.constant 0 : index
        %swap3A_472 = tpu.vector_load %arg13[%swap3A_470, %swap3A_471] {strides = array<i32>} : memref<640x16xf32, #tpu.memory_space<vmem>>, vector<16xf32>,
        tpu.vector_store %arg13[%swap3A_470, %swap3A_471], %mul3A_469 {strides = array<i32>} : memref<640x16xf32, #tpu.memory_space<vmem>>, vector<16xf32>,
        %eq3A_473 = arith.constant 8 : i32
        %eq3A_474 = vector.broadcast %eq3A_473 : i32 to vector<16xi32>
        %eq3A_475 = arith.cmpi eq, %iota3A, %eq3A_474 : vector<16xi32>
        %jit3A_476 = arith.constant 1.000000e+00 : f32
        %jit3A_477 = arith.constant 0.000000e+00 : f32
        %broadcast_in_dim3A_478 = vector.broadcast %jit3A_476 : f32 to vector<16xf32>
        %broadcast_in_dim3A_479 = vector.broadcast %jit3A_477 : f32 to vector<16xf32>
        %select_n3A_480 = arith.select %eq3A_475, %broadcast_in_dim3A_478, %broadcast_in_dim3A_479 : vector<16xi1>, vector<16xf32>
        %mul3A_481 = arith.mulf %mul3A_84, %select_n3A_480 : vector<16xf32>
        %reduce_sum3A_482 = arith.constant true
        %reduce_sum3A_483 = vector.broadcast %reduce_sum3A_482 : i1 to vector<16xi1>
        %reduce_sum3A_484 = tpu.scan <sum>, %mul3A_481 masked %reduce_sum3A_483 : vector<16xf32>, vector<16xi1> -> vector<16xf32>
        %reduce_sum3A_485 = vector.extract %reduce_sum3A_484[15] : f32 from vector<16xf32>
        %mul3A_486 = arith.constant 16 : i32
        %mul3A_487 = arith.muli %add3A_47, %mul3A_486 : i32
        %add3A_488 = arith.constant 8 : i32
        %add3A_489 = arith.addi %mul3A_487, %add3A_488 : i32
        %get3A_490 = arith.index_cast %add3A_489 : i32 to index
        %get3A_491 = arith.constant 0 : index
        %get3A_492 = tpu.vector_load %arg11[%get3A_490, %get3A_491] {strides = array<i32>} : memref<640x16xf32, #tpu.memory_space<vmem>>, vector<16xf32>,
        %broadcast_in_dim3A_493 = arith.constant 1.000000e+00 : f32
        %broadcast_in_dim3A_494 = vector.broadcast %broadcast_in_dim3A_493 : f32 to vector<16xf32>
        %mul3A_495 = vector.broadcast %reduce_sum3A_485 : f32 to vector<16xf32>
        %mul3A_496 = arith.mulf %broadcast_in_dim3A_494, %mul3A_495 : vector<16xf32>
        %swap3A_497 = arith.index_cast %add3A_489 : i32 to index
        %swap3A_498 = arith.constant 0 : index
        %swap3A_499 = tpu.vector_load %arg16[%swap3A_497, %swap3A_498] {strides = array<i32>} : memref<640x16xf32, #tpu.memory_space<vmem>>, vector<16xf32>,
        tpu.vector_store %arg16[%swap3A_497, %swap3A_498], %mul3A_496 {strides = array<i32>} : memref<640x16xf32, #tpu.memory_space<vmem>>, vector<16xf32>,
        %get3A_500 = arith.index_cast %add3A_489 : i32 to index
        %get3A_501 = arith.constant 0 : index
        %get3A_502 = tpu.vector_load %arg16[%get3A_500, %get3A_501] {strides = array<i32>} : memref<640x16xf32, #tpu.memory_space<vmem>>, vector<16xf32>,
        %mul3A_503 = arith.constant 0.899999976 : f32
        %mul3A_504 = arith.mulf %mul3A_503, %reduce_sum3A_485 : f32
        %mul3A_505 = vector.broadcast %mul3A_504 : f32 to vector<16xf32>
        %mul3A_506 = arith.mulf %get3A_502, %mul3A_505 : vector<16xf32>
        %swap3A_507 = arith.index_cast %add3A_489 : i32 to index
        %swap3A_508 = arith.constant 0 : index
        %swap3A_509 = tpu.vector_load %arg14[%swap3A_507, %swap3A_508] {strides = array<i32>} : memref<640x16xf32, #tpu.memory_space<vmem>>, vector<16xf32>,
        tpu.vector_store %arg14[%swap3A_507, %swap3A_508], %mul3A_506 {strides = array<i32>} : memref<640x16xf32, #tpu.memory_space<vmem>>, vector<16xf32>,
        %mul3A_510 = arith.constant 1.000000e-01 : f32
        %mul3A_511 = arith.mulf %mul3A_510, %reduce_sum3A_485 : f32
        %mul3A_512 = vector.broadcast %mul3A_511 : f32 to vector<16xf32>
        %mul3A_513 = arith.mulf %mul3A_512, %get3A_492 : vector<16xf32>
        %swap3A_514 = arith.index_cast %add3A_489 : i32 to index
        %swap3A_515 = arith.constant 0 : index
        %swap3A_516 = tpu.vector_load %arg15[%swap3A_514, %swap3A_515] {strides = array<i32>} : memref<640x16xf32, #tpu.memory_space<vmem>>, vector<16xf32>,
        tpu.vector_store %arg15[%swap3A_514, %swap3A_515], %mul3A_513 {strides = array<i32>} : memref<640x16xf32, #tpu.memory_space<vmem>>, vector<16xf32>,
        %mul3A_517 = vector.broadcast %reduce_sum3A_485 : f32 to vector<16xf32>
        %mul3A_518 = arith.mulf %mul3A_517, %get3A_492 : vector<16xf32>
        %swap3A_519 = arith.index_cast %add3A_489 : i32 to index
        %swap3A_520 = arith.constant 0 : index
        %swap3A_521 = tpu.vector_load %arg13[%swap3A_519, %swap3A_520] {strides = array<i32>} : memref<640x16xf32, #tpu.memory_space<vmem>>, vector<16xf32>,
        tpu.vector_store %arg13[%swap3A_519, %swap3A_520], %mul3A_518 {strides = array<i32>} : memref<640x16xf32, #tpu.memory_space<vmem>>, vector<16xf32>,
        %eq3A_522 = arith.constant 9 : i32
        %eq3A_523 = vector.broadcast %eq3A_522 : i32 to vector<16xi32>
        %eq3A_524 = arith.cmpi eq, %iota3A, %eq3A_523 : vector<16xi32>
        %jit3A_525 = arith.constant 1.000000e+00 : f32
        %jit3A_526 = arith.constant 0.000000e+00 : f32
        %broadcast_in_dim3A_527 = vector.broadcast %jit3A_525 : f32 to vector<16xf32>
        %broadcast_in_dim3A_528 = vector.broadcast %jit3A_526 : f32 to vector<16xf32>
        %select_n3A_529 = arith.select %eq3A_524, %broadcast_in_dim3A_527, %broadcast_in_dim3A_528 : vector<16xi1>, vector<16xf32>
        %mul3A_530 = arith.mulf %mul3A_84, %select_n3A_529 : vector<16xf32>
        %reduce_sum3A_531 = arith.constant true
        %reduce_sum3A_532 = vector.broadcast %reduce_sum3A_531 : i1 to vector<16xi1>
        %reduce_sum3A_533 = tpu.scan <sum>, %mul3A_530 masked %reduce_sum3A_532 : vector<16xf32>, vector<16xi1> -> vector<16xf32>
        %reduce_sum3A_534 = vector.extract %reduce_sum3A_533[15] : f32 from vector<16xf32>
        %mul3A_535 = arith.constant 16 : i32
        %mul3A_536 = arith.muli %add3A_47, %mul3A_535 : i32
        %add3A_537 = arith.constant 9 : i32
        %add3A_538 = arith.addi %mul3A_536, %add3A_537 : i32
        %get3A_539 = arith.index_cast %add3A_538 : i32 to index
        %get3A_540 = arith.constant 0 : index
        %get3A_541 = tpu.vector_load %arg11[%get3A_539, %get3A_540] {strides = array<i32>} : memref<640x16xf32, #tpu.memory_space<vmem>>, vector<16xf32>,
        %broadcast_in_dim3A_542 = arith.constant 1.000000e+00 : f32
        %broadcast_in_dim3A_543 = vector.broadcast %broadcast_in_dim3A_542 : f32 to vector<16xf32>
        %mul3A_544 = vector.broadcast %reduce_sum3A_534 : f32 to vector<16xf32>
        %mul3A_545 = arith.mulf %broadcast_in_dim3A_543, %mul3A_544 : vector<16xf32>
        %swap3A_546 = arith.index_cast %add3A_538 : i32 to index
        %swap3A_547 = arith.constant 0 : index
        %swap3A_548 = tpu.vector_load %arg16[%swap3A_546, %swap3A_547] {strides = array<i32>} : memref<640x16xf32, #tpu.memory_space<vmem>>, vector<16xf32>,
        tpu.vector_store %arg16[%swap3A_546, %swap3A_547], %mul3A_545 {strides = array<i32>} : memref<640x16xf32, #tpu.memory_space<vmem>>, vector<16xf32>,
        %get3A_549 = arith.index_cast %add3A_538 : i32 to index
        %get3A_550 = arith.constant 0 : index
        %get3A_551 = tpu.vector_load %arg16[%get3A_549, %get3A_550] {strides = array<i32>} : memref<640x16xf32, #tpu.memory_space<vmem>>, vector<16xf32>,
        %mul3A_552 = arith.constant 0.899999976 : f32
        %mul3A_553 = arith.mulf %mul3A_552, %reduce_sum3A_534 : f32
        %mul3A_554 = vector.broadcast %mul3A_553 : f32 to vector<16xf32>
        %mul3A_555 = arith.mulf %get3A_551, %mul3A_554 : vector<16xf32>
        %swap3A_556 = arith.index_cast %add3A_538 : i32 to index
        %swap3A_557 = arith.constant 0 : index
        %swap3A_558 = tpu.vector_load %arg14[%swap3A_556, %swap3A_557] {strides = array<i32>} : memref<640x16xf32, #tpu.memory_space<vmem>>, vector<16xf32>,
        tpu.vector_store %arg14[%swap3A_556, %swap3A_557], %mul3A_555 {strides = array<i32>} : memref<640x16xf32, #tpu.memory_space<vmem>>, vector<16xf32>,
        %mul3A_559 = arith.constant 1.000000e-01 : f32
        %mul3A_560 = arith.mulf %mul3A_559, %reduce_sum3A_534 : f32
        %mul3A_561 = vector.broadcast %mul3A_560 : f32 to vector<16xf32>
        %mul3A_562 = arith.mulf %mul3A_561, %get3A_541 : vector<16xf32>
        %swap3A_563 = arith.index_cast %add3A_538 : i32 to index
        %swap3A_564 = arith.constant 0 : index
        %swap3A_565 = tpu.vector_load %arg15[%swap3A_563, %swap3A_564] {strides = array<i32>} : memref<640x16xf32, #tpu.memory_space<vmem>>, vector<16xf32>,
        tpu.vector_store %arg15[%swap3A_563, %swap3A_564], %mul3A_562 {strides = array<i32>} : memref<640x16xf32, #tpu.memory_space<vmem>>, vector<16xf32>,
        %mul3A_566 = vector.broadcast %reduce_sum3A_534 : f32 to vector<16xf32>
        %mul3A_567 = arith.mulf %mul3A_566, %get3A_541 : vector<16xf32>
        %swap3A_568 = arith.index_cast %add3A_538 : i32 to index
        %swap3A_569 = arith.constant 0 : index
        %swap3A_570 = tpu.vector_load %arg13[%swap3A_568, %swap3A_569] {strides = array<i32>} : memref<640x16xf32, #tpu.memory_space<vmem>>, vector<16xf32>,
        tpu.vector_store %arg13[%swap3A_568, %swap3A_569], %mul3A_567 {strides = array<i32>} : memref<640x16xf32, #tpu.memory_space<vmem>>, vector<16xf32>,
        %eq3A_571 = arith.constant 10 : i32
        %eq3A_572 = vector.broadcast %eq3A_571 : i32 to vector<16xi32>
        %eq3A_573 = arith.cmpi eq, %iota3A, %eq3A_572 : vector<16xi32>
        %jit3A_574 = arith.constant 1.000000e+00 : f32
        %jit3A_575 = arith.constant 0.000000e+00 : f32
        %broadcast_in_dim3A_576 = vector.broadcast %jit3A_574 : f32 to vector<16xf32>
        %broadcast_in_dim3A_577 = vector.broadcast %jit3A_575 : f32 to vector<16xf32>
        %select_n3A_578 = arith.select %eq3A_573, %broadcast_in_dim3A_576, %broadcast_in_dim3A_577 : vector<16xi1>, vector<16xf32>
        %mul3A_579 = arith.mulf %mul3A_84, %select_n3A_578 : vector<16xf32>
        %reduce_sum3A_580 = arith.constant true
        %reduce_sum3A_581 = vector.broadcast %reduce_sum3A_580 : i1 to vector<16xi1>
        %reduce_sum3A_582 = tpu.scan <sum>, %mul3A_579 masked %reduce_sum3A_581 : vector<16xf32>, vector<16xi1> -> vector<16xf32>
        %reduce_sum3A_583 = vector.extract %reduce_sum3A_582[15] : f32 from vector<16xf32>
        %mul3A_584 = arith.constant 16 : i32
        %mul3A_585 = arith.muli %add3A_47, %mul3A_584 : i32
        %add3A_586 = arith.constant 10 : i32
        %add3A_587 = arith.addi %mul3A_585, %add3A_586 : i32
        %get3A_588 = arith.index_cast %add3A_587 : i32 to index
        %get3A_589 = arith.constant 0 : index
        %get3A_590 = tpu.vector_load %arg11[%get3A_588, %get3A_589] {strides = array<i32>} : memref<640x16xf32, #tpu.memory_space<vmem>>, vector<16xf32>,
        %broadcast_in_dim3A_591 = arith.constant 1.000000e+00 : f32
        %broadcast_in_dim3A_592 = vector.broadcast %broadcast_in_dim3A_591 : f32 to vector<16xf32>
        %mul3A_593 = vector.broadcast %reduce_sum3A_583 : f32 to vector<16xf32>
        %mul3A_594 = arith.mulf %broadcast_in_dim3A_592, %mul3A_593 : vector<16xf32>
        %swap3A_595 = arith.index_cast %add3A_587 : i32 to index
        %swap3A_596 = arith.constant 0 : index
        %swap3A_597 = tpu.vector_load %arg16[%swap3A_595, %swap3A_596] {strides = array<i32>} : memref<640x16xf32, #tpu.memory_space<vmem>>, vector<16xf32>,
        tpu.vector_store %arg16[%swap3A_595, %swap3A_596], %mul3A_594 {strides = array<i32>} : memref<640x16xf32, #tpu.memory_space<vmem>>, vector<16xf32>,
        %get3A_598 = arith.index_cast %add3A_587 : i32 to index
        %get3A_599 = arith.constant 0 : index
        %get3A_600 = tpu.vector_load %arg16[%get3A_598, %get3A_599] {strides = array<i32>} : memref<640x16xf32, #tpu.memory_space<vmem>>, vector<16xf32>,
        %mul3A_601 = arith.constant 0.899999976 : f32
        %mul3A_602 = arith.mulf %mul3A_601, %reduce_sum3A_583 : f32
        %mul3A_603 = vector.broadcast %mul3A_602 : f32 to vector<16xf32>
        %mul3A_604 = arith.mulf %get3A_600, %mul3A_603 : vector<16xf32>
        %swap3A_605 = arith.index_cast %add3A_587 : i32 to index
        %swap3A_606 = arith.constant 0 : index
        %swap3A_607 = tpu.vector_load %arg14[%swap3A_605, %swap3A_606] {strides = array<i32>} : memref<640x16xf32, #tpu.memory_space<vmem>>, vector<16xf32>,
        tpu.vector_store %arg14[%swap3A_605, %swap3A_606], %mul3A_604 {strides = array<i32>} : memref<640x16xf32, #tpu.memory_space<vmem>>, vector<16xf32>,
        %mul3A_608 = arith.constant 1.000000e-01 : f32
        %mul3A_609 = arith.mulf %mul3A_608, %reduce_sum3A_583 : f32
        %mul3A_610 = vector.broadcast %mul3A_609 : f32 to vector<16xf32>
        %mul3A_611 = arith.mulf %mul3A_610, %get3A_590 : vector<16xf32>
        %swap3A_612 = arith.index_cast %add3A_587 : i32 to index
        %swap3A_613 = arith.constant 0 : index
        %swap3A_614 = tpu.vector_load %arg15[%swap3A_612, %swap3A_613] {strides = array<i32>} : memref<640x16xf32, #tpu.memory_space<vmem>>, vector<16xf32>,
        tpu.vector_store %arg15[%swap3A_612, %swap3A_613], %mul3A_611 {strides = array<i32>} : memref<640x16xf32, #tpu.memory_space<vmem>>, vector<16xf32>,
        %mul3A_615 = vector.broadcast %reduce_sum3A_583 : f32 to vector<16xf32>
        %mul3A_616 = arith.mulf %mul3A_615, %get3A_590 : vector<16xf32>
        %swap3A_617 = arith.index_cast %add3A_587 : i32 to index
        %swap3A_618 = arith.constant 0 : index
        %swap3A_619 = tpu.vector_load %arg13[%swap3A_617, %swap3A_618] {strides = array<i32>} : memref<640x16xf32, #tpu.memory_space<vmem>>, vector<16xf32>,
        tpu.vector_store %arg13[%swap3A_617, %swap3A_618], %mul3A_616 {strides = array<i32>} : memref<640x16xf32, #tpu.memory_space<vmem>>, vector<16xf32>,
        %eq3A_620 = arith.constant 11 : i32
        %eq3A_621 = vector.broadcast %eq3A_620 : i32 to vector<16xi32>
        %eq3A_622 = arith.cmpi eq, %iota3A, %eq3A_621 : vector<16xi32>
        %jit3A_623 = arith.constant 1.000000e+00 : f32
        %jit3A_624 = arith.constant 0.000000e+00 : f32
        %broadcast_in_dim3A_625 = vector.broadcast %jit3A_623 : f32 to vector<16xf32>
        %broadcast_in_dim3A_626 = vector.broadcast %jit3A_624 : f32 to vector<16xf32>
        %select_n3A_627 = arith.select %eq3A_622, %broadcast_in_dim3A_625, %broadcast_in_dim3A_626 : vector<16xi1>, vector<16xf32>
        %mul3A_628 = arith.mulf %mul3A_84, %select_n3A_627 : vector<16xf32>
        %reduce_sum3A_629 = arith.constant true
        %reduce_sum3A_630 = vector.broadcast %reduce_sum3A_629 : i1 to vector<16xi1>
        %reduce_sum3A_631 = tpu.scan <sum>, %mul3A_628 masked %reduce_sum3A_630 : vector<16xf32>, vector<16xi1> -> vector<16xf32>
        %reduce_sum3A_632 = vector.extract %reduce_sum3A_631[15] : f32 from vector<16xf32>
        %mul3A_633 = arith.constant 16 : i32
        %mul3A_634 = arith.muli %add3A_47, %mul3A_633 : i32
        %add3A_635 = arith.constant 11 : i32
        %add3A_636 = arith.addi %mul3A_634, %add3A_635 : i32
        %get3A_637 = arith.index_cast %add3A_636 : i32 to index
        %get3A_638 = arith.constant 0 : index
        %get3A_639 = tpu.vector_load %arg11[%get3A_637, %get3A_638] {strides = array<i32>} : memref<640x16xf32, #tpu.memory_space<vmem>>, vector<16xf32>,
        %broadcast_in_dim3A_640 = arith.constant 1.000000e+00 : f32
        %broadcast_in_dim3A_641 = vector.broadcast %broadcast_in_dim3A_640 : f32 to vector<16xf32>
        %mul3A_642 = vector.broadcast %reduce_sum3A_632 : f32 to vector<16xf32>
        %mul3A_643 = arith.mulf %broadcast_in_dim3A_641, %mul3A_642 : vector<16xf32>
        %swap3A_644 = arith.index_cast %add3A_636 : i32 to index
        %swap3A_645 = arith.constant 0 : index
        %swap3A_646 = tpu.vector_load %arg16[%swap3A_644, %swap3A_645] {strides = array<i32>} : memref<640x16xf32, #tpu.memory_space<vmem>>, vector<16xf32>,
        tpu.vector_store %arg16[%swap3A_644, %swap3A_645], %mul3A_643 {strides = array<i32>} : memref<640x16xf32, #tpu.memory_space<vmem>>, vector<16xf32>,
        %get3A_647 = arith.index_cast %add3A_636 : i32 to index
        %get3A_648 = arith.constant 0 : index
        %get3A_649 = tpu.vector_load %arg16[%get3A_647, %get3A_648] {strides = array<i32>} : memref<640x16xf32, #tpu.memory_space<vmem>>, vector<16xf32>,
        %mul3A_650 = arith.constant 0.899999976 : f32
        %mul3A_651 = arith.mulf %mul3A_650, %reduce_sum3A_632 : f32
        %mul3A_652 = vector.broadcast %mul3A_651 : f32 to vector<16xf32>
        %mul3A_653 = arith.mulf %get3A_649, %mul3A_652 : vector<16xf32>
        %swap3A_654 = arith.index_cast %add3A_636 : i32 to index
        %swap3A_655 = arith.constant 0 : index
        %swap3A_656 = tpu.vector_load %arg14[%swap3A_654, %swap3A_655] {strides = array<i32>} : memref<640x16xf32, #tpu.memory_space<vmem>>, vector<16xf32>,
        tpu.vector_store %arg14[%swap3A_654, %swap3A_655], %mul3A_653 {strides = array<i32>} : memref<640x16xf32, #tpu.memory_space<vmem>>, vector<16xf32>,
        %mul3A_657 = arith.constant 1.000000e-01 : f32
        %mul3A_658 = arith.mulf %mul3A_657, %reduce_sum3A_632 : f32
        %mul3A_659 = vector.broadcast %mul3A_658 : f32 to vector<16xf32>
        %mul3A_660 = arith.mulf %mul3A_659, %get3A_639 : vector<16xf32>
        %swap3A_661 = arith.index_cast %add3A_636 : i32 to index
        %swap3A_662 = arith.constant 0 : index
        %swap3A_663 = tpu.vector_load %arg15[%swap3A_661, %swap3A_662] {strides = array<i32>} : memref<640x16xf32, #tpu.memory_space<vmem>>, vector<16xf32>,
        tpu.vector_store %arg15[%swap3A_661, %swap3A_662], %mul3A_660 {strides = array<i32>} : memref<640x16xf32, #tpu.memory_space<vmem>>, vector<16xf32>,
        %mul3A_664 = vector.broadcast %reduce_sum3A_632 : f32 to vector<16xf32>
        %mul3A_665 = arith.mulf %mul3A_664, %get3A_639 : vector<16xf32>
        %swap3A_666 = arith.index_cast %add3A_636 : i32 to index
        %swap3A_667 = arith.constant 0 : index
        %swap3A_668 = tpu.vector_load %arg13[%swap3A_666, %swap3A_667] {strides = array<i32>} : memref<640x16xf32, #tpu.memory_space<vmem>>, vector<16xf32>,
        tpu.vector_store %arg13[%swap3A_666, %swap3A_667], %mul3A_665 {strides = array<i32>} : memref<640x16xf32, #tpu.memory_space<vmem>>, vector<16xf32>,
        %eq3A_669 = arith.constant 12 : i32
        %eq3A_670 = vector.broadcast %eq3A_669 : i32 to vector<16xi32>
        %eq3A_671 = arith.cmpi eq, %iota3A, %eq3A_670 : vector<16xi32>
        %jit3A_672 = arith.constant 1.000000e+00 : f32
        %jit3A_673 = arith.constant 0.000000e+00 : f32
        %broadcast_in_dim3A_674 = vector.broadcast %jit3A_672 : f32 to vector<16xf32>
        %broadcast_in_dim3A_675 = vector.broadcast %jit3A_673 : f32 to vector<16xf32>
        %select_n3A_676 = arith.select %eq3A_671, %broadcast_in_dim3A_674, %broadcast_in_dim3A_675 : vector<16xi1>, vector<16xf32>
        %mul3A_677 = arith.mulf %mul3A_84, %select_n3A_676 : vector<16xf32>
        %reduce_sum3A_678 = arith.constant true
        %reduce_sum3A_679 = vector.broadcast %reduce_sum3A_678 : i1 to vector<16xi1>
        %reduce_sum3A_680 = tpu.scan <sum>, %mul3A_677 masked %reduce_sum3A_679 : vector<16xf32>, vector<16xi1> -> vector<16xf32>
        %reduce_sum3A_681 = vector.extract %reduce_sum3A_680[15] : f32 from vector<16xf32>
        %mul3A_682 = arith.constant 16 : i32
        %mul3A_683 = arith.muli %add3A_47, %mul3A_682 : i32
        %add3A_684 = arith.constant 12 : i32
        %add3A_685 = arith.addi %mul3A_683, %add3A_684 : i32
        %get3A_686 = arith.index_cast %add3A_685 : i32 to index
        %get3A_687 = arith.constant 0 : index
        %get3A_688 = tpu.vector_load %arg11[%get3A_686, %get3A_687] {strides = array<i32>} : memref<640x16xf32, #tpu.memory_space<vmem>>, vector<16xf32>,
        %broadcast_in_dim3A_689 = arith.constant 1.000000e+00 : f32
        %broadcast_in_dim3A_690 = vector.broadcast %broadcast_in_dim3A_689 : f32 to vector<16xf32>
        %mul3A_691 = vector.broadcast %reduce_sum3A_681 : f32 to vector<16xf32>
        %mul3A_692 = arith.mulf %broadcast_in_dim3A_690, %mul3A_691 : vector<16xf32>
        %swap3A_693 = arith.index_cast %add3A_685 : i32 to index
        %swap3A_694 = arith.constant 0 : index
        %swap3A_695 = tpu.vector_load %arg16[%swap3A_693, %swap3A_694] {strides = array<i32>} : memref<640x16xf32, #tpu.memory_space<vmem>>, vector<16xf32>,
        tpu.vector_store %arg16[%swap3A_693, %swap3A_694], %mul3A_692 {strides = array<i32>} : memref<640x16xf32, #tpu.memory_space<vmem>>, vector<16xf32>,
        %get3A_696 = arith.index_cast %add3A_685 : i32 to index
        %get3A_697 = arith.constant 0 : index
        %get3A_698 = tpu.vector_load %arg16[%get3A_696, %get3A_697] {strides = array<i32>} : memref<640x16xf32, #tpu.memory_space<vmem>>, vector<16xf32>,
        %mul3A_699 = arith.constant 0.899999976 : f32
        %mul3A_700 = arith.mulf %mul3A_699, %reduce_sum3A_681 : f32
        %mul3A_701 = vector.broadcast %mul3A_700 : f32 to vector<16xf32>
        %mul3A_702 = arith.mulf %get3A_698, %mul3A_701 : vector<16xf32>
        %swap3A_703 = arith.index_cast %add3A_685 : i32 to index
        %swap3A_704 = arith.constant 0 : index
        %swap3A_705 = tpu.vector_load %arg14[%swap3A_703, %swap3A_704] {strides = array<i32>} : memref<640x16xf32, #tpu.memory_space<vmem>>, vector<16xf32>,
        tpu.vector_store %arg14[%swap3A_703, %swap3A_704], %mul3A_702 {strides = array<i32>} : memref<640x16xf32, #tpu.memory_space<vmem>>, vector<16xf32>,
        %mul3A_706 = arith.constant 1.000000e-01 : f32
        %mul3A_707 = arith.mulf %mul3A_706, %reduce_sum3A_681 : f32
        %mul3A_708 = vector.broadcast %mul3A_707 : f32 to vector<16xf32>
        %mul3A_709 = arith.mulf %mul3A_708, %get3A_688 : vector<16xf32>
        %swap3A_710 = arith.index_cast %add3A_685 : i32 to index
        %swap3A_711 = arith.constant 0 : index
        %swap3A_712 = tpu.vector_load %arg15[%swap3A_710, %swap3A_711] {strides = array<i32>} : memref<640x16xf32, #tpu.memory_space<vmem>>, vector<16xf32>,
        tpu.vector_store %arg15[%swap3A_710, %swap3A_711], %mul3A_709 {strides = array<i32>} : memref<640x16xf32, #tpu.memory_space<vmem>>, vector<16xf32>,
        %mul3A_713 = vector.broadcast %reduce_sum3A_681 : f32 to vector<16xf32>
        %mul3A_714 = arith.mulf %mul3A_713, %get3A_688 : vector<16xf32>
        %swap3A_715 = arith.index_cast %add3A_685 : i32 to index
        %swap3A_716 = arith.constant 0 : index
        %swap3A_717 = tpu.vector_load %arg13[%swap3A_715, %swap3A_716] {strides = array<i32>} : memref<640x16xf32, #tpu.memory_space<vmem>>, vector<16xf32>,
        tpu.vector_store %arg13[%swap3A_715, %swap3A_716], %mul3A_714 {strides = array<i32>} : memref<640x16xf32, #tpu.memory_space<vmem>>, vector<16xf32>,
        %eq3A_718 = arith.constant 13 : i32
        %eq3A_719 = vector.broadcast %eq3A_718 : i32 to vector<16xi32>
        %eq3A_720 = arith.cmpi eq, %iota3A, %eq3A_719 : vector<16xi32>
        %jit3A_721 = arith.constant 1.000000e+00 : f32
        %jit3A_722 = arith.constant 0.000000e+00 : f32
        %broadcast_in_dim3A_723 = vector.broadcast %jit3A_721 : f32 to vector<16xf32>
        %broadcast_in_dim3A_724 = vector.broadcast %jit3A_722 : f32 to vector<16xf32>
        %select_n3A_725 = arith.select %eq3A_720, %broadcast_in_dim3A_723, %broadcast_in_dim3A_724 : vector<16xi1>, vector<16xf32>
        %mul3A_726 = arith.mulf %mul3A_84, %select_n3A_725 : vector<16xf32>
        %reduce_sum3A_727 = arith.constant true
        %reduce_sum3A_728 = vector.broadcast %reduce_sum3A_727 : i1 to vector<16xi1>
        %reduce_sum3A_729 = tpu.scan <sum>, %mul3A_726 masked %reduce_sum3A_728 : vector<16xf32>, vector<16xi1> -> vector<16xf32>
        %reduce_sum3A_730 = vector.extract %reduce_sum3A_729[15] : f32 from vector<16xf32>
        %mul3A_731 = arith.constant 16 : i32
        %mul3A_732 = arith.muli %add3A_47, %mul3A_731 : i32
        %add3A_733 = arith.constant 13 : i32
        %add3A_734 = arith.addi %mul3A_732, %add3A_733 : i32
        %get3A_735 = arith.index_cast %add3A_734 : i32 to index
        %get3A_736 = arith.constant 0 : index
        %get3A_737 = tpu.vector_load %arg11[%get3A_735, %get3A_736] {strides = array<i32>} : memref<640x16xf32, #tpu.memory_space<vmem>>, vector<16xf32>,
        %broadcast_in_dim3A_738 = arith.constant 1.000000e+00 : f32
        %broadcast_in_dim3A_739 = vector.broadcast %broadcast_in_dim3A_738 : f32 to vector<16xf32>
        %mul3A_740 = vector.broadcast %reduce_sum3A_730 : f32 to vector<16xf32>
        %mul3A_741 = arith.mulf %broadcast_in_dim3A_739, %mul3A_740 : vector<16xf32>
        %swap3A_742 = arith.index_cast %add3A_734 : i32 to index
        %swap3A_743 = arith.constant 0 : index
        %swap3A_744 = tpu.vector_load %arg16[%swap3A_742, %swap3A_743] {strides = array<i32>} : memref<640x16xf32, #tpu.memory_space<vmem>>, vector<16xf32>,
        tpu.vector_store %arg16[%swap3A_742, %swap3A_743], %mul3A_741 {strides = array<i32>} : memref<640x16xf32, #tpu.memory_space<vmem>>, vector<16xf32>,
        %get3A_745 = arith.index_cast %add3A_734 : i32 to index
        %get3A_746 = arith.constant 0 : index
        %get3A_747 = tpu.vector_load %arg16[%get3A_745, %get3A_746] {strides = array<i32>} : memref<640x16xf32, #tpu.memory_space<vmem>>, vector<16xf32>,
        %mul3A_748 = arith.constant 0.899999976 : f32
        %mul3A_749 = arith.mulf %mul3A_748, %reduce_sum3A_730 : f32
        %mul3A_750 = vector.broadcast %mul3A_749 : f32 to vector<16xf32>
        %mul3A_751 = arith.mulf %get3A_747, %mul3A_750 : vector<16xf32>
        %swap3A_752 = arith.index_cast %add3A_734 : i32 to index
        %swap3A_753 = arith.constant 0 : index
        %swap3A_754 = tpu.vector_load %arg14[%swap3A_752, %swap3A_753] {strides = array<i32>} : memref<640x16xf32, #tpu.memory_space<vmem>>, vector<16xf32>,
        tpu.vector_store %arg14[%swap3A_752, %swap3A_753], %mul3A_751 {strides = array<i32>} : memref<640x16xf32, #tpu.memory_space<vmem>>, vector<16xf32>,
        %mul3A_755 = arith.constant 1.000000e-01 : f32
        %mul3A_756 = arith.mulf %mul3A_755, %reduce_sum3A_730 : f32
        %mul3A_757 = vector.broadcast %mul3A_756 : f32 to vector<16xf32>
        %mul3A_758 = arith.mulf %mul3A_757, %get3A_737 : vector<16xf32>
        %swap3A_759 = arith.index_cast %add3A_734 : i32 to index
        %swap3A_760 = arith.constant 0 : index
        %swap3A_761 = tpu.vector_load %arg15[%swap3A_759, %swap3A_760] {strides = array<i32>} : memref<640x16xf32, #tpu.memory_space<vmem>>, vector<16xf32>,
        tpu.vector_store %arg15[%swap3A_759, %swap3A_760], %mul3A_758 {strides = array<i32>} : memref<640x16xf32, #tpu.memory_space<vmem>>, vector<16xf32>,
        %mul3A_762 = vector.broadcast %reduce_sum3A_730 : f32 to vector<16xf32>
        %mul3A_763 = arith.mulf %mul3A_762, %get3A_737 : vector<16xf32>
        %swap3A_764 = arith.index_cast %add3A_734 : i32 to index
        %swap3A_765 = arith.constant 0 : index
        %swap3A_766 = tpu.vector_load %arg13[%swap3A_764, %swap3A_765] {strides = array<i32>} : memref<640x16xf32, #tpu.memory_space<vmem>>, vector<16xf32>,
        tpu.vector_store %arg13[%swap3A_764, %swap3A_765], %mul3A_763 {strides = array<i32>} : memref<640x16xf32, #tpu.memory_space<vmem>>, vector<16xf32>,
        %eq3A_767 = arith.constant 14 : i32
        %eq3A_768 = vector.broadcast %eq3A_767 : i32 to vector<16xi32>
        %eq3A_769 = arith.cmpi eq, %iota3A, %eq3A_768 : vector<16xi32>
        %jit3A_770 = arith.constant 1.000000e+00 : f32
        %jit3A_771 = arith.constant 0.000000e+00 : f32
        %broadcast_in_dim3A_772 = vector.broadcast %jit3A_770 : f32 to vector<16xf32>
        %broadcast_in_dim3A_773 = vector.broadcast %jit3A_771 : f32 to vector<16xf32>
        %select_n3A_774 = arith.select %eq3A_769, %broadcast_in_dim3A_772, %broadcast_in_dim3A_773 : vector<16xi1>, vector<16xf32>
        %mul3A_775 = arith.mulf %mul3A_84, %select_n3A_774 : vector<16xf32>
        %reduce_sum3A_776 = arith.constant true
        %reduce_sum3A_777 = vector.broadcast %reduce_sum3A_776 : i1 to vector<16xi1>
        %reduce_sum3A_778 = tpu.scan <sum>, %mul3A_775 masked %reduce_sum3A_777 : vector<16xf32>, vector<16xi1> -> vector<16xf32>
        %reduce_sum3A_779 = vector.extract %reduce_sum3A_778[15] : f32 from vector<16xf32>
        %mul3A_780 = arith.constant 16 : i32
        %mul3A_781 = arith.muli %add3A_47, %mul3A_780 : i32
        %add3A_782 = arith.constant 14 : i32
        %add3A_783 = arith.addi %mul3A_781, %add3A_782 : i32
        %get3A_784 = arith.index_cast %add3A_783 : i32 to index
        %get3A_785 = arith.constant 0 : index
        %get3A_786 = tpu.vector_load %arg11[%get3A_784, %get3A_785] {strides = array<i32>} : memref<640x16xf32, #tpu.memory_space<vmem>>, vector<16xf32>,
        %broadcast_in_dim3A_787 = arith.constant 1.000000e+00 : f32
        %broadcast_in_dim3A_788 = vector.broadcast %broadcast_in_dim3A_787 : f32 to vector<16xf32>
        %mul3A_789 = vector.broadcast %reduce_sum3A_779 : f32 to vector<16xf32>
        %mul3A_790 = arith.mulf %broadcast_in_dim3A_788, %mul3A_789 : vector<16xf32>
        %swap3A_791 = arith.index_cast %add3A_783 : i32 to index
        %swap3A_792 = arith.constant 0 : index
        %swap3A_793 = tpu.vector_load %arg16[%swap3A_791, %swap3A_792] {strides = array<i32>} : memref<640x16xf32, #tpu.memory_space<vmem>>, vector<16xf32>,
        tpu.vector_store %arg16[%swap3A_791, %swap3A_792], %mul3A_790 {strides = array<i32>} : memref<640x16xf32, #tpu.memory_space<vmem>>, vector<16xf32>,
        %get3A_794 = arith.index_cast %add3A_783 : i32 to index
        %get3A_795 = arith.constant 0 : index
        %get3A_796 = tpu.vector_load %arg16[%get3A_794, %get3A_795] {strides = array<i32>} : memref<640x16xf32, #tpu.memory_space<vmem>>, vector<16xf32>,
        %mul3A_797 = arith.constant 0.899999976 : f32
        %mul3A_798 = arith.mulf %mul3A_797, %reduce_sum3A_779 : f32
        %mul3A_799 = vector.broadcast %mul3A_798 : f32 to vector<16xf32>
        %mul3A_800 = arith.mulf %get3A_796, %mul3A_799 : vector<16xf32>
        %swap3A_801 = arith.index_cast %add3A_783 : i32 to index
        %swap3A_802 = arith.constant 0 : index
        %swap3A_803 = tpu.vector_load %arg14[%swap3A_801, %swap3A_802] {strides = array<i32>} : memref<640x16xf32, #tpu.memory_space<vmem>>, vector<16xf32>,
        tpu.vector_store %arg14[%swap3A_801, %swap3A_802], %mul3A_800 {strides = array<i32>} : memref<640x16xf32, #tpu.memory_space<vmem>>, vector<16xf32>,
        %mul3A_804 = arith.constant 1.000000e-01 : f32
        %mul3A_805 = arith.mulf %mul3A_804, %reduce_sum3A_779 : f32
        %mul3A_806 = vector.broadcast %mul3A_805 : f32 to vector<16xf32>
        %mul3A_807 = arith.mulf %mul3A_806, %get3A_786 : vector<16xf32>
        %swap3A_808 = arith.index_cast %add3A_783 : i32 to index
        %swap3A_809 = arith.constant 0 : index
        %swap3A_810 = tpu.vector_load %arg15[%swap3A_808, %swap3A_809] {strides = array<i32>} : memref<640x16xf32, #tpu.memory_space<vmem>>, vector<16xf32>,
        tpu.vector_store %arg15[%swap3A_808, %swap3A_809], %mul3A_807 {strides = array<i32>} : memref<640x16xf32, #tpu.memory_space<vmem>>, vector<16xf32>,
        %mul3A_811 = vector.broadcast %reduce_sum3A_779 : f32 to vector<16xf32>
        %mul3A_812 = arith.mulf %mul3A_811, %get3A_786 : vector<16xf32>
        %swap3A_813 = arith.index_cast %add3A_783 : i32 to index
        %swap3A_814 = arith.constant 0 : index
        %swap3A_815 = tpu.vector_load %arg13[%swap3A_813, %swap3A_814] {strides = array<i32>} : memref<640x16xf32, #tpu.memory_space<vmem>>, vector<16xf32>,
        tpu.vector_store %arg13[%swap3A_813, %swap3A_814], %mul3A_812 {strides = array<i32>} : memref<640x16xf32, #tpu.memory_space<vmem>>, vector<16xf32>,
        %eq3A_816 = arith.constant 15 : i32
        %eq3A_817 = vector.broadcast %eq3A_816 : i32 to vector<16xi32>
        %eq3A_818 = arith.cmpi eq, %iota3A, %eq3A_817 : vector<16xi32>
        %jit3A_819 = arith.constant 1.000000e+00 : f32
        %jit3A_820 = arith.constant 0.000000e+00 : f32
        %broadcast_in_dim3A_821 = vector.broadcast %jit3A_819 : f32 to vector<16xf32>
        %broadcast_in_dim3A_822 = vector.broadcast %jit3A_820 : f32 to vector<16xf32>
        %select_n3A_823 = arith.select %eq3A_818, %broadcast_in_dim3A_821, %broadcast_in_dim3A_822 : vector<16xi1>, vector<16xf32>
        %mul3A_824 = arith.mulf %mul3A_84, %select_n3A_823 : vector<16xf32>
        %reduce_sum3A_825 = arith.constant true
        %reduce_sum3A_826 = vector.broadcast %reduce_sum3A_825 : i1 to vector<16xi1>
        %reduce_sum3A_827 = tpu.scan <sum>, %mul3A_824 masked %reduce_sum3A_826 : vector<16xf32>, vector<16xi1> -> vector<16xf32>
        %reduce_sum3A_828 = vector.extract %reduce_sum3A_827[15] : f32 from vector<16xf32>
        %mul3A_829 = arith.constant 16 : i32
        %mul3A_830 = arith.muli %add3A_47, %mul3A_829 : i32
        %add3A_831 = arith.constant 15 : i32
        %add3A_832 = arith.addi %mul3A_830, %add3A_831 : i32
        %get3A_833 = arith.index_cast %add3A_832 : i32 to index
        %get3A_834 = arith.constant 0 : index
        %get3A_835 = tpu.vector_load %arg11[%get3A_833, %get3A_834] {strides = array<i32>} : memref<640x16xf32, #tpu.memory_space<vmem>>, vector<16xf32>,
        %broadcast_in_dim3A_836 = arith.constant 1.000000e+00 : f32
        %broadcast_in_dim3A_837 = vector.broadcast %broadcast_in_dim3A_836 : f32 to vector<16xf32>
        %mul3A_838 = vector.broadcast %reduce_sum3A_828 : f32 to vector<16xf32>
        %mul3A_839 = arith.mulf %broadcast_in_dim3A_837, %mul3A_838 : vector<16xf32>
        %swap3A_840 = arith.index_cast %add3A_832 : i32 to index
        %swap3A_841 = arith.constant 0 : index
        %swap3A_842 = tpu.vector_load %arg16[%swap3A_840, %swap3A_841] {strides = array<i32>} : memref<640x16xf32, #tpu.memory_space<vmem>>, vector<16xf32>,
        tpu.vector_store %arg16[%swap3A_840, %swap3A_841], %mul3A_839 {strides = array<i32>} : memref<640x16xf32, #tpu.memory_space<vmem>>, vector<16xf32>,
        %get3A_843 = arith.index_cast %add3A_832 : i32 to index
        %get3A_844 = arith.constant 0 : index
        %get3A_845 = tpu.vector_load %arg16[%get3A_843, %get3A_844] {strides = array<i32>} : memref<640x16xf32, #tpu.memory_space<vmem>>, vector<16xf32>,
        %mul3A_846 = arith.constant 0.899999976 : f32
        %mul3A_847 = arith.mulf %mul3A_846, %reduce_sum3A_828 : f32
        %mul3A_848 = vector.broadcast %mul3A_847 : f32 to vector<16xf32>
        %mul3A_849 = arith.mulf %get3A_845, %mul3A_848 : vector<16xf32>
        %swap3A_850 = arith.index_cast %add3A_832 : i32 to index
        %swap3A_851 = arith.constant 0 : index
        %swap3A_852 = tpu.vector_load %arg14[%swap3A_850, %swap3A_851] {strides = array<i32>} : memref<640x16xf32, #tpu.memory_space<vmem>>, vector<16xf32>,
        tpu.vector_store %arg14[%swap3A_850, %swap3A_851], %mul3A_849 {strides = array<i32>} : memref<640x16xf32, #tpu.memory_space<vmem>>, vector<16xf32>,
        %mul3A_853 = arith.constant 1.000000e-01 : f32
        %mul3A_854 = arith.mulf %mul3A_853, %reduce_sum3A_828 : f32
        %mul3A_855 = vector.broadcast %mul3A_854 : f32 to vector<16xf32>
        %mul3A_856 = arith.mulf %mul3A_855, %get3A_835 : vector<16xf32>
        %swap3A_857 = arith.index_cast %add3A_832 : i32 to index
        %swap3A_858 = arith.constant 0 : index
        %swap3A_859 = tpu.vector_load %arg15[%swap3A_857, %swap3A_858] {strides = array<i32>} : memref<640x16xf32, #tpu.memory_space<vmem>>, vector<16xf32>,
        tpu.vector_store %arg15[%swap3A_857, %swap3A_858], %mul3A_856 {strides = array<i32>} : memref<640x16xf32, #tpu.memory_space<vmem>>, vector<16xf32>,
        %mul3A_860 = vector.broadcast %reduce_sum3A_828 : f32 to vector<16xf32>
        %mul3A_861 = arith.mulf %mul3A_860, %get3A_835 : vector<16xf32>
        %swap3A_862 = arith.index_cast %add3A_832 : i32 to index
        %swap3A_863 = arith.constant 0 : index
        %swap3A_864 = tpu.vector_load %arg13[%swap3A_862, %swap3A_863] {strides = array<i32>} : memref<640x16xf32, #tpu.memory_space<vmem>>, vector<16xf32>,
        tpu.vector_store %arg13[%swap3A_862, %swap3A_863], %mul3A_861 {strides = array<i32>} : memref<640x16xf32, #tpu.memory_space<vmem>>, vector<16xf32>,
      }
      %scan3A_32 = arith.constant 40 : i32
      "tpu.region"() ({
        %run_scoped3A = tpu.sem_alloc : memref<!tpu.dma_semaphore, #tpu.memory_space<semaphore_mem>>
        %dma_start3A = arith.constant 0 : i32
        %dma_start3A_44 = tpu.memref_slice %arg6[%mul3A_2, %dma_start3A] : memref<10240x16xf32, #tpu.memory_space<vmem_shared>> -> memref<640x16xf32, #tpu.memory_space<vmem_shared>>
        %dma_start3A_45 = arith.constant 0 : i32
        %dma_start3A_46 = tpu.memref_slice %arg6[%mul3A_2, %dma_start3A_45] : memref<10240x16xf32, #tpu.memory_space<vmem_shared>> -> memref<640x16xf32, #tpu.memory_space<vmem_shared>>
        tpu.enqueue_dma source(%arg13 : memref<640x16xf32, #tpu.memory_space<vmem>>) target(%dma_start3A_46 : memref<640x16xf32, #tpu.memory_space<vmem_shared>>) target_semaphore(%run_scoped3A : memref<!tpu.dma_semaphore, #tpu.memory_space<semaphore_mem>>)
        %dma_wait3A = arith.constant 0 : i32
        %dma_wait3A_47 = tpu.memref_slice %arg6[%mul3A_2, %dma_wait3A] : memref<10240x16xf32, #tpu.memory_space<vmem_shared>> -> memref<640x16xf32, #tpu.memory_space<vmem_shared>>
        %dma_wait3A_48 = arith.constant 0 : i32
        %dma_wait3A_49 = tpu.memref_slice %arg6[%mul3A_2, %dma_wait3A_48] : memref<10240x16xf32, #tpu.memory_space<vmem_shared>> -> memref<640x16xf32, #tpu.memory_space<vmem_shared>>
        tpu.wait_dma2 semaphore(%run_scoped3A : memref<!tpu.dma_semaphore, #tpu.memory_space<semaphore_mem>>) src(%arg13 : memref<640x16xf32, #tpu.memory_space<vmem>>) dst(%dma_wait3A_49 : memref<640x16xf32, #tpu.memory_space<vmem_shared>>)
        tpu.yield
      }) : () -> ()
      %barrier3A_33 = arith.constant 0 : index
      tpu.barrier barrier_id(%barrier3A_33)
      %scan3A_34 = arith.constant 0 : i32
      %scan3A_35 = arith.constant 10 : i32
      %scan3A_36 = arith.addi %scan3A_34, %scan3A_35 : i32
      %scan3A_37 = arith.constant 1 : i32
      scf.for %scan3A_44 = %scan3A_34 to %scan3A_36 step %scan3A_37  : i32 {
        %mul3A_45 = arith.constant 1 : i32
        %mul3A_46 = arith.muli %scan3A_44, %mul3A_45 : i32
        %add3A = arith.constant 0 : i32
        %add3A_47 = arith.addi %add3A, %mul3A_46 : i32
        %dma_start3A = arith.constant 0 : i32
        %dma_start3A_48 = arith.constant 0 : i32
        %dma_start3A_49 = arith.constant 0 : i32
        %dma_start3A_50 = tpu.memref_slice %arg10[%dma_start3A_48, %dma_start3A_49] : memref<640x16xf32, #tpu.memory_space<vmem>> -> memref<512x16xf32, #tpu.memory_space<vmem>>
        %dma_start3A_51 = arith.constant 0 : i32
        %dma_start3A_52 = tpu.memref_slice %arg8[%dma_start3A, %dma_start3A_51] : memref<40x512xi32, #tpu.memory_space<vmem>> -> memref<1x512xi32, #tpu.memory_space<vmem>>
        %dma_start3A_53 = tpu.memref_squeeze %dma_start3A_52 : memref<1x512xi32, #tpu.memory_space<vmem>> -> memref<512xi32, #tpu.memory_space<vmem>>
        %dma_start3A_54 = arith.constant 0 : i32
        %dma_start3A_55 = arith.constant 0 : i32
        %dma_start3A_56 = tpu.memref_slice %arg6[%dma_start3A_54, %dma_start3A_55] : memref<10240x16xf32, #tpu.memory_space<vmem_shared>> -> memref<10240x16xf32, #tpu.memory_space<vmem_shared>>
        tpu.enqueue_indirect_dma source(%dma_start3A_56 : memref<10240x16xf32, #tpu.memory_space<vmem_shared>>) target(%dma_start3A_50 : memref<512x16xf32, #tpu.memory_space<vmem>>) offsets(%dma_start3A_53 : memref<512xi32, #tpu.memory_space<vmem>>) semaphore(%arg20 : memref<!tpu.dma_semaphore, #tpu.memory_space<semaphore_mem>>)
        %scan3A_57 = arith.constant 0 : i32
        %scan3A_58 = arith.constant 20 : i32
        %scan3A_59 = arith.addi %scan3A_57, %scan3A_58 : i32
        %scan3A_60 = arith.constant 1 : i32
        scf.for %scan3A_83 = %scan3A_57 to %scan3A_59 step %scan3A_60  : i32 {
          %mul3A_84 = arith.constant 2 : i32
          %mul3A_85 = arith.muli %scan3A_83, %mul3A_84 : i32
          %add3A_86 = arith.constant 0 : i32
          %add3A_87 = arith.addi %add3A_86, %mul3A_85 : i32
          %dma_wait3A_88 = arith.constant 0 : i32
          %dma_wait3A_89 = arith.constant 0 : i32
          %dma_wait3A_90 = tpu.memref_slice %arg10[%dma_wait3A_88, %dma_wait3A_89] : memref<640x16xf32, #tpu.memory_space<vmem>> -> memref<512x16xf32, #tpu.memory_space<vmem>>
          %dma_wait3A_91 = arith.constant 0 : i32
          %dma_wait3A_92 = tpu.memref_slice %arg8[%add3A_87, %dma_wait3A_91] : memref<40x512xi32, #tpu.memory_space<vmem>> -> memref<1x512xi32, #tpu.memory_space<vmem>>
          %dma_wait3A_93 = tpu.memref_squeeze %dma_wait3A_92 : memref<1x512xi32, #tpu.memory_space<vmem>> -> memref<512xi32, #tpu.memory_space<vmem>>
          %dma_wait3A_94 = arith.constant 0 : i32
          %dma_wait3A_95 = arith.constant 0 : i32
          %dma_wait3A_96 = tpu.memref_slice %arg6[%dma_wait3A_94, %dma_wait3A_95] : memref<10240x16xf32, #tpu.memory_space<vmem_shared>> -> memref<10240x16xf32, #tpu.memory_space<vmem_shared>>
          tpu.wait_indirect_dma semaphore(%arg20 : memref<!tpu.dma_semaphore, #tpu.memory_space<semaphore_mem>>) src(%dma_wait3A_96 : memref<10240x16xf32, #tpu.memory_space<vmem_shared>>) dst(%dma_wait3A_90 : memref<512x16xf32, #tpu.memory_space<vmem>>)
          %dma_start3A_97 = arith.constant 0 : i32
          %dma_start3A_98 = arith.constant 0 : i32
          %dma_start3A_99 = tpu.memref_slice %arg10[%dma_start3A_97, %dma_start3A_98] : memref<640x16xf32, #tpu.memory_space<vmem>> -> memref<512x16xf32, #tpu.memory_space<vmem>>
          %dma_start3A_100 = arith.constant 0 : i32
          %dma_start3A_101 = tpu.memref_slice %arg9[%add3A_87, %dma_start3A_100] : memref<40x512xi32, #tpu.memory_space<vmem>> -> memref<1x512xi32, #tpu.memory_space<vmem>>
          %dma_start3A_102 = tpu.memref_squeeze %dma_start3A_101 : memref<1x512xi32, #tpu.memory_space<vmem>> -> memref<512xi32, #tpu.memory_space<vmem>>
          %dma_start3A_103 = arith.constant 0 : i32
          %dma_start3A_104 = arith.constant 0 : i32
          %dma_start3A_105 = tpu.memref_slice %arg7[%dma_start3A_103, %dma_start3A_104] : memref<10240x16xf32, #tpu.memory_space<vmem_shared>> -> memref<10240x16xf32, #tpu.memory_space<vmem_shared>>
          tpu.enqueue_indirect_dma source(%dma_start3A_99 : memref<512x16xf32, #tpu.memory_space<vmem>>) target(%dma_start3A_105 : memref<10240x16xf32, #tpu.memory_space<vmem_shared>>) offsets(%dma_start3A_102 : memref<512xi32, #tpu.memory_space<vmem>>) semaphore(%arg22 : memref<!tpu.dma_semaphore, #tpu.memory_space<semaphore_mem>>) {add = true}
          %add3A_106 = arith.constant 1 : i32
          %add3A_107 = arith.addi %add3A_87, %add3A_106 : i32
          %dma_start3A_108 = arith.constant 0 : i32
          %dma_start3A_109 = arith.constant 0 : i32
          %dma_start3A_110 = tpu.memref_slice %arg11[%dma_start3A_108, %dma_start3A_109] : memref<640x16xf32, #tpu.memory_space<vmem>> -> memref<512x16xf32, #tpu.memory_space<vmem>>
          %dma_start3A_111 = arith.constant 0 : i32
          %dma_start3A_112 = tpu.memref_slice %arg8[%add3A_107, %dma_start3A_111] : memref<40x512xi32, #tpu.memory_space<vmem>> -> memref<1x512xi32, #tpu.memory_space<vmem>>
          %dma_start3A_113 = tpu.memref_squeeze %dma_start3A_112 : memref<1x512xi32, #tpu.memory_space<vmem>> -> memref<512xi32, #tpu.memory_space<vmem>>
          %dma_start3A_114 = arith.constant 0 : i32
          %dma_start3A_115 = arith.constant 0 : i32
          %dma_start3A_116 = tpu.memref_slice %arg6[%dma_start3A_114, %dma_start3A_115] : memref<10240x16xf32, #tpu.memory_space<vmem_shared>> -> memref<10240x16xf32, #tpu.memory_space<vmem_shared>>
          tpu.enqueue_indirect_dma source(%dma_start3A_116 : memref<10240x16xf32, #tpu.memory_space<vmem_shared>>) target(%dma_start3A_110 : memref<512x16xf32, #tpu.memory_space<vmem>>) offsets(%dma_start3A_113 : memref<512xi32, #tpu.memory_space<vmem>>) semaphore(%arg21 : memref<!tpu.dma_semaphore, #tpu.memory_space<semaphore_mem>>)
          %add3A_117 = arith.constant 1 : i32
          %add3A_118 = arith.addi %add3A_87, %add3A_117 : i32
          %dma_wait3A_119 = arith.constant 0 : i32
          %dma_wait3A_120 = arith.constant 0 : i32
          %dma_wait3A_121 = tpu.memref_slice %arg11[%dma_wait3A_119, %dma_wait3A_120] : memref<640x16xf32, #tpu.memory_space<vmem>> -> memref<512x16xf32, #tpu.memory_space<vmem>>
          %dma_wait3A_122 = arith.constant 0 : i32
          %dma_wait3A_123 = tpu.memref_slice %arg8[%add3A_118, %dma_wait3A_122] : memref<40x512xi32, #tpu.memory_space<vmem>> -> memref<1x512xi32, #tpu.memory_space<vmem>>
          %dma_wait3A_124 = tpu.memref_squeeze %dma_wait3A_123 : memref<1x512xi32, #tpu.memory_space<vmem>> -> memref<512xi32, #tpu.memory_space<vmem>>
          %dma_wait3A_125 = arith.constant 0 : i32
          %dma_wait3A_126 = arith.constant 0 : i32
          %dma_wait3A_127 = tpu.memref_slice %arg6[%dma_wait3A_125, %dma_wait3A_126] : memref<10240x16xf32, #tpu.memory_space<vmem_shared>> -> memref<10240x16xf32, #tpu.memory_space<vmem_shared>>
          tpu.wait_indirect_dma semaphore(%arg21 : memref<!tpu.dma_semaphore, #tpu.memory_space<semaphore_mem>>) src(%dma_wait3A_127 : memref<10240x16xf32, #tpu.memory_space<vmem_shared>>) dst(%dma_wait3A_121 : memref<512x16xf32, #tpu.memory_space<vmem>>)
          %dma_wait3A_128 = arith.constant 0 : i32
          %dma_wait3A_129 = arith.constant 0 : i32
          %dma_wait3A_130 = tpu.memref_slice %arg10[%dma_wait3A_128, %dma_wait3A_129] : memref<640x16xf32, #tpu.memory_space<vmem>> -> memref<512x16xf32, #tpu.memory_space<vmem>>
          %dma_wait3A_131 = arith.constant 0 : i32
          %dma_wait3A_132 = tpu.memref_slice %arg9[%add3A_87, %dma_wait3A_131] : memref<40x512xi32, #tpu.memory_space<vmem>> -> memref<1x512xi32, #tpu.memory_space<vmem>>
          %dma_wait3A_133 = tpu.memref_squeeze %dma_wait3A_132 : memref<1x512xi32, #tpu.memory_space<vmem>> -> memref<512xi32, #tpu.memory_space<vmem>>
          %dma_wait3A_134 = arith.constant 0 : i32
          %dma_wait3A_135 = arith.constant 0 : i32
          %dma_wait3A_136 = tpu.memref_slice %arg7[%dma_wait3A_134, %dma_wait3A_135] : memref<10240x16xf32, #tpu.memory_space<vmem_shared>> -> memref<10240x16xf32, #tpu.memory_space<vmem_shared>>
          tpu.wait_indirect_dma semaphore(%arg22 : memref<!tpu.dma_semaphore, #tpu.memory_space<semaphore_mem>>) src(%dma_wait3A_130 : memref<512x16xf32, #tpu.memory_space<vmem>>) dst(%dma_wait3A_136 : memref<10240x16xf32, #tpu.memory_space<vmem_shared>>)
          %add3A_137 = arith.constant 1 : i32
          %add3A_138 = arith.addi %add3A_87, %add3A_137 : i32
          %dma_start3A_139 = arith.constant 0 : i32
          %dma_start3A_140 = arith.constant 0 : i32
          %dma_start3A_141 = tpu.memref_slice %arg11[%dma_start3A_139, %dma_start3A_140] : memref<640x16xf32, #tpu.memory_space<vmem>> -> memref<512x16xf32, #tpu.memory_space<vmem>>
          %dma_start3A_142 = arith.constant 0 : i32
          %dma_start3A_143 = tpu.memref_slice %arg9[%add3A_138, %dma_start3A_142] : memref<40x512xi32, #tpu.memory_space<vmem>> -> memref<1x512xi32, #tpu.memory_space<vmem>>
          %dma_start3A_144 = tpu.memref_squeeze %dma_start3A_143 : memref<1x512xi32, #tpu.memory_space<vmem>> -> memref<512xi32, #tpu.memory_space<vmem>>
          %dma_start3A_145 = arith.constant 0 : i32
          %dma_start3A_146 = arith.constant 0 : i32
          %dma_start3A_147 = tpu.memref_slice %arg7[%dma_start3A_145, %dma_start3A_146] : memref<10240x16xf32, #tpu.memory_space<vmem_shared>> -> memref<10240x16xf32, #tpu.memory_space<vmem_shared>>
          tpu.enqueue_indirect_dma source(%dma_start3A_141 : memref<512x16xf32, #tpu.memory_space<vmem>>) target(%dma_start3A_147 : memref<10240x16xf32, #tpu.memory_space<vmem_shared>>) offsets(%dma_start3A_144 : memref<512xi32, #tpu.memory_space<vmem>>) semaphore(%arg23 : memref<!tpu.dma_semaphore, #tpu.memory_space<semaphore_mem>>) {add = true}
          %add3A_148 = arith.constant 2 : i32
          %add3A_149 = arith.addi %add3A_87, %add3A_148 : i32
          %min3A = arith.constant 39 : i32
          %min3A_150 = arith.minsi %add3A_149, %min3A : i32
          %dma_start3A_151 = arith.constant 0 : i32
          %dma_start3A_152 = arith.constant 0 : i32
          %dma_start3A_153 = tpu.memref_slice %arg10[%dma_start3A_151, %dma_start3A_152] : memref<640x16xf32, #tpu.memory_space<vmem>> -> memref<512x16xf32, #tpu.memory_space<vmem>>
          %dma_start3A_154 = arith.constant 0 : i32
          %dma_start3A_155 = tpu.memref_slice %arg8[%min3A_150, %dma_start3A_154] : memref<40x512xi32, #tpu.memory_space<vmem>> -> memref<1x512xi32, #tpu.memory_space<vmem>>
          %dma_start3A_156 = tpu.memref_squeeze %dma_start3A_155 : memref<1x512xi32, #tpu.memory_space<vmem>> -> memref<512xi32, #tpu.memory_space<vmem>>
          %dma_start3A_157 = arith.constant 0 : i32
          %dma_start3A_158 = arith.constant 0 : i32
          %dma_start3A_159 = tpu.memref_slice %arg6[%dma_start3A_157, %dma_start3A_158] : memref<10240x16xf32, #tpu.memory_space<vmem_shared>> -> memref<10240x16xf32, #tpu.memory_space<vmem_shared>>
          tpu.enqueue_indirect_dma source(%dma_start3A_159 : memref<10240x16xf32, #tpu.memory_space<vmem_shared>>) target(%dma_start3A_153 : memref<512x16xf32, #tpu.memory_space<vmem>>) offsets(%dma_start3A_156 : memref<512xi32, #tpu.memory_space<vmem>>) semaphore(%arg20 : memref<!tpu.dma_semaphore, #tpu.memory_space<semaphore_mem>>)
          %add3A_160 = arith.constant 1 : i32
          %add3A_161 = arith.addi %add3A_87, %add3A_160 : i32
          %dma_wait3A_162 = arith.constant 0 : i32
          %dma_wait3A_163 = arith.constant 0 : i32
          %dma_wait3A_164 = tpu.memref_slice %arg11[%dma_wait3A_162, %dma_wait3A_163] : memref<640x16xf32, #tpu.memory_space<vmem>> -> memref<512x16xf32, #tpu.memory_space<vmem>>
          %dma_wait3A_165 = arith.constant 0 : i32
          %dma_wait3A_166 = tpu.memref_slice %arg9[%add3A_161, %dma_wait3A_165] : memref<40x512xi32, #tpu.memory_space<vmem>> -> memref<1x512xi32, #tpu.memory_space<vmem>>
          %dma_wait3A_167 = tpu.memref_squeeze %dma_wait3A_166 : memref<1x512xi32, #tpu.memory_space<vmem>> -> memref<512xi32, #tpu.memory_space<vmem>>
          %dma_wait3A_168 = arith.constant 0 : i32
          %dma_wait3A_169 = arith.constant 0 : i32
          %dma_wait3A_170 = tpu.memref_slice %arg7[%dma_wait3A_168, %dma_wait3A_169] : memref<10240x16xf32, #tpu.memory_space<vmem_shared>> -> memref<10240x16xf32, #tpu.memory_space<vmem_shared>>
          tpu.wait_indirect_dma semaphore(%arg23 : memref<!tpu.dma_semaphore, #tpu.memory_space<semaphore_mem>>) src(%dma_wait3A_164 : memref<512x16xf32, #tpu.memory_space<vmem>>) dst(%dma_wait3A_170 : memref<10240x16xf32, #tpu.memory_space<vmem_shared>>)
        }
        %scan3A_61 = arith.constant 20 : i32
        %dma_wait3A = arith.constant 0 : i32
        %dma_wait3A_62 = arith.constant 0 : i32
        %dma_wait3A_63 = arith.constant 0 : i32
        %dma_wait3A_64 = tpu.memref_slice %arg10[%dma_wait3A_62, %dma_wait3A_63] : memref<640x16xf32, #tpu.memory_space<vmem>> -> memref<512x16xf32, #tpu.memory_space<vmem>>
        %dma_wait3A_65 = arith.constant 0 : i32
        %dma_wait3A_66 = tpu.memref_slice %arg8[%dma_wait3A, %dma_wait3A_65] : memref<40x512xi32, #tpu.memory_space<vmem>> -> memref<1x512xi32, #tpu.memory_space<vmem>>
        %dma_wait3A_67 = tpu.memref_squeeze %dma_wait3A_66 : memref<1x512xi32, #tpu.memory_space<vmem>> -> memref<512xi32, #tpu.memory_space<vmem>>
        %dma_wait3A_68 = arith.constant 0 : i32
        %dma_wait3A_69 = arith.constant 0 : i32
        %dma_wait3A_70 = tpu.memref_slice %arg6[%dma_wait3A_68, %dma_wait3A_69] : memref<10240x16xf32, #tpu.memory_space<vmem_shared>> -> memref<10240x16xf32, #tpu.memory_space<vmem_shared>>
        tpu.wait_indirect_dma semaphore(%arg20 : memref<!tpu.dma_semaphore, #tpu.memory_space<semaphore_mem>>) src(%dma_wait3A_70 : memref<10240x16xf32, #tpu.memory_space<vmem_shared>>) dst(%dma_wait3A_64 : memref<512x16xf32, #tpu.memory_space<vmem>>)
        %barrier3A_71 = arith.constant 0 : index
        tpu.barrier barrier_id(%barrier3A_71)
        "tpu.region"() ({
          %run_scoped3A = tpu.sem_alloc : memref<!tpu.dma_semaphore, #tpu.memory_space<semaphore_mem>>
          %dma_start3A_83 = arith.constant 0 : i32
          %dma_start3A_84 = tpu.memref_slice %arg7[%mul3A_2, %dma_start3A_83] : memref<10240x16xf32, #tpu.memory_space<vmem_shared>> -> memref<640x16xf32, #tpu.memory_space<vmem_shared>>
          %dma_start3A_85 = arith.constant 0 : i32
          %dma_start3A_86 = tpu.memref_slice %arg7[%mul3A_2, %dma_start3A_85] : memref<10240x16xf32, #tpu.memory_space<vmem_shared>> -> memref<640x16xf32, #tpu.memory_space<vmem_shared>>
          tpu.enqueue_dma source(%dma_start3A_86 : memref<640x16xf32, #tpu.memory_space<vmem_shared>>) target(%arg10 : memref<640x16xf32, #tpu.memory_space<vmem>>) target_semaphore(%run_scoped3A : memref<!tpu.dma_semaphore, #tpu.memory_space<semaphore_mem>>)
          %dma_wait3A_87 = arith.constant 0 : i32
          %dma_wait3A_88 = tpu.memref_slice %arg7[%mul3A_2, %dma_wait3A_87] : memref<10240x16xf32, #tpu.memory_space<vmem_shared>> -> memref<640x16xf32, #tpu.memory_space<vmem_shared>>
          %dma_wait3A_89 = arith.constant 0 : i32
          %dma_wait3A_90 = tpu.memref_slice %arg7[%mul3A_2, %dma_wait3A_89] : memref<10240x16xf32, #tpu.memory_space<vmem_shared>> -> memref<640x16xf32, #tpu.memory_space<vmem_shared>>
          tpu.wait_dma2 semaphore(%run_scoped3A : memref<!tpu.dma_semaphore, #tpu.memory_space<semaphore_mem>>) src(%dma_wait3A_90 : memref<640x16xf32, #tpu.memory_space<vmem_shared>>) dst(%arg10 : memref<640x16xf32, #tpu.memory_space<vmem>>)
          tpu.yield
        }) : () -> ()
        %scan3A_72 = arith.constant 0 : i32
        %scan3A_73 = arith.constant 80 : i32
        %scan3A_74 = arith.addi %scan3A_72, %scan3A_73 : i32
        %scan3A_75 = arith.constant 1 : i32
        scf.for %scan3A_83 = %scan3A_72 to %scan3A_74 step %scan3A_75  : i32 {
          %mul3A_84 = arith.constant 8 : i32
          %mul3A_85 = arith.muli %scan3A_83, %mul3A_84 : i32
          %add3A_86 = arith.constant 0 : i32
          %add3A_87 = arith.addi %add3A_86, %mul3A_85 : i32
          %add3A_88 = arith.constant 0 : i32
          %add3A_89 = arith.addi %add3A_87, %add3A_88 : i32
          %get3A = arith.index_cast %add3A_89 : i32 to index
          %get3A_90 = arith.constant 0 : index
          %get3A_91 = tpu.vector_load %arg14[%get3A, %get3A_90] {strides = array<i32>} : memref<640x16xf32, #tpu.memory_space<vmem>>, vector<16xf32>,
          %get3A_92 = arith.index_cast %add3A_89 : i32 to index
          %get3A_93 = arith.constant 0 : index
          %get3A_94 = tpu.vector_load %arg10[%get3A_92, %get3A_93] {strides = array<i32>} : memref<640x16xf32, #tpu.memory_space<vmem>>, vector<16xf32>,
          %get3A_95 = arith.index_cast %add3A_89 : i32 to index
          %get3A_96 = arith.constant 0 : index
          %get3A_97 = tpu.vector_load %arg13[%get3A_95, %get3A_96] {strides = array<i32>} : memref<640x16xf32, #tpu.memory_space<vmem>>, vector<16xf32>,
          %add3A_98 = arith.addf %get3A_94, %get3A_97 : vector<16xf32>
          %mul3A_99 = arith.mulf %get3A_91, %add3A_98 : vector<16xf32>
          %get3A_100 = arith.index_cast %add3A_89 : i32 to index
          %get3A_101 = arith.constant 0 : index
          %get3A_102 = tpu.vector_load %arg15[%get3A_100, %get3A_101] {strides = array<i32>} : memref<640x16xf32, #tpu.memory_space<vmem>>, vector<16xf32>,
          %add3A_103 = arith.addf %mul3A_99, %get3A_102 : vector<16xf32>
          %swap3A = arith.index_cast %add3A_89 : i32 to index
          %swap3A_104 = arith.constant 0 : index
          %swap3A_105 = tpu.vector_load %arg13[%swap3A, %swap3A_104] {strides = array<i32>} : memref<640x16xf32, #tpu.memory_space<vmem>>, vector<16xf32>,
          tpu.vector_store %arg13[%swap3A, %swap3A_104], %add3A_103 {strides = array<i32>} : memref<640x16xf32, #tpu.memory_space<vmem>>, vector<16xf32>,
          %add3A_106 = arith.constant 1 : i32
          %add3A_107 = arith.addi %add3A_87, %add3A_106 : i32
          %get3A_108 = arith.index_cast %add3A_107 : i32 to index
          %get3A_109 = arith.constant 0 : index
          %get3A_110 = tpu.vector_load %arg14[%get3A_108, %get3A_109] {strides = array<i32>} : memref<640x16xf32, #tpu.memory_space<vmem>>, vector<16xf32>,
          %get3A_111 = arith.index_cast %add3A_107 : i32 to index
          %get3A_112 = arith.constant 0 : index
          %get3A_113 = tpu.vector_load %arg10[%get3A_111, %get3A_112] {strides = array<i32>} : memref<640x16xf32, #tpu.memory_space<vmem>>, vector<16xf32>,
          %get3A_114 = arith.index_cast %add3A_107 : i32 to index
          %get3A_115 = arith.constant 0 : index
          %get3A_116 = tpu.vector_load %arg13[%get3A_114, %get3A_115] {strides = array<i32>} : memref<640x16xf32, #tpu.memory_space<vmem>>, vector<16xf32>,
          %add3A_117 = arith.addf %get3A_113, %get3A_116 : vector<16xf32>
          %mul3A_118 = arith.mulf %get3A_110, %add3A_117 : vector<16xf32>
          %get3A_119 = arith.index_cast %add3A_107 : i32 to index
          %get3A_120 = arith.constant 0 : index
          %get3A_121 = tpu.vector_load %arg15[%get3A_119, %get3A_120] {strides = array<i32>} : memref<640x16xf32, #tpu.memory_space<vmem>>, vector<16xf32>,
          %add3A_122 = arith.addf %mul3A_118, %get3A_121 : vector<16xf32>
          %swap3A_123 = arith.index_cast %add3A_107 : i32 to index
          %swap3A_124 = arith.constant 0 : index
          %swap3A_125 = tpu.vector_load %arg13[%swap3A_123, %swap3A_124] {strides = array<i32>} : memref<640x16xf32, #tpu.memory_space<vmem>>, vector<16xf32>,
          tpu.vector_store %arg13[%swap3A_123, %swap3A_124], %add3A_122 {strides = array<i32>} : memref<640x16xf32, #tpu.memory_space<vmem>>, vector<16xf32>,
          %add3A_126 = arith.constant 2 : i32
          %add3A_127 = arith.addi %add3A_87, %add3A_126 : i32
          %get3A_128 = arith.index_cast %add3A_127 : i32 to index
          %get3A_129 = arith.constant 0 : index
          %get3A_130 = tpu.vector_load %arg14[%get3A_128, %get3A_129] {strides = array<i32>} : memref<640x16xf32, #tpu.memory_space<vmem>>, vector<16xf32>,
          %get3A_131 = arith.index_cast %add3A_127 : i32 to index
          %get3A_132 = arith.constant 0 : index
          %get3A_133 = tpu.vector_load %arg10[%get3A_131, %get3A_132] {strides = array<i32>} : memref<640x16xf32, #tpu.memory_space<vmem>>, vector<16xf32>,
          %get3A_134 = arith.index_cast %add3A_127 : i32 to index
          %get3A_135 = arith.constant 0 : index
          %get3A_136 = tpu.vector_load %arg13[%get3A_134, %get3A_135] {strides = array<i32>} : memref<640x16xf32, #tpu.memory_space<vmem>>, vector<16xf32>,
          %add3A_137 = arith.addf %get3A_133, %get3A_136 : vector<16xf32>
          %mul3A_138 = arith.mulf %get3A_130, %add3A_137 : vector<16xf32>
          %get3A_139 = arith.index_cast %add3A_127 : i32 to index
          %get3A_140 = arith.constant 0 : index
          %get3A_141 = tpu.vector_load %arg15[%get3A_139, %get3A_140] {strides = array<i32>} : memref<640x16xf32, #tpu.memory_space<vmem>>, vector<16xf32>,
          %add3A_142 = arith.addf %mul3A_138, %get3A_141 : vector<16xf32>
          %swap3A_143 = arith.index_cast %add3A_127 : i32 to index
          %swap3A_144 = arith.constant 0 : index
          %swap3A_145 = tpu.vector_load %arg13[%swap3A_143, %swap3A_144] {strides = array<i32>} : memref<640x16xf32, #tpu.memory_space<vmem>>, vector<16xf32>,
          tpu.vector_store %arg13[%swap3A_143, %swap3A_144], %add3A_142 {strides = array<i32>} : memref<640x16xf32, #tpu.memory_space<vmem>>, vector<16xf32>,
          %add3A_146 = arith.constant 3 : i32
          %add3A_147 = arith.addi %add3A_87, %add3A_146 : i32
          %get3A_148 = arith.index_cast %add3A_147 : i32 to index
          %get3A_149 = arith.constant 0 : index
          %get3A_150 = tpu.vector_load %arg14[%get3A_148, %get3A_149] {strides = array<i32>} : memref<640x16xf32, #tpu.memory_space<vmem>>, vector<16xf32>,
          %get3A_151 = arith.index_cast %add3A_147 : i32 to index
          %get3A_152 = arith.constant 0 : index
          %get3A_153 = tpu.vector_load %arg10[%get3A_151, %get3A_152] {strides = array<i32>} : memref<640x16xf32, #tpu.memory_space<vmem>>, vector<16xf32>,
          %get3A_154 = arith.index_cast %add3A_147 : i32 to index
          %get3A_155 = arith.constant 0 : index
          %get3A_156 = tpu.vector_load %arg13[%get3A_154, %get3A_155] {strides = array<i32>} : memref<640x16xf32, #tpu.memory_space<vmem>>, vector<16xf32>,
          %add3A_157 = arith.addf %get3A_153, %get3A_156 : vector<16xf32>
          %mul3A_158 = arith.mulf %get3A_150, %add3A_157 : vector<16xf32>
          %get3A_159 = arith.index_cast %add3A_147 : i32 to index
          %get3A_160 = arith.constant 0 : index
          %get3A_161 = tpu.vector_load %arg15[%get3A_159, %get3A_160] {strides = array<i32>} : memref<640x16xf32, #tpu.memory_space<vmem>>, vector<16xf32>,
          %add3A_162 = arith.addf %mul3A_158, %get3A_161 : vector<16xf32>
          %swap3A_163 = arith.index_cast %add3A_147 : i32 to index
          %swap3A_164 = arith.constant 0 : index
          %swap3A_165 = tpu.vector_load %arg13[%swap3A_163, %swap3A_164] {strides = array<i32>} : memref<640x16xf32, #tpu.memory_space<vmem>>, vector<16xf32>,
          tpu.vector_store %arg13[%swap3A_163, %swap3A_164], %add3A_162 {strides = array<i32>} : memref<640x16xf32, #tpu.memory_space<vmem>>, vector<16xf32>,
          %add3A_166 = arith.constant 4 : i32
          %add3A_167 = arith.addi %add3A_87, %add3A_166 : i32
          %get3A_168 = arith.index_cast %add3A_167 : i32 to index
          %get3A_169 = arith.constant 0 : index
          %get3A_170 = tpu.vector_load %arg14[%get3A_168, %get3A_169] {strides = array<i32>} : memref<640x16xf32, #tpu.memory_space<vmem>>, vector<16xf32>,
          %get3A_171 = arith.index_cast %add3A_167 : i32 to index
          %get3A_172 = arith.constant 0 : index
          %get3A_173 = tpu.vector_load %arg10[%get3A_171, %get3A_172] {strides = array<i32>} : memref<640x16xf32, #tpu.memory_space<vmem>>, vector<16xf32>,
          %get3A_174 = arith.index_cast %add3A_167 : i32 to index
          %get3A_175 = arith.constant 0 : index
          %get3A_176 = tpu.vector_load %arg13[%get3A_174, %get3A_175] {strides = array<i32>} : memref<640x16xf32, #tpu.memory_space<vmem>>, vector<16xf32>,
          %add3A_177 = arith.addf %get3A_173, %get3A_176 : vector<16xf32>
          %mul3A_178 = arith.mulf %get3A_170, %add3A_177 : vector<16xf32>
          %get3A_179 = arith.index_cast %add3A_167 : i32 to index
          %get3A_180 = arith.constant 0 : index
          %get3A_181 = tpu.vector_load %arg15[%get3A_179, %get3A_180] {strides = array<i32>} : memref<640x16xf32, #tpu.memory_space<vmem>>, vector<16xf32>,
          %add3A_182 = arith.addf %mul3A_178, %get3A_181 : vector<16xf32>
          %swap3A_183 = arith.index_cast %add3A_167 : i32 to index
          %swap3A_184 = arith.constant 0 : index
          %swap3A_185 = tpu.vector_load %arg13[%swap3A_183, %swap3A_184] {strides = array<i32>} : memref<640x16xf32, #tpu.memory_space<vmem>>, vector<16xf32>,
          tpu.vector_store %arg13[%swap3A_183, %swap3A_184], %add3A_182 {strides = array<i32>} : memref<640x16xf32, #tpu.memory_space<vmem>>, vector<16xf32>,
          %add3A_186 = arith.constant 5 : i32
          %add3A_187 = arith.addi %add3A_87, %add3A_186 : i32
          %get3A_188 = arith.index_cast %add3A_187 : i32 to index
          %get3A_189 = arith.constant 0 : index
          %get3A_190 = tpu.vector_load %arg14[%get3A_188, %get3A_189] {strides = array<i32>} : memref<640x16xf32, #tpu.memory_space<vmem>>, vector<16xf32>,
          %get3A_191 = arith.index_cast %add3A_187 : i32 to index
          %get3A_192 = arith.constant 0 : index
          %get3A_193 = tpu.vector_load %arg10[%get3A_191, %get3A_192] {strides = array<i32>} : memref<640x16xf32, #tpu.memory_space<vmem>>, vector<16xf32>,
          %get3A_194 = arith.index_cast %add3A_187 : i32 to index
          %get3A_195 = arith.constant 0 : index
          %get3A_196 = tpu.vector_load %arg13[%get3A_194, %get3A_195] {strides = array<i32>} : memref<640x16xf32, #tpu.memory_space<vmem>>, vector<16xf32>,
          %add3A_197 = arith.addf %get3A_193, %get3A_196 : vector<16xf32>
          %mul3A_198 = arith.mulf %get3A_190, %add3A_197 : vector<16xf32>
          %get3A_199 = arith.index_cast %add3A_187 : i32 to index
          %get3A_200 = arith.constant 0 : index
          %get3A_201 = tpu.vector_load %arg15[%get3A_199, %get3A_200] {strides = array<i32>} : memref<640x16xf32, #tpu.memory_space<vmem>>, vector<16xf32>,
          %add3A_202 = arith.addf %mul3A_198, %get3A_201 : vector<16xf32>
          %swap3A_203 = arith.index_cast %add3A_187 : i32 to index
          %swap3A_204 = arith.constant 0 : index
          %swap3A_205 = tpu.vector_load %arg13[%swap3A_203, %swap3A_204] {strides = array<i32>} : memref<640x16xf32, #tpu.memory_space<vmem>>, vector<16xf32>,
          tpu.vector_store %arg13[%swap3A_203, %swap3A_204], %add3A_202 {strides = array<i32>} : memref<640x16xf32, #tpu.memory_space<vmem>>, vector<16xf32>,
          %add3A_206 = arith.constant 6 : i32
          %add3A_207 = arith.addi %add3A_87, %add3A_206 : i32
          %get3A_208 = arith.index_cast %add3A_207 : i32 to index
          %get3A_209 = arith.constant 0 : index
          %get3A_210 = tpu.vector_load %arg14[%get3A_208, %get3A_209] {strides = array<i32>} : memref<640x16xf32, #tpu.memory_space<vmem>>, vector<16xf32>,
          %get3A_211 = arith.index_cast %add3A_207 : i32 to index
          %get3A_212 = arith.constant 0 : index
          %get3A_213 = tpu.vector_load %arg10[%get3A_211, %get3A_212] {strides = array<i32>} : memref<640x16xf32, #tpu.memory_space<vmem>>, vector<16xf32>,
          %get3A_214 = arith.index_cast %add3A_207 : i32 to index
          %get3A_215 = arith.constant 0 : index
          %get3A_216 = tpu.vector_load %arg13[%get3A_214, %get3A_215] {strides = array<i32>} : memref<640x16xf32, #tpu.memory_space<vmem>>, vector<16xf32>,
          %add3A_217 = arith.addf %get3A_213, %get3A_216 : vector<16xf32>
          %mul3A_218 = arith.mulf %get3A_210, %add3A_217 : vector<16xf32>
          %get3A_219 = arith.index_cast %add3A_207 : i32 to index
          %get3A_220 = arith.constant 0 : index
          %get3A_221 = tpu.vector_load %arg15[%get3A_219, %get3A_220] {strides = array<i32>} : memref<640x16xf32, #tpu.memory_space<vmem>>, vector<16xf32>,
          %add3A_222 = arith.addf %mul3A_218, %get3A_221 : vector<16xf32>
          %swap3A_223 = arith.index_cast %add3A_207 : i32 to index
          %swap3A_224 = arith.constant 0 : index
          %swap3A_225 = tpu.vector_load %arg13[%swap3A_223, %swap3A_224] {strides = array<i32>} : memref<640x16xf32, #tpu.memory_space<vmem>>, vector<16xf32>,
          tpu.vector_store %arg13[%swap3A_223, %swap3A_224], %add3A_222 {strides = array<i32>} : memref<640x16xf32, #tpu.memory_space<vmem>>, vector<16xf32>,
          %add3A_226 = arith.constant 7 : i32
          %add3A_227 = arith.addi %add3A_87, %add3A_226 : i32
          %get3A_228 = arith.index_cast %add3A_227 : i32 to index
          %get3A_229 = arith.constant 0 : index
          %get3A_230 = tpu.vector_load %arg14[%get3A_228, %get3A_229] {strides = array<i32>} : memref<640x16xf32, #tpu.memory_space<vmem>>, vector<16xf32>,
          %get3A_231 = arith.index_cast %add3A_227 : i32 to index
          %get3A_232 = arith.constant 0 : index
          %get3A_233 = tpu.vector_load %arg10[%get3A_231, %get3A_232] {strides = array<i32>} : memref<640x16xf32, #tpu.memory_space<vmem>>, vector<16xf32>,
          %get3A_234 = arith.index_cast %add3A_227 : i32 to index
          %get3A_235 = arith.constant 0 : index
          %get3A_236 = tpu.vector_load %arg13[%get3A_234, %get3A_235] {strides = array<i32>} : memref<640x16xf32, #tpu.memory_space<vmem>>, vector<16xf32>,
          %add3A_237 = arith.addf %get3A_233, %get3A_236 : vector<16xf32>
          %mul3A_238 = arith.mulf %get3A_230, %add3A_237 : vector<16xf32>
          %get3A_239 = arith.index_cast %add3A_227 : i32 to index
          %get3A_240 = arith.constant 0 : index
          %get3A_241 = tpu.vector_load %arg15[%get3A_239, %get3A_240] {strides = array<i32>} : memref<640x16xf32, #tpu.memory_space<vmem>>, vector<16xf32>,
          %add3A_242 = arith.addf %mul3A_238, %get3A_241 : vector<16xf32>
          %swap3A_243 = arith.index_cast %add3A_227 : i32 to index
          %swap3A_244 = arith.constant 0 : index
          %swap3A_245 = tpu.vector_load %arg13[%swap3A_243, %swap3A_244] {strides = array<i32>} : memref<640x16xf32, #tpu.memory_space<vmem>>, vector<16xf32>,
          tpu.vector_store %arg13[%swap3A_243, %swap3A_244], %add3A_242 {strides = array<i32>} : memref<640x16xf32, #tpu.memory_space<vmem>>, vector<16xf32>,
        }
        %scan3A_76 = arith.constant 80 : i32
        "tpu.region"() ({
          %run_scoped3A = tpu.sem_alloc : memref<!tpu.dma_semaphore, #tpu.memory_space<semaphore_mem>>
          %dma_start3A_83 = arith.constant 0 : i32
          %dma_start3A_84 = tpu.memref_slice %arg6[%mul3A_2, %dma_start3A_83] : memref<10240x16xf32, #tpu.memory_space<vmem_shared>> -> memref<640x16xf32, #tpu.memory_space<vmem_shared>>
          %dma_start3A_85 = arith.constant 0 : i32
          %dma_start3A_86 = tpu.memref_slice %arg6[%mul3A_2, %dma_start3A_85] : memref<10240x16xf32, #tpu.memory_space<vmem_shared>> -> memref<640x16xf32, #tpu.memory_space<vmem_shared>>
          tpu.enqueue_dma source(%arg13 : memref<640x16xf32, #tpu.memory_space<vmem>>) target(%dma_start3A_86 : memref<640x16xf32, #tpu.memory_space<vmem_shared>>) target_semaphore(%run_scoped3A : memref<!tpu.dma_semaphore, #tpu.memory_space<semaphore_mem>>)
          %dma_wait3A_87 = arith.constant 0 : i32
          %dma_wait3A_88 = tpu.memref_slice %arg6[%mul3A_2, %dma_wait3A_87] : memref<10240x16xf32, #tpu.memory_space<vmem_shared>> -> memref<640x16xf32, #tpu.memory_space<vmem_shared>>
          %dma_wait3A_89 = arith.constant 0 : i32
          %dma_wait3A_90 = tpu.memref_slice %arg6[%mul3A_2, %dma_wait3A_89] : memref<10240x16xf32, #tpu.memory_space<vmem_shared>> -> memref<640x16xf32, #tpu.memory_space<vmem_shared>>
          tpu.wait_dma2 semaphore(%run_scoped3A : memref<!tpu.dma_semaphore, #tpu.memory_space<semaphore_mem>>) src(%arg13 : memref<640x16xf32, #tpu.memory_space<vmem>>) dst(%dma_wait3A_90 : memref<640x16xf32, #tpu.memory_space<vmem_shared>>)
          tpu.yield
        }) : () -> ()
        %scan3A_77 = arith.constant 0 : i32
        %scan3A_78 = arith.constant 10 : i32
        %scan3A_79 = arith.addi %scan3A_77, %scan3A_78 : i32
        %scan3A_80 = arith.constant 1 : i32
        scf.for %scan3A_83 = %scan3A_77 to %scan3A_79 step %scan3A_80  : i32 {
          %mul3A_84 = arith.constant 1 : i32
          %mul3A_85 = arith.muli %scan3A_83, %mul3A_84 : i32
          %add3A_86 = arith.constant 0 : i32
          %add3A_87 = arith.addi %add3A_86, %mul3A_85 : i32
          %mul3A_88 = arith.constant 64 : i32
          %mul3A_89 = arith.muli %add3A_87, %mul3A_88 : i32
          %add3A_90 = arith.addi %mul3A_2, %mul3A_89 : i32
          "tpu.region"() ({
            %run_scoped3A = tpu.sem_alloc : memref<!tpu.dma_semaphore, #tpu.memory_space<semaphore_mem>>
            %dma_start3A_91 = arith.constant 0 : i32
            %dma_start3A_92 = tpu.memref_slice %arg7[%add3A_90, %dma_start3A_91] : memref<10240x16xf32, #tpu.memory_space<vmem_shared>> -> memref<64x16xf32, #tpu.memory_space<vmem_shared>>
            %dma_start3A_93 = arith.constant 0 : i32
            %dma_start3A_94 = tpu.memref_slice %arg7[%add3A_90, %dma_start3A_93] : memref<10240x16xf32, #tpu.memory_space<vmem_shared>> -> memref<64x16xf32, #tpu.memory_space<vmem_shared>>
            tpu.enqueue_dma source(%arg12 : memref<64x16xf32, #tpu.memory_space<vmem>>) target(%dma_start3A_94 : memref<64x16xf32, #tpu.memory_space<vmem_shared>>) target_semaphore(%run_scoped3A : memref<!tpu.dma_semaphore, #tpu.memory_space<semaphore_mem>>)
            %dma_wait3A_95 = arith.constant 0 : i32
            %dma_wait3A_96 = tpu.memref_slice %arg7[%add3A_90, %dma_wait3A_95] : memref<10240x16xf32, #tpu.memory_space<vmem_shared>> -> memref<64x16xf32, #tpu.memory_space<vmem_shared>>
            %dma_wait3A_97 = arith.constant 0 : i32
            %dma_wait3A_98 = tpu.memref_slice %arg7[%add3A_90, %dma_wait3A_97] : memref<10240x16xf32, #tpu.memory_space<vmem_shared>> -> memref<64x16xf32, #tpu.memory_space<vmem_shared>>
            tpu.wait_dma2 semaphore(%run_scoped3A : memref<!tpu.dma_semaphore, #tpu.memory_space<semaphore_mem>>) src(%arg12 : memref<64x16xf32, #tpu.memory_space<vmem>>) dst(%dma_wait3A_98 : memref<64x16xf32, #tpu.memory_space<vmem_shared>>)
            tpu.yield
          }) : () -> ()
        }
        %scan3A_81 = arith.constant 10 : i32
        %barrier3A_82 = arith.constant 0 : index
        tpu.barrier barrier_id(%barrier3A_82)
      }
      %scan3A_38 = arith.constant 10 : i32
      %scan3A_39 = arith.constant 0 : i32
      %scan3A_40 = arith.constant 640 : i32
      %scan3A_41 = arith.addi %scan3A_39, %scan3A_40 : i32
      %scan3A_42 = arith.constant 1 : i32
      scf.for %scan3A_44 = %scan3A_39 to %scan3A_41 step %scan3A_42  : i32 {
        %mul3A_45 = arith.constant 1 : i32
        %mul3A_46 = arith.muli %scan3A_44, %mul3A_45 : i32
        %add3A = arith.constant 0 : i32
        %add3A_47 = arith.addi %add3A, %mul3A_46 : i32
        %get3A = arith.index_cast %add3A_47 : i32 to index
        %get3A_48 = arith.constant 0 : index
        %get3A_49 = tpu.vector_load %arg13[%get3A, %get3A_48] {strides = array<i32>} : memref<640x16xf32, #tpu.memory_space<vmem>>, vector<16xf32>,
        %get3A_50 = arith.index_cast %add3A_47 : i32 to index
        %get3A_51 = arith.constant 0 : index
        %get3A_52 = tpu.vector_load %arg16[%get3A_50, %get3A_51] {strides = array<i32>} : memref<640x16xf32, #tpu.memory_space<vmem>>, vector<16xf32>,
        %div3A = arith.divf %get3A_49, %get3A_52 : vector<16xf32>
        %swap3A = arith.index_cast %add3A_47 : i32 to index
        %swap3A_53 = arith.constant 0 : index
        %swap3A_54 = tpu.vector_load %arg13[%swap3A, %swap3A_53] {strides = array<i32>} : memref<640x16xf32, #tpu.memory_space<vmem>>, vector<16xf32>,
        tpu.vector_store %arg13[%swap3A, %swap3A_53], %div3A {strides = array<i32>} : memref<640x16xf32, #tpu.memory_space<vmem>>, vector<16xf32>,
      }
      %scan3A_43 = arith.constant 640 : i32
      "tpu.region"() ({
        %run_scoped3A = tpu.sem_alloc : memref<!tpu.dma_semaphore, #tpu.memory_space<semaphore_mem>>
        %dma_start3A = arith.constant 0 : i32
        %dma_start3A_44 = tpu.memref_slice %arg5[%mul3A_2, %dma_start3A] : memref<10240x16xf32, #tpu.memory_space<hbm>> -> memref<640x16xf32, #tpu.memory_space<hbm>>
        %dma_start3A_45 = arith.constant 0 : i32
        %dma_start3A_46 = tpu.memref_slice %arg5[%mul3A_2, %dma_start3A_45] : memref<10240x16xf32, #tpu.memory_space<hbm>> -> memref<640x16xf32, #tpu.memory_space<hbm>>
        tpu.enqueue_dma source(%arg13 : memref<640x16xf32, #tpu.memory_space<vmem>>) target(%dma_start3A_46 : memref<640x16xf32, #tpu.memory_space<hbm>>) target_semaphore(%run_scoped3A : memref<!tpu.dma_semaphore, #tpu.memory_space<semaphore_mem>>)
        %dma_wait3A = arith.constant 0 : i32
        %dma_wait3A_47 = tpu.memref_slice %arg5[%mul3A_2, %dma_wait3A] : memref<10240x16xf32, #tpu.memory_space<hbm>> -> memref<640x16xf32, #tpu.memory_space<hbm>>
        %dma_wait3A_48 = arith.constant 0 : i32
        %dma_wait3A_49 = tpu.memref_slice %arg5[%mul3A_2, %dma_wait3A_48] : memref<10240x16xf32, #tpu.memory_space<hbm>> -> memref<640x16xf32, #tpu.memory_space<hbm>>
        tpu.wait_dma2 semaphore(%run_scoped3A : memref<!tpu.dma_semaphore, #tpu.memory_space<semaphore_mem>>) src(%arg13 : memref<640x16xf32, #tpu.memory_space<vmem>>) dst(%dma_wait3A_49 : memref<640x16xf32, #tpu.memory_space<hbm>>)
        tpu.yield
      }) : () -> ()
    } else {
    }
    return
  }
}

module attributes {stable_mosaic.version = 14 : i64} {
  func.func @_mlp_body(%arg0: memref<10000x128xf32, #tpu.memory_space<vmem>>, %arg1: memref<128x64xf32, #tpu.memory_space<vmem>>, %arg2: memref<1x64xf32, #tpu.memory_space<vmem>>, %arg3: memref<64x16xf32, #tpu.memory_space<vmem>>, %arg4: memref<1x16xf32, #tpu.memory_space<vmem>>, %arg5: memref<10000x16xf32, #tpu.memory_space<vmem>>) attributes {dimension_semantics = [], scalar_prefetch = 0 : i64, scratch_operands = 0 : i64, tpu.core_type = #tpu.core_type<tc>} {
    %get3A = arith.constant 0 : index
    %get3A_0 = arith.constant 0 : index
    %get3A_1 = vector.load %arg0[%get3A, %get3A_0] : memref<10000x128xf32, #tpu.memory_space<vmem>>, vector<10000x128xf32>
    %get3A_2 = arith.constant 0 : index
    %get3A_3 = arith.constant 0 : index
    %get3A_4 = vector.load %arg1[%get3A_2, %get3A_3] : memref<128x64xf32, #tpu.memory_space<vmem>>, vector<128x64xf32>
    %dot_general3A = arith.constant dense<0.000000e+00> : vector<10000x64xf32>
    %dot_general3A_5 = tpu.matmul %get3A_1, %get3A_4, %dot_general3A {dimension_numbers = #tpu.dot_dimension_numbers<[1], [0], [0], [1], [0, 0, 1, 1], [], []>, transpose_lhs_hint = false} : vector<10000x128xf32>, vector<128x64xf32>, vector<10000x64xf32> -> vector<10000x64xf32>
    %get3A_6 = arith.constant 0 : index
    %get3A_7 = arith.constant 0 : index
    %get3A_8 = vector.load %arg2[%get3A_6, %get3A_7] : memref<1x64xf32, #tpu.memory_space<vmem>>, vector<1x64xf32>
    %add3A = vector.broadcast %get3A_8 : vector<1x64xf32> to vector<10000x64xf32>
    %add3A_9 = arith.addf %dot_general3A_5, %add3A : vector<10000x64xf32>
    %max3A = arith.constant 0.000000e+00 : f32
    %max3A_10 = vector.broadcast %max3A : f32 to vector<10000x64xf32>
    %max3A_11 = arith.maximumf %add3A_9, %max3A_10 : vector<10000x64xf32>
    %get3A_12 = arith.constant 0 : index
    %get3A_13 = arith.constant 0 : index
    %get3A_14 = vector.load %arg3[%get3A_12, %get3A_13] : memref<64x16xf32, #tpu.memory_space<vmem>>, vector<64x16xf32>
    %dot_general3A_15 = arith.constant dense<0.000000e+00> : vector<10000x16xf32>
    %dot_general3A_16 = tpu.matmul %max3A_11, %get3A_14, %dot_general3A_15 {dimension_numbers = #tpu.dot_dimension_numbers<[1], [0], [0], [1], [0, 0, 1, 1], [], []>, transpose_lhs_hint = false} : vector<10000x64xf32>, vector<64x16xf32>, vector<10000x16xf32> -> vector<10000x16xf32>
    %get3A_17 = arith.constant 0 : index
    %get3A_18 = arith.constant 0 : index
    %get3A_19 = vector.load %arg4[%get3A_17, %get3A_18] : memref<1x16xf32, #tpu.memory_space<vmem>>, vector<1x16xf32>
    %add3A_20 = vector.broadcast %get3A_19 : vector<1x16xf32> to vector<10000x16xf32>
    %add3A_21 = arith.addf %dot_general3A_16, %add3A_20 : vector<10000x16xf32>
    %swap3A = arith.constant 0 : index
    %swap3A_22 = arith.constant 0 : index
    %swap3A_23 = vector.load %arg5[%swap3A, %swap3A_22] : memref<10000x16xf32, #tpu.memory_space<vmem>>, vector<10000x16xf32>
    tpu.vector_store %arg5[%swap3A, %swap3A_22], %add3A_21 {strides = array<i32>} : memref<10000x16xf32, #tpu.memory_space<vmem>>, vector<10000x16xf32>,
    return
  }
}

</mosaic_0001>

<sc_bundles>
// kernel: kernel.4.cloned.1.call-start
scs
__scs_entry_jumppad:
0x0: {  	(pc) =	sbr.rel $0x88, $3  }
0x1: {  	(tag) =	ssettag $0x0;
	lr =	simm.s32 $0x1  }
0x2: {  	[smem:$0x3F9B] =	sst lr;
	_ =	strace $0xD0000000  }
0x3: {  	_ = 	snop  }
0x4: {  	_ = 	snop  }
0x5: {  	_ = 	snop  }
0x6: {  	_ = 	snop  }
0x7: {  	_ = 	snop  }
__scs_overlays_trampoline_lowered:
0x8: {  	[smem:$0x3FAA] =	sst s0  }
0x9: {  	[smem:$0x3FAB] =	sst s1  }
0xa: {  	[smem:$0x3FAC] =	sst s2  }
0xb: {  	[smem:$0x3FAD] =	sst s3  }
0xc: {  	[smem:$0x3FAE] =	sst s4  }
0xd: {  	[smem:$0x3FAF] =	sst s5  }
0xe: {  	[smem:$0x3FB0] =	sst s6  }
0xf: {  	[smem:$0x3FB1] =	sst s7  }
0x10: {  	[smem:$0x3FB2] =	sst s8  }
0x11: {  	[smem:$0x3FB3] =	sst s9;
	s0 =	simm.s32 @!p0 $0x0  }
0x12: {  	s1 =	sld [smem:$0x3F99];
	s0 =	simm.s32 @p0 $0x1  }
0x13: {  	[smem:$0x3FB4] =	sst s0;
	s0 =	simm.s32 @!p1 $0x0  }
0x14: {  	s2 =	sld [smem:$0x3F98];
	s0 =	simm.s32 @p1 $0x1  }
0x15: {  	[smem:$0x3FB5] =	sst s0;
	s0 =	simm.s32 @!p2 $0x0  }
0x16: {  	s3 =	sld [smem:$0x3FDB];
	s0 =	simm.s32 @p2 $0x1  }
0x17: {  	s4 =	simm.s32 $0x1BF5;
	[smem:$0x3FB7] =	sst s0  }
0x18: {  	s0 =	sld [smem:$0x3F9A];
	_ =	swait.ge [sflag:s4], $0x0  }
0x19: {  	s7 =	sld [smem:$0x3F9B]  }
0x1a: {  	s8 =	sadd.s32 $0xFFFFE003, lr  }
0x1b: {  	s9 =	sadd.s32 $0xFFFFFEF7, lr;
	s5 =	simm.s32 $0xFFFFFFFF;
	p2 =	slt.u32 s8, $0xFFFFF086  }
0x1c: {  	p1 =	slt.u32 s9, $0xF7A;
	s5 =	simm.s32 @!p2 $0x0  }
0x1d: {  	s5 =	simm.s32 @p1 $0x1;
	p0 =	seq.s32 s7, s2  }
0x1e: {  	s7 =	smul.u32 @!p0 $0xF7A, s2;
	p2 =	seq.s32 @!p0 s5, $0x0  }
0x1f: {  	s9 =	smul.u32 $0xF7A, s1;
	s8 =	simm.s32 @!p0 $0x1BF5;
	p2 =	por !p2, p0  }
0x20: {  	[sflag:s8] =	ssyncset.s32 @!p0 $0xFFFFF086;
	s6 =	sadd.s32 @!p0 s3, s7;
	s7 =	simm.s32 @!p0 $0x108  }
0x21: {  	s3 =	sadd.s32 s3, s9;
	s6 =	sadd.s32 @!p0 $0x88, s6;
	s7 =	simm.s32 @p2 $0x1082  }
0x22: {  	[simem:s7], [sflag:s8] =	dma.local @!p0 [hbm:s6], $0xF7A  }
0x23: {  	s9 =	sor.u32 $0xD0000000, s2;
	s6 =	simm.s32 $0x108;
	_ =	swait.ge @!p0 [sflag:s8], $0x0  }
0x24: {  	s3 =	sadd.s32 $0x88, s3;
	s6 =	simm.s32 @!p1 $0x1082;
	[sflag:s4] =	ssyncset.s32 $0xFFFFF086  }
0x25: {  	[simem:s6], [sflag:s4] =	dma.local [hbm:s3], $0xF7A  }
0x26: {  	[smem:$0x3F9B] =	sst s1;
	(tag) =	ssettag s2;
	_ =	strace s9  }
0x27: {  	s1 =	sld [smem:$0x3FAB]  }
0x28: {  	s2 =	sld [smem:$0x3FAC]  }
0x29: {  	s4 =	sld [smem:$0x3FAE]  }
0x2a: {  	p0 =	seq.s32 s5, $0x0;
	s5 =	sld [smem:$0x3FAF]  }
0x2b: {  	s6 =	sld [smem:$0x3FB0]  }
0x2c: {  	s7 =	sld [smem:$0x3FB1]  }
0x2d: {  	s3 =	simm.s32 $0x108;
	s8 =	sld [smem:$0x3FB2]  }
0x2e: {  	s3 =	simm.s32 @!p0 $0x1082;
	s9 =	sld [smem:$0x3FB3]  }
0x2f: {  	lr =	sadd.s32 s0, s3;
	s0 =	sld [smem:$0x3FAA]  }
0x30: {  	s3 =	sld [smem:$0x3FAD]  }
0x31: {  	[smem:$0x3FB6] =	sst s10  }
0x32: {  	s10 =	sld [smem:$0x3FB4];
	_ =	sdelay $0x3  }
0x33: {  	p0 =	seq.s32 s10, $0x1;
	s10 =	sld [smem:$0x3FB6];
	_ =	sdelay $0x3  }
0x34: {  	[smem:$0x3FB6] =	sst s10  }
0x35: {  	s10 =	sld [smem:$0x3FB5];
	_ =	sdelay $0x3  }
0x36: {  	p1 =	seq.s32 s10, $0x1;
	s10 =	sld [smem:$0x3FB6];
	_ =	sdelay $0x3  }
0x37: {  	[smem:$0x3FB6] =	sst s10  }
0x38: {  	s10 =	sld [smem:$0x3FB7]  }
0x39: {  	_ = 	snop;
	(pc) =	sbr.ind lr, $3  }
0x3a: {  	_ = 	snop  }
0x3b: {  	_ = 	snop  }
0x3c: {  	p2 =	seq.s32 s10, $0x1;
	s10 =	sld [smem:$0x3FB6]  }
0x3d: {  	_ =	shalt  }
0x3e: {  	_ =	shalt  }
0x3f: {  	_ =	shalt  }
0x40: {  	_ =	shalt  }
0x41: {  	_ =	shalt  }
0x42: {  	_ =	shalt  }
0x43: {  	_ =	shalt  }
0x44: {  	_ =	shalt  }
0x45: {  	_ =	shalt  }
0x46: {  	_ =	shalt  }
0x47: {  	_ =	shalt  }
0x48: {  	_ =	shalt  }
0x49: {  	_ =	shalt  }
0x4a: {  	_ =	shalt  }
0x4b: {  	_ =	shalt  }
0x4c: {  	_ =	shalt  }
0x4d: {  	_ =	shalt  }
0x4e: {  	_ =	shalt  }
0x4f: {  	_ =	shalt  }
0x50: {  	_ =	shalt  }
0x51: {  	_ =	shalt  }
0x52: {  	_ =	shalt  }
0x53: {  	_ =	shalt  }
0x54: {  	_ =	shalt  }
0x55: {  	_ =	shalt  }
0x56: {  	_ =	shalt  }
0x57: {  	_ =	shalt  }
0x58: {  	_ =	shalt  }
0x59: {  	_ =	shalt  }
0x5a: {  	_ =	shalt  }
0x5b: {  	_ =	shalt  }
0x5c: {  	_ =	shalt  }
0x5d: {  	_ =	shalt  }
0x5e: {  	_ =	shalt  }
0x5f: {  	_ =	shalt  }
0x60: {  	_ =	shalt  }
0x61: {  	_ =	shalt  }
0x62: {  	_ =	shalt  }
0x63: {  	_ =	shalt  }
0x64: {  	_ =	shalt  }
0x65: {  	_ =	shalt  }
0x66: {  	_ =	shalt  }
0x67: {  	_ =	shalt  }
0x68: {  	_ =	shalt  }
0x69: {  	_ =	shalt  }
0x6a: {  	_ =	shalt  }
0x6b: {  	_ =	shalt  }
0x6c: {  	_ =	shalt  }
0x6d: {  	_ =	shalt  }
0x6e: {  	_ =	shalt  }
0x6f: {  	_ =	shalt  }
0x70: {  	_ =	shalt  }
0x71: {  	_ =	shalt  }
0x72: {  	_ =	shalt  }
0x73: {  	_ =	shalt  }
0x74: {  	_ =	shalt  }
0x75: {  	_ =	shalt  }
0x76: {  	_ =	shalt  }
0x77: {  	_ =	shalt  }
0x78: {  	_ =	shalt  }
0x79: {  	_ =	shalt  }
0x7a: {  	_ =	shalt  }
0x7b: {  	_ =	shalt  }
0x7c: {  	_ =	shalt  }
0x7d: {  	_ =	shalt  }
0x7e: {  	_ =	shalt  }
0x7f: {  	_ =	shalt  }
0x80: {  	_ =	shalt  }
0x81: {  	_ =	shalt  }
0x82: {  	_ =	shalt  }
0x83: {  	_ =	shalt  }
0x84: {  	_ =	shalt  }
0x85: {  	_ =	shalt  }
0x86: {  	_ =	shalt  }
0x87: {  	_ =	shalt  }
.Lfunc_end0:
.L_simem_size_0:
called_computation_lowered:
.L_overlay_start_0:
0x88: {  	s2 =	sld [smem:$0x3FD9]  }
0x89: {  	s3 =	sld [smem:$0x3FFE];
	_ =	sdelay $0x1  }
0x8a: {  	s1 =	srdreg.scid  }
0x8b: {  	s0 =	sand.u32 $0x1, s1  }
0x8c: {  	s16 =	sshll.u32 s0, $0xA;
	s2 =	sadd.s32 s3, s2  }
0x8d: {  	s2 =	sadd.s32 s2, s16  }
0x8e: {  	[smem:$0x3FC2] =	sst s2  }
0x8f: {  	_ = 	snop  }
0x90: {  	(tm) =	ssettm $0x1  }
0x91: {  	s17 =	sld [smem:$0x3FFB];
	_ =	sdelay $0x3  }
0x92: {  	_ =	strace s17  }
0x93: {  	s2 =	sld [smem:$0x3FFC];
	_ =	sdelay $0x3  }
0x94: {  	_ =	strace s2  }
0x95: {  	s2 =	sld [smem:$0x3FFD];
	_ =	sdelay $0x3  }
0x96: {  	_ =	strace s2  }
0x97: {  	_ =	strace $0x8FFFFFFF  }
0x98: {  	s18 =	sld [smem:$0x3FDB];
	_ =	sdelay $0x1  }
0x99: {  	s19 =	simm.s32 $_scs_section_size  }
0x9a: {  	s4 =	simm.s32 $_size__tile_overlayer_lowered;
	s5 =	simm.s32 $_tile_overlayer_lowered  }
0x9b: {  	s22 =	simm.s32 $0x1BFF;
	s21 =	sshll.u32 s5, $0x1;
	s2 =	sadd.s32 s19, s18  }
0x9c: {  	s6 =	simm.s32 $0x0;
	s20 =	sshll.u32 s4, $0x1;
	s4 =	sadd.s32 s21, s2  }
0x9d: {  	[timem:s6], [sflag:s22] =	dma.local [hbm:s4], s20  }
0x9e: {  	_ =	swait.ge [sflag:s22], s20  }
0x9f: {  	s3 =	ssub.s32 $0x0, s20;
	[sflag:s22] =	ssyncset.done $0x0  }
0xa0: {  	[sflag:s22] =	ssyncadd.s32 s3;
	_ =	sdelay $0x1  }
0xa1: {  	s23 =	simm.s32 $0x1B8B  }
0xa2: {  	_ =	swait.ge [sflag:s23], $0x1  }
0xa3: {  	[sflag:s23] =	ssyncset.done $0x0  }
0xa4: {  	s25 =	simm.s32 $0x1B8E;
	s24 =	sld [smem:$0x3FFE];
	[sflag:s23] =	ssyncadd.s32 $0xFFFFFFFF  }
0xa5: {  	s26 =	simm.s32 $execute0_lowered;
	[smem:$0x3FD2] =	sst s25  }
0xa6: {  	s4 =	sshll.u32 s26, $0x1;
	_ =	strace $0x80000046;
	[dreg:$0x1] =	wrdreg $0xFFFFFFFF  }
0xa7: {  	s28 =	simm.s32 $_size_execute0_lowered;
	s2 =	sadd.s32 s2, s4;
	[dreg:$0x0] =	wrdreg $0x0  }
0xa8: {  	s4 =	sshll.u32 s28, $0x1;
	[dreg:$0x2] =	wrdreg s2  }
0xa9: {  	[dreg:$0x3] =	wrdreg s4  }
0xaa: {  	[dreg:$0x4] =	wrdreg $0xC0  }
0xab: {  	_ =	task [dreg:s6], $0x5FFFF  }
0xac: {  	[dreg:$0x1] =	wrdreg $0xFFFFFFFF  }
0xad: {  	[dreg:$0x0] =	wrdreg $0x60  }
0xae: {  	[dreg:$0x2] =	wrdreg s24  }
0xaf: {  	[dreg:$0x3] =	wrdreg $0x1E4000  }
0xb0: {  	[dreg:$0x4] =	wrdreg $0x28000  }
0xb1: {  	[dreg:$0x5] =	wrdreg $0x0  }
0xb2: {  	[dreg:$0x6] =	wrdreg $0x9  }
0xb3: {  	_ =	task.clear_ibuf [dreg:s6], $0x7FFFF;
	_ =	strace $0x90000046  }
0xb4: {  	s29 =	simm.s32 $0x9;
	_ =	strace $0x80000048  }
0xb5: {  	_ =	swait.ge [sflag:s29], $0x1  }
0xb6: {  	[sflag:s29] =	ssyncadd.s32 $0xFFFFFFFF  }
0xb7: {  	_ =	strace $0x90000048  }
0xb8: {  	_ =	sfence  }
0xb9: {  	s30 =	sld [smem:$0x0];
	_ =	sdelay $0x2  }
0xba: {  	s31 =	sshll.u32 s1, $0xD;
	s1 =	sshrl.u32 s1, $0x2  }
0xbb: {  	s3 =	sand.u32 $0x4000, s31;
	s1 =	sadd.s32 s1, s30  }
0xbc: {  	s0 =	sor.u32 s3, s0;
	s1 =	sshll.u32 s1, $0x11  }
0xbd: {  	s0 =	sor.u32 s1, s0  }
0xbe: {  	s0 =	sadd.s32 $0x8F2B, s0  }
0xbf: {  	[sflag:s0] =	ssyncadd.remote.s32 $0x1  }
0xc0: {  	_ =	sfence.sel $0xFFFF  }
0xc1: {  	[dreg:$0x0] =	wrdreg $0xFFFFFFFF;
	(pc) =	sbr.abs _section_cstart, $3  }
0xc2: {  	[dreg:$0x1] =	wrdreg $0xFFFFFFFF  }
0xc3: {  	_ =	task.clear_ibuf [dreg:s6], $0x2FFFF;
	_ =	strace $0x9FFFFFFF  }
0xc4: {  	(tm) =	ssettm $0x7FFFFFFF  }
0xc5: {  	_ =	shalt  }
tec
execute0_lowered:
.L_overlay_start_1:
0x0: {  	(tag) =	ssettag $0x1  }
0x1: {  	s2 =	srdreg.scid  }
0x2: {  	s2 =	sand.u32 $0x1, s2  }
0x3: {  	s1 =	rddreg [dreg:$0x0];
	p0 =	seq.s32 s2, $0x1  }
.Ltmp0:
0x4: {  	s20 =	rddreg [dreg:$0x1];
	(pc) =	sbr.rel @p0 .LBB2_14-.Ltmp0, $4  }
0x5: {  	s3 =	rddreg [dreg:$0x2]  }
0x6: {  	s4 =	rddreg [dreg:$0x3];
	s0 =	simm.s32 $0x0  }
0x7: {  	[smem:$0x7FF] =	sst s0  }
0x8: {  	s5 =	rddreg [dreg:$0x4];
	s6 =	stileid.u32;
	_ =	strace $0x80000047  }
0x9: {  	s2 =	smul.u32 $0x2800, s6  }
0xa: {  	s8 =	smul.u32 $0xA00, s6;
	s9 =	sadd.s32 $0xF600, s1  }
0xb: {  	s5 =	smul.u32 $0xA000, s6;
	s10 =	sadd.s32 $0x5600, s1;
	s29 =	simm.s32 $0x5000  }
0xc: {  	s31 =	simm.s32 $0x5;
	s13 =	simm.s32 $0xA000;
	s25 =	sshrl.u32 s2, $0x3  }
0xd: {  	s7 =	sshrl.u32 s8, $0x2;
	s5 =	sshrl.u32 s5, $0x2;
	s6 =	sadd.s32 s2, s4  }
0xe: {  	s2 =	sadd.s32 s2, s3;
	s28 =	sadd.s32 s9, s8;
	s26 =	sadd.s32 s25, s1  }
0xf: {  	[tilespmem:s29], [sflag:$0x5] =	stream.linear.gather [hbm4b:s28+s0], $0x5000, $0x38;
	[tilespmem:$0x1EB00] =	vst v63  }
0x10: {  	s30 =	sadd.s32 s10, s8;
	[dreg:$0x6] =	wrdreg s2;
	s1 =	sadd.s32 $0x19600, s26  }
0x11: {  	s19 =	sadd.s32 s7, s20;
	s5 =	sadd.s32 s5, s3;
	[dreg:$0x5] =	wrdreg s1  }
0x12: {  	s18 =	sadd.s32 $0x600, s26;
	s8 =	sadd.s32 $0x400, s5;
	_ =	swait.ge [sflag:s31], $0x5000  }
0x13: {  	s9 =	sadd.s32 $0x800, s5;
	s10 =	sadd.s32 $0xC00, s5;
	[sflag:s31] =	ssyncset.done $0x0  }
0x14: {  	s11 =	sadd.s32 $0x1000, s5;
	s12 =	sadd.s32 $0x1400, s5;
	[sflag:s31] =	ssyncadd.s32 $0xFFFFB000  }
0x15: {  	[tilespmem:s13], [sflag:$0x5] =	stream.linear.gather [hbm4b:s30+s0], $0x5000, $0x38;
	[tilespmem:$0x1EB00] =	vst v63  }
0x16: {  	s14 =	sadd.s32 $0x1C00, s5;
	s15 =	sadd.s32 $0x2000, s5;
	_ =	swait.ge [sflag:s31], $0x5000  }
0x17: {  	s16 =	sadd.s32 $0x2400, s5;
	s1 =	simm.s32 $0x0;
	[sflag:s31] =	ssyncset.done $0x0  }
0x18: {  	v0 =	vimm.f32 $0.0e+00;
	s13 =	sadd.s32 $0x1800, s5;
	s0 =	simm.s32 $0x40;
	[sflag:s31] =	ssyncadd.s32 $0xFFFFB000  }
.LBB2_2:
0x19: {  	p0 =	sne.s32 s0, $0xFC0;
	[tilespmem:s1+$0x14000] =	vst v0;
	s1 =	smov.u32 s0;
	s0 =	sadd.s32 $0x40, s0  }
.Ltmp1:
0x1a: {  	(pc) =	sbr.rel @p0 .LBB2_2-.Ltmp1, $2  }
0x1b: {  	_ =	sdelay $0x2  }
0x1c: {  	s1 =	sshra.s32 s1, $0x2  }
0x1d: {  	[tilespmem:s1+$0x14000] =	vst v0;
	v0 =	vimm.f32 $1.000000000e+00  }
0x1e: {  	[tilespmem:$0x1E680] =	vst v0  }
0x1f: {  	[tilespmem:$0x1E690] =	vst v0  }
0x20: {  	[tilespmem:$0x1E6A0] =	vst v0  }
0x21: {  	[tilespmem:$0x1E6B0] =	vst v0  }
0x22: {  	[tilespmem:$0x1E6C0] =	vst v0  }
0x23: {  	[tilespmem:$0x1E6D0] =	vst v0  }
0x24: {  	[tilespmem:$0x1E6E0] =	vst v0  }
0x25: {  	[tilespmem:$0x1E6F0] =	vst v0  }
0x26: {  	[tilespmem:$0x1E700] =	vst v0  }
0x27: {  	[tilespmem:$0x1E710] =	vst v0  }
0x28: {  	[tilespmem:$0x1E720] =	vst v0  }
0x29: {  	[tilespmem:$0x1E730] =	vst v0  }
0x2a: {  	[tilespmem:$0x1E740] =	vst v0  }
0x2b: {  	[tilespmem:$0x1E750] =	vst v0  }
0x2c: {  	[tilespmem:$0x1E760] =	vst v0  }
0x2d: {  	[tilespmem:$0x1E770] =	vst v0  }
0x2e: {  	[tilespmem:$0x1E780] =	vst v0  }
0x2f: {  	[tilespmem:$0x1E790] =	vst v0  }
0x30: {  	[tilespmem:$0x1E7A0] =	vst v0  }
0x31: {  	[tilespmem:$0x1E7B0] =	vst v0  }
0x32: {  	[tilespmem:$0x1E7C0] =	vst v0  }
0x33: {  	[tilespmem:$0x1E7D0] =	vst v0  }
0x34: {  	[tilespmem:$0x1E7E0] =	vst v0  }
0x35: {  	[tilespmem:$0x1E7F0] =	vst v0  }
0x36: {  	[tilespmem:$0x1E800] =	vst v0  }
0x37: {  	[tilespmem:$0x1E810] =	vst v0  }
0x38: {  	[tilespmem:$0x1E820] =	vst v0  }
0x39: {  	[tilespmem:$0x1E830] =	vst v0  }
0x3a: {  	[tilespmem:$0x1E840] =	vst v0  }
0x3b: {  	[tilespmem:$0x1E850] =	vst v0  }
0x3c: {  	[tilespmem:$0x1E860] =	vst v0  }
0x3d: {  	v1 =	vimm.f32 $0.0e+00;
	[tilespmem:$0x1E870] =	vst v0  }
0x3e: {  	[tilespmem:$0x1E880] =	vst v1  }
0x3f: {  	[tilespmem:$0x1E890] =	vst v1  }
0x40: {  	[tilespmem:$0x1E8A0] =	vst v1  }
0x41: {  	[tilespmem:$0x1E8B0] =	vst v1  }
0x42: {  	[tilespmem:$0x1E8C0] =	vst v1  }
0x43: {  	[tilespmem:$0x1E8D0] =	vst v1  }
0x44: {  	[tilespmem:$0x1E8E0] =	vst v1  }
0x45: {  	[tilespmem:$0x1E8F0] =	vst v1  }
0x46: {  	[tilespmem:$0x1E900] =	vst v1  }
0x47: {  	[tilespmem:$0x1E910] =	vst v1  }
0x48: {  	[tilespmem:$0x1E920] =	vst v1  }
0x49: {  	[tilespmem:$0x1E930] =	vst v1  }
0x4a: {  	[tilespmem:$0x1E940] =	vst v1  }
0x4b: {  	[tilespmem:$0x1E950] =	vst v1  }
0x4c: {  	[tilespmem:$0x1E960] =	vst v1  }
0x4d: {  	[tilespmem:$0x1E970] =	vst v1  }
0x4e: {  	[tilespmem:$0x1E980] =	vst v1  }
0x4f: {  	[tilespmem:$0x1E990] =	vst v1  }
0x50: {  	[tilespmem:$0x1E9A0] =	vst v1  }
0x51: {  	[tilespmem:$0x1E9B0] =	vst v1  }
0x52: {  	[tilespmem:$0x1E9C0] =	vst v1  }
0x53: {  	[tilespmem:$0x1E9D0] =	vst v1  }
0x54: {  	[tilespmem:$0x1E9E0] =	vst v1  }
0x55: {  	[tilespmem:$0x1E9F0] =	vst v1  }
0x56: {  	[tilespmem:$0x1EA00] =	vst v1  }
0x57: {  	[tilespmem:$0x1EA10] =	vst v1  }
0x58: {  	[tilespmem:$0x1EA20] =	vst v1  }
0x59: {  	[tilespmem:$0x1EA30] =	vst v1  }
0x5a: {  	[tilespmem:$0x1EA40] =	vst v1  }
0x5b: {  	[tilespmem:$0x1EA50] =	vst v1  }
0x5c: {  	[tilespmem:$0x1EA60] =	vst v1  }
0x5d: {  	[tilespmem:$0x1EA70] =	vst v1  }
0x5e: {  	[tilespmem:$0x1EA80] =	vst v1  }
0x5f: {  	[tilespmem:$0x1EA90] =	vst v1  }
0x60: {  	[tilespmem:$0x1EAA0] =	vst v1  }
0x61: {  	[tilespmem:$0x1EAB0] =	vst v1  }
0x62: {  	[tilespmem:$0x1EAC0] =	vst v1  }
0x63: {  	[tilespmem:$0x1EAD0] =	vst v1  }
0x64: {  	[tilespmem:$0x1EAE0] =	vst v1  }
0x65: {  	s17 =	simm.s32 $0x1E880;
	s21 =	simm.s32 $0x5;
	[tilespmem:$0x1EAF0] =	vst v1  }
0x66: {  	[spmem:s19] =	stream.linear.scatter [tilespmem:s17], [sflag:$0x5], $0x280, $0x38;
	[tilespmem:$0x1EB00] =	vst v63  }
0x67: {  	_ =	swait.ge [sflag:s21], $0x280  }
0x68: {  	[sflag:s21] =	ssyncset.done $0x0  }
0x69: {  	s0 =	simm.s32 $0x14000;
	[sflag:s21] =	ssyncadd.s32 $0xFFFFFD80  }
0x6a: {  	[spmem:s5] =	stream.linear.scatter [tilespmem:s0], [sflag:$0x5], $0x400, $0x38;
	[tilespmem:$0x1EB00] =	vst v63  }
0x6b: {  	_ =	swait.ge [sflag:s21], $0x400  }
0x6c: {  	[sflag:s21] =	ssyncset.done $0x0  }
0x6d: {  	[sflag:s21] =	ssyncadd.s32 $0xFFFFFC00  }
0x6e: {  	[spmem:s8] =	stream.linear.scatter [tilespmem:s0], [sflag:$0x5], $0x400, $0x38;
	[tilespmem:$0x1EB00] =	vst v63  }
0x6f: {  	_ =	swait.ge [sflag:s21], $0x400  }
0x70: {  	[sflag:s21] =	ssyncset.done $0x0  }
0x71: {  	[sflag:s21] =	ssyncadd.s32 $0xFFFFFC00  }
0x72: {  	[spmem:s9] =	stream.linear.scatter [tilespmem:s0], [sflag:$0x5], $0x400, $0x38;
	[tilespmem:$0x1EB00] =	vst v63  }
0x73: {  	_ =	swait.ge [sflag:s21], $0x400  }
0x74: {  	[sflag:s21] =	ssyncset.done $0x0  }
0x75: {  	[sflag:s21] =	ssyncadd.s32 $0xFFFFFC00  }
0x76: {  	[spmem:s10] =	stream.linear.scatter [tilespmem:s0], [sflag:$0x5], $0x400, $0x38;
	[tilespmem:$0x1EB00] =	vst v63  }
0x77: {  	_ =	swait.ge [sflag:s21], $0x400  }
0x78: {  	[sflag:s21] =	ssyncset.done $0x0  }
0x79: {  	[sflag:s21] =	ssyncadd.s32 $0xFFFFFC00  }
0x7a: {  	[spmem:s11] =	stream.linear.scatter [tilespmem:s0], [sflag:$0x5], $0x400, $0x38;
	[tilespmem:$0x1EB00] =	vst v63  }
0x7b: {  	_ =	swait.ge [sflag:s21], $0x400  }
0x7c: {  	[sflag:s21] =	ssyncset.done $0x0  }
0x7d: {  	[sflag:s21] =	ssyncadd.s32 $0xFFFFFC00  }
0x7e: {  	[spmem:s12] =	stream.linear.scatter [tilespmem:s0], [sflag:$0x5], $0x400, $0x38;
	[tilespmem:$0x1EB00] =	vst v63  }
0x7f: {  	_ =	swait.ge [sflag:s21], $0x400  }
0x80: {  	[sflag:s21] =	ssyncset.done $0x0  }
0x81: {  	[sflag:s21] =	ssyncadd.s32 $0xFFFFFC00  }
0x82: {  	[spmem:s13] =	stream.linear.scatter [tilespmem:s0], [sflag:$0x5], $0x400, $0x38;
	[tilespmem:$0x1EB00] =	vst v63  }
0x83: {  	_ =	swait.ge [sflag:s21], $0x400  }
0x84: {  	[sflag:s21] =	ssyncset.done $0x0  }
0x85: {  	[sflag:s21] =	ssyncadd.s32 $0xFFFFFC00  }
0x86: {  	[spmem:s14] =	stream.linear.scatter [tilespmem:s0], [sflag:$0x5], $0x400, $0x38;
	[tilespmem:$0x1EB00] =	vst v63  }
0x87: {  	_ =	swait.ge [sflag:s21], $0x400  }
0x88: {  	[sflag:s21] =	ssyncset.done $0x0  }
0x89: {  	[sflag:s21] =	ssyncadd.s32 $0xFFFFFC00  }
0x8a: {  	[spmem:s15] =	stream.linear.scatter [tilespmem:s0], [sflag:$0x5], $0x400, $0x38;
	[tilespmem:$0x1EB00] =	vst v63  }
0x8b: {  	_ =	swait.ge [sflag:s21], $0x400  }
0x8c: {  	[sflag:s21] =	ssyncset.done $0x0  }
0x8d: {  	[sflag:s21] =	ssyncadd.s32 $0xFFFFFC00  }
0x8e: {  	[spmem:s16] =	stream.linear.scatter [tilespmem:s0], [sflag:$0x5], $0x400, $0x38;
	[tilespmem:$0x1EB00] =	vst v63  }
0x8f: {  	_ =	swait.ge [sflag:s21], $0x400  }
0x90: {  	[sflag:s21] =	ssyncset.done $0x0  }
0x91: {  	s22 =	simm.s32 $0x200;
	[sflag:s21] =	ssyncadd.s32 $0xFFFFFC00  }
0x92: {  	s28 =	simm.s32 $0xA000;
	s23 =	simm.s32 $0x1E680;
	[bflag:$0x0] =	sbarrier.arrive $0xFFFF  }
0x93: {  	[spmem:s20] =	stream.indirect.scatter.add.f32 [tilespmem:s23], [sflag:$0x3], $0x1, s28, s22, $0xb8;
	[tilespmem:$0x1EB00] =	vst v63  }
0x94: {  	s29 =	simm.s32 $0xA200  }
0x95: {  	[spmem:s20] =	stream.indirect.scatter.add.f32 [tilespmem:s23], [sflag:$0x3], $0x1, s29, s22, $0xb8;
	[tilespmem:$0x1EB00] =	vst v63  }
0x96: {  	s30 =	simm.s32 $0xA400  }
0x97: {  	[spmem:s20] =	stream.indirect.scatter.add.f32 [tilespmem:s23], [sflag:$0x3], $0x1, s30, s22, $0xb8;
	[tilespmem:$0x1EB00] =	vst v63  }
0x98: {  	s31 =	simm.s32 $0xA600  }
0x99: {  	[spmem:s20] =	stream.indirect.scatter.add.f32 [tilespmem:s23], [sflag:$0x3], $0x1, s31, s22, $0xb8;
	[tilespmem:$0x1EB00] =	vst v63  }
0x9a: {  	s1 =	simm.s32 $0xA800  }
0x9b: {  	[spmem:s20] =	stream.indirect.scatter.add.f32 [tilespmem:s23], [sflag:$0x3], $0x1, s1, s22, $0xb8;
	[tilespmem:$0x1EB00] =	vst v63  }
0x9c: {  	s2 =	simm.s32 $0xAA00  }
0x9d: {  	[spmem:s20] =	stream.indirect.scatter.add.f32 [tilespmem:s23], [sflag:$0x3], $0x1, s2, s22, $0xb8;
	[tilespmem:$0x1EB00] =	vst v63  }
0x9e: {  	s7 =	simm.s32 $0xAC00  }
0x9f: {  	[spmem:s20] =	stream.indirect.scatter.add.f32 [tilespmem:s23], [sflag:$0x3], $0x1, s7, s22, $0xb8;
	[tilespmem:$0x1EB00] =	vst v63  }
0xa0: {  	s24 =	simm.s32 $0xAE00;
	s0 =	simm.s32 $0x3  }
0xa1: {  	[spmem:s20] =	stream.indirect.scatter.add.f32 [tilespmem:s23], [sflag:$0x3], $0x1, s24, s22, $0xb8;
	[tilespmem:$0x1EB00] =	vst v63  }
0xa2: {  	_ =	swait.ge [sflag:s0], $0x200  }
0xa3: {  	[sflag:s0] =	ssyncset.done $0x0  }
0xa4: {  	[sflag:s0] =	ssyncadd.s32 $0xFFFFFE00  }
0xa5: {  	_ =	swait.ge [sflag:s0], $0x200  }
0xa6: {  	[sflag:s0] =	ssyncset.done $0x0  }
0xa7: {  	[sflag:s0] =	ssyncadd.s32 $0xFFFFFE00  }
0xa8: {  	_ =	swait.ge [sflag:s0], $0x200  }
0xa9: {  	[sflag:s0] =	ssyncset.done $0x0  }
0xaa: {  	[sflag:s0] =	ssyncadd.s32 $0xFFFFFE00  }
0xab: {  	_ =	swait.ge [sflag:s0], $0x200  }
0xac: {  	[sflag:s0] =	ssyncset.done $0x0  }
0xad: {  	[sflag:s0] =	ssyncadd.s32 $0xFFFFFE00  }
0xae: {  	_ =	swait.ge [sflag:s0], $0x200  }
0xaf: {  	[sflag:s0] =	ssyncset.done $0x0  }
0xb0: {  	[sflag:s0] =	ssyncadd.s32 $0xFFFFFE00  }
0xb1: {  	_ =	swait.ge [sflag:s0], $0x200  }
0xb2: {  	[sflag:s0] =	ssyncset.done $0x0  }
0xb3: {  	[sflag:s0] =	ssyncadd.s32 $0xFFFFFE00  }
0xb4: {  	_ =	swait.ge [sflag:s0], $0x200  }
0xb5: {  	[sflag:s0] =	ssyncset.done $0x0  }
0xb6: {  	[sflag:s0] =	ssyncadd.s32 $0xFFFFFE00  }
0xb7: {  	_ =	swait.ge [sflag:s0], $0x200  }
0xb8: {  	[sflag:s0] =	ssyncset.done $0x0  }
0xb9: {  	s25 =	simm.s32 $0xB000;
	[sflag:s0] =	ssyncadd.s32 $0xFFFFFE00  }
0xba: {  	[spmem:s20] =	stream.indirect.scatter.add.f32 [tilespmem:s23], [sflag:$0x3], $0x1, s25, s22, $0xb8;
	[tilespmem:$0x1EB00] =	vst v63  }
0xbb: {  	s26 =	simm.s32 $0xB200  }
0xbc: {  	[spmem:s20] =	stream.indirect.scatter.add.f32 [tilespmem:s23], [sflag:$0x3], $0x1, s26, s22, $0xb8;
	[tilespmem:$0x1EB00] =	vst v63  }
0xbd: {  	s28 =	simm.s32 $0xB400  }
0xbe: {  	[spmem:s20] =	stream.indirect.scatter.add.f32 [tilespmem:s23], [sflag:$0x3], $0x1, s28, s22, $0xb8;
	[tilespmem:$0x1EB00] =	vst v63  }
0xbf: {  	s29 =	simm.s32 $0xB600  }
0xc0: {  	[spmem:s20] =	stream.indirect.scatter.add.f32 [tilespmem:s23], [sflag:$0x3], $0x1, s29, s22, $0xb8;
	[tilespmem:$0x1EB00] =	vst v63  }
0xc1: {  	s30 =	simm.s32 $0xB800  }
0xc2: {  	[spmem:s20] =	stream.indirect.scatter.add.f32 [tilespmem:s23], [sflag:$0x3], $0x1, s30, s22, $0xb8;
	[tilespmem:$0x1EB00] =	vst v63  }
0xc3: {  	s31 =	simm.s32 $0xBA00  }
0xc4: {  	[spmem:s20] =	stream.indirect.scatter.add.f32 [tilespmem:s23], [sflag:$0x3], $0x1, s31, s22, $0xb8;
	[tilespmem:$0x1EB00] =	vst v63  }
0xc5: {  	s2 =	simm.s32 $0xBC00  }
0xc6: {  	[spmem:s20] =	stream.indirect.scatter.add.f32 [tilespmem:s23], [sflag:$0x3], $0x1, s2, s22, $0xb8;
	[tilespmem:$0x1EB00] =	vst v63  }
0xc7: {  	s7 =	simm.s32 $0xBE00  }
0xc8: {  	[spmem:s20] =	stream.indirect.scatter.add.f32 [tilespmem:s23], [sflag:$0x3], $0x1, s7, s22, $0xb8;
	[tilespmem:$0x1EB00] =	vst v63  }
0xc9: {  	_ =	swait.ge [sflag:s0], $0x200  }
0xca: {  	[sflag:s0] =	ssyncset.done $0x0  }
0xcb: {  	[sflag:s0] =	ssyncadd.s32 $0xFFFFFE00  }
0xcc: {  	_ =	swait.ge [sflag:s0], $0x200  }
0xcd: {  	[sflag:s0] =	ssyncset.done $0x0  }
0xce: {  	[sflag:s0] =	ssyncadd.s32 $0xFFFFFE00  }
0xcf: {  	_ =	swait.ge [sflag:s0], $0x200  }
0xd0: {  	[sflag:s0] =	ssyncset.done $0x0  }
0xd1: {  	[sflag:s0] =	ssyncadd.s32 $0xFFFFFE00  }
0xd2: {  	_ =	swait.ge [sflag:s0], $0x200  }
0xd3: {  	[sflag:s0] =	ssyncset.done $0x0  }
0xd4: {  	[sflag:s0] =	ssyncadd.s32 $0xFFFFFE00  }
0xd5: {  	_ =	swait.ge [sflag:s0], $0x200  }
0xd6: {  	[sflag:s0] =	ssyncset.done $0x0  }
0xd7: {  	[sflag:s0] =	ssyncadd.s32 $0xFFFFFE00  }
0xd8: {  	_ =	swait.ge [sflag:s0], $0x200  }
0xd9: {  	[sflag:s0] =	ssyncset.done $0x0  }
0xda: {  	[sflag:s0] =	ssyncadd.s32 $0xFFFFFE00  }
0xdb: {  	_ =	swait.ge [sflag:s0], $0x200  }
0xdc: {  	[sflag:s0] =	ssyncset.done $0x0  }
0xdd: {  	[sflag:s0] =	ssyncadd.s32 $0xFFFFFE00  }
0xde: {  	_ =	swait.ge [sflag:s0], $0x200  }
0xdf: {  	[sflag:s0] =	ssyncset.done $0x0  }
0xe0: {  	s24 =	simm.s32 $0xC000;
	[sflag:s0] =	ssyncadd.s32 $0xFFFFFE00  }
0xe1: {  	[spmem:s20] =	stream.indirect.scatter.add.f32 [tilespmem:s23], [sflag:$0x3], $0x1, s24, s22, $0xb8;
	[tilespmem:$0x1EB00] =	vst v63  }
0xe2: {  	s25 =	simm.s32 $0xC200  }
0xe3: {  	[spmem:s20] =	stream.indirect.scatter.add.f32 [tilespmem:s23], [sflag:$0x3], $0x1, s25, s22, $0xb8;
	[tilespmem:$0x1EB00] =	vst v63  }
0xe4: {  	s26 =	simm.s32 $0xC400  }
0xe5: {  	[spmem:s20] =	stream.indirect.scatter.add.f32 [tilespmem:s23], [sflag:$0x3], $0x1, s26, s22, $0xb8;
	[tilespmem:$0x1EB00] =	vst v63  }
0xe6: {  	s28 =	simm.s32 $0xC600  }
0xe7: {  	[spmem:s20] =	stream.indirect.scatter.add.f32 [tilespmem:s23], [sflag:$0x3], $0x1, s28, s22, $0xb8;
	[tilespmem:$0x1EB00] =	vst v63  }
0xe8: {  	s29 =	simm.s32 $0xC800  }
0xe9: {  	[spmem:s20] =	stream.indirect.scatter.add.f32 [tilespmem:s23], [sflag:$0x3], $0x1, s29, s22, $0xb8;
	[tilespmem:$0x1EB00] =	vst v63  }
0xea: {  	s30 =	simm.s32 $0xCA00  }
0xeb: {  	[spmem:s20] =	stream.indirect.scatter.add.f32 [tilespmem:s23], [sflag:$0x3], $0x1, s30, s22, $0xb8;
	[tilespmem:$0x1EB00] =	vst v63  }
0xec: {  	s31 =	simm.s32 $0xCC00  }
0xed: {  	[spmem:s20] =	stream.indirect.scatter.add.f32 [tilespmem:s23], [sflag:$0x3], $0x1, s31, s22, $0xb8;
	[tilespmem:$0x1EB00] =	vst v63  }
0xee: {  	s2 =	simm.s32 $0xCE00  }
0xef: {  	[spmem:s20] =	stream.indirect.scatter.add.f32 [tilespmem:s23], [sflag:$0x3], $0x1, s2, s22, $0xb8;
	[tilespmem:$0x1EB00] =	vst v63  }
0xf0: {  	_ =	swait.ge [sflag:s0], $0x200  }
0xf1: {  	[sflag:s0] =	ssyncset.done $0x0  }
0xf2: {  	[sflag:s0] =	ssyncadd.s32 $0xFFFFFE00  }
0xf3: {  	_ =	swait.ge [sflag:s0], $0x200  }
0xf4: {  	[sflag:s0] =	ssyncset.done $0x0  }
0xf5: {  	[sflag:s0] =	ssyncadd.s32 $0xFFFFFE00  }
0xf6: {  	_ =	swait.ge [sflag:s0], $0x200  }
0xf7: {  	[sflag:s0] =	ssyncset.done $0x0  }
0xf8: {  	[sflag:s0] =	ssyncadd.s32 $0xFFFFFE00  }
0xf9: {  	_ =	swait.ge [sflag:s0], $0x200  }
0xfa: {  	[sflag:s0] =	ssyncset.done $0x0  }
0xfb: {  	[sflag:s0] =	ssyncadd.s32 $0xFFFFFE00  }
0xfc: {  	_ =	swait.ge [sflag:s0], $0x200  }
0xfd: {  	[sflag:s0] =	ssyncset.done $0x0  }
0xfe: {  	[sflag:s0] =	ssyncadd.s32 $0xFFFFFE00  }
0xff: {  	_ =	swait.ge [sflag:s0], $0x200  }
0x100: {  	[sflag:s0] =	ssyncset.done $0x0  }
0x101: {  	[sflag:s0] =	ssyncadd.s32 $0xFFFFFE00  }
0x102: {  	_ =	swait.ge [sflag:s0], $0x200  }
0x103: {  	[sflag:s0] =	ssyncset.done $0x0  }
0x104: {  	[sflag:s0] =	ssyncadd.s32 $0xFFFFFE00  }
0x105: {  	_ =	swait.ge [sflag:s0], $0x200  }
0x106: {  	[sflag:s0] =	ssyncset.done $0x0  }
0x107: {  	s7 =	simm.s32 $0xD000;
	[sflag:s0] =	ssyncadd.s32 $0xFFFFFE00  }
0x108: {  	[spmem:s20] =	stream.indirect.scatter.add.f32 [tilespmem:s23], [sflag:$0x3], $0x1, s7, s22, $0xb8;
	[tilespmem:$0x1EB00] =	vst v63  }
0x109: {  	s24 =	simm.s32 $0xD200  }
0x10a: {  	[spmem:s20] =	stream.indirect.scatter.add.f32 [tilespmem:s23], [sflag:$0x3], $0x1, s24, s22, $0xb8;
	[tilespmem:$0x1EB00] =	vst v63  }
0x10b: {  	s25 =	simm.s32 $0xD400  }
0x10c: {  	[spmem:s20] =	stream.indirect.scatter.add.f32 [tilespmem:s23], [sflag:$0x3], $0x1, s25, s22, $0xb8;
	[tilespmem:$0x1EB00] =	vst v63  }
0x10d: {  	s26 =	simm.s32 $0xD600  }
0x10e: {  	[spmem:s20] =	stream.indirect.scatter.add.f32 [tilespmem:s23], [sflag:$0x3], $0x1, s26, s22, $0xb8;
	[tilespmem:$0x1EB00] =	vst v63  }
0x10f: {  	s28 =	simm.s32 $0xD800  }
0x110: {  	[spmem:s20] =	stream.indirect.scatter.add.f32 [tilespmem:s23], [sflag:$0x3], $0x1, s28, s22, $0xb8;
	[tilespmem:$0x1EB00] =	vst v63  }
0x111: {  	s29 =	simm.s32 $0xDA00  }
0x112: {  	[spmem:s20] =	stream.indirect.scatter.add.f32 [tilespmem:s23], [sflag:$0x3], $0x1, s29, s22, $0xb8;
	[tilespmem:$0x1EB00] =	vst v63  }
0x113: {  	s30 =	simm.s32 $0xDC00  }
0x114: {  	[spmem:s20] =	stream.indirect.scatter.add.f32 [tilespmem:s23], [sflag:$0x3], $0x1, s30, s22, $0xb8;
	[tilespmem:$0x1EB00] =	vst v63  }
0x115: {  	s31 =	simm.s32 $0xDE00  }
0x116: {  	[spmem:s20] =	stream.indirect.scatter.add.f32 [tilespmem:s23], [sflag:$0x3], $0x1, s31, s22, $0xb8;
	[tilespmem:$0x1EB00] =	vst v63  }
0x117: {  	_ =	swait.ge [sflag:s0], $0x200  }
0x118: {  	[sflag:s0] =	ssyncset.done $0x0  }
0x119: {  	[sflag:s0] =	ssyncadd.s32 $0xFFFFFE00  }
0x11a: {  	_ =	swait.ge [sflag:s0], $0x200  }
0x11b: {  	[sflag:s0] =	ssyncset.done $0x0  }
0x11c: {  	[sflag:s0] =	ssyncadd.s32 $0xFFFFFE00  }
0x11d: {  	_ =	swait.ge [sflag:s0], $0x200  }
0x11e: {  	[sflag:s0] =	ssyncset.done $0x0  }
0x11f: {  	[sflag:s0] =	ssyncadd.s32 $0xFFFFFE00  }
0x120: {  	_ =	swait.ge [sflag:s0], $0x200  }
0x121: {  	[sflag:s0] =	ssyncset.done $0x0  }
0x122: {  	[sflag:s0] =	ssyncadd.s32 $0xFFFFFE00  }
0x123: {  	_ =	swait.ge [sflag:s0], $0x200  }
0x124: {  	[sflag:s0] =	ssyncset.done $0x0  }
0x125: {  	[sflag:s0] =	ssyncadd.s32 $0xFFFFFE00  }
0x126: {  	_ =	swait.ge [sflag:s0], $0x200  }
0x127: {  	[sflag:s0] =	ssyncset.done $0x0  }
0x128: {  	[sflag:s0] =	ssyncadd.s32 $0xFFFFFE00  }
0x129: {  	_ =	swait.ge [sflag:s0], $0x200  }
0x12a: {  	[sflag:s0] =	ssyncset.done $0x0  }
0x12b: {  	[sflag:s0] =	ssyncadd.s32 $0xFFFFFE00  }
0x12c: {  	_ =	swait.ge [sflag:s0], $0x200  }
0x12d: {  	[sflag:s0] =	ssyncset.done $0x0  }
0x12e: {  	s2 =	simm.s32 $0xE000;
	[sflag:s0] =	ssyncadd.s32 $0xFFFFFE00  }
0x12f: {  	[spmem:s20] =	stream.indirect.scatter.add.f32 [tilespmem:s23], [sflag:$0x3], $0x1, s2, s22, $0xb8;
	[tilespmem:$0x1EB00] =	vst v63  }
0x130: {  	s7 =	simm.s32 $0xE200  }
0x131: {  	[spmem:s20] =	stream.indirect.scatter.add.f32 [tilespmem:s23], [sflag:$0x3], $0x1, s7, s22, $0xb8;
	[tilespmem:$0x1EB00] =	vst v63  }
0x132: {  	s24 =	simm.s32 $0xE400  }
0x133: {  	[spmem:s20] =	stream.indirect.scatter.add.f32 [tilespmem:s23], [sflag:$0x3], $0x1, s24, s22, $0xb8;
	[tilespmem:$0x1EB00] =	vst v63  }
0x134: {  	s25 =	simm.s32 $0xE600  }
0x135: {  	[spmem:s20] =	stream.indirect.scatter.add.f32 [tilespmem:s23], [sflag:$0x3], $0x1, s25, s22, $0xb8;
	[tilespmem:$0x1EB00] =	vst v63  }
0x136: {  	s26 =	simm.s32 $0xE800  }
0x137: {  	[spmem:s20] =	stream.indirect.scatter.add.f32 [tilespmem:s23], [sflag:$0x3], $0x1, s26, s22, $0xb8;
	[tilespmem:$0x1EB00] =	vst v63  }
0x138: {  	s28 =	simm.s32 $0xEA00  }
0x139: {  	[spmem:s20] =	stream.indirect.scatter.add.f32 [tilespmem:s23], [sflag:$0x3], $0x1, s28, s22, $0xb8;
	[tilespmem:$0x1EB00] =	vst v63  }
0x13a: {  	s29 =	simm.s32 $0xEC00  }
0x13b: {  	[spmem:s20] =	stream.indirect.scatter.add.f32 [tilespmem:s23], [sflag:$0x3], $0x1, s29, s22, $0xb8;
	[tilespmem:$0x1EB00] =	vst v63  }
0x13c: {  	s30 =	simm.s32 $0xEE00  }
0x13d: {  	[spmem:s20] =	stream.indirect.scatter.add.f32 [tilespmem:s23], [sflag:$0x3], $0x1, s30, s22, $0xb8;
	[tilespmem:$0x1EB00] =	vst v63  }
0x13e: {  	_ =	swait.ge [sflag:s0], $0x200  }
0x13f: {  	[sflag:s0] =	ssyncset.done $0x0  }
0x140: {  	[sflag:s0] =	ssyncadd.s32 $0xFFFFFE00  }
0x141: {  	_ =	swait.ge [sflag:s0], $0x200  }
0x142: {  	[sflag:s0] =	ssyncset.done $0x0  }
0x143: {  	[sflag:s0] =	ssyncadd.s32 $0xFFFFFE00  }
0x144: {  	_ =	swait.ge [sflag:s0], $0x200  }
0x145: {  	[sflag:s0] =	ssyncset.done $0x0  }
0x146: {  	[sflag:s0] =	ssyncadd.s32 $0xFFFFFE00  }
0x147: {  	_ =	swait.ge [sflag:s0], $0x200  }
0x148: {  	[sflag:s0] =	ssyncset.done $0x0  }
0x149: {  	[sflag:s0] =	ssyncadd.s32 $0xFFFFFE00  }
0x14a: {  	_ =	swait.ge [sflag:s0], $0x200  }
0x14b: {  	[sflag:s0] =	ssyncset.done $0x0  }
0x14c: {  	[sflag:s0] =	ssyncadd.s32 $0xFFFFFE00  }
0x14d: {  	_ =	swait.ge [sflag:s0], $0x200  }
0x14e: {  	[sflag:s0] =	ssyncset.done $0x0  }
0x14f: {  	[sflag:s0] =	ssyncadd.s32 $0xFFFFFE00  }
0x150: {  	_ =	swait.ge [sflag:s0], $0x200  }
0x151: {  	[sflag:s0] =	ssyncset.done $0x0  }
0x152: {  	[sflag:s0] =	ssyncadd.s32 $0xFFFFFE00  }
0x153: {  	_ =	swait.ge [sflag:s0], $0x200  }
0x154: {  	vm0 =	vcmask $0x300;
	vm15 =	vcmask $0x704;
	[sflag:s0] =	ssyncset.done $0x0  }
0x155: {  	vm1 =	vcmask $0xB08;
	vm2 =	vcmask $0xF0C;
	vm4 =	vcmask $0x1310;
	[sflag:s0] =	ssyncadd.s32 $0xFFFFFE00  }
0x156: {  	vm5 =	vcmask $0x1714;
	vm6 =	vcmask $0x1B18;
	vm7 =	vcmask $0x1F1C;
	[bflag:$0x0] =	sbarrier.arrive $0xFFFF  }
0x157: {  	vm8 =	vcmask $0x2320;
	vm9 =	vcmask $0x2724;
	vm10 =	vcmask $0x2B28;
	[tilespmem:s17], [sflag:$0x5] =	stream.linear.gather [spmem:s19], $0x280, $0x38;
	[tilespmem:$0x1EB00] =	vst v63  }
0x158: {  	vm11 =	vcmask $0x2F2C;
	vm12 =	vcmask $0x3330;
	vm13 =	vcmask $0x3734;
	_ =	swait.ge [sflag:s21], $0x280  }
0x159: {  	vm14 =	vcmask $0x3B38;
	v2 =	vsel vm0, $0x3F800000, v1;
	v3 =	vsel vm15, $0x3F800000, v1;
	[sflag:s21] =	ssyncset.done $0x0  }
0x15a: {  	v4 =	vsel vm1, $0x3F800000, v1;
	v5 =	vsel vm2, $0x3F800000, v1;
	v6 =	vsel vm4, $0x3F800000, v1;
	s31 =	simm.s32 $0x11800;
	s0 =	simm.s32 $0x0;
	[sflag:s21] =	ssyncadd.s32 $0xFFFFFD80  }
0x15b: {  	v7 =	vsel vm5, $0x3F800000, v1;
	v8 =	vsel vm6, $0x3F800000, v1;
	v9 =	vsel vm7, $0x3F800000, v1;
	[tilespmem:s31], [sflag:$0x5] =	stream.linear.gather [hbm4b:s18+s0], $0x2800, $0x38;
	[tilespmem:$0x1EB00] =	vst v63  }
0x15c: {  	v10 =	vsel vm8, $0x3F800000, v1;
	v11 =	vsel vm9, $0x3F800000, v1;
	v12 =	vsel vm10, $0x3F800000, v1;
	_ =	swait.ge [sflag:s21], $0x2800  }
0x15d: {  	v13 =	vsel vm11, $0x3F800000, v1;
	v14 =	vsel vm12, $0x3F800000, v1;
	vm15 =	vcmask $0x3B00;
	[sflag:s21] =	ssyncset.done $0x0  }
0x15e: {  	v15 =	vsel vm13, $0x3F800000, v1;
	v1 =	vsel vm14, $0x3F800000, v1;
	v0 =	vsel vm15, $0x0, v0;
	[sflag:s21] =	ssyncadd.s32 $0xFFFFD800  }
.LBB2_4:
0x15f: {  	v16 =	vld [tilespmem:s17+$0x0];
	_ =	sdelay $0x4  }
0x160: {  	v16 =	vadd.f32 $1.000000000e+00, v16;
	_ =	sdelay $0x1  }
0x161: {  	v17 =	vshra.s32 v16, $0x1;
	v16 =	vmul.f32 $5.000000000e-01, v16  }
0x162: {  	v17 =	vsub.s32 $0x5F3759DF, v17  }
0x163: {  	v18 =	vmul.f32 v17, v16;
	_ =	sdelay $0x1  }
0x164: {  	v18 =	vmul.f32 v17, v18;
	_ =	sdelay $0x1  }
0x165: {  	v18 =	vsub.f32 $1.500000000e+00, v18;
	_ =	sdelay $0x1  }
0x166: {  	v17 =	vmul.f32 v17, v18;
	_ =	sdelay $0x1  }
0x167: {  	v18 =	vmul.f32 v17, v16;
	_ =	sdelay $0x1  }
0x168: {  	v18 =	vmul.f32 v18, v17;
	_ =	sdelay $0x1  }
0x169: {  	v18 =	vsub.f32 $1.500000000e+00, v18;
	_ =	sdelay $0x1  }
0x16a: {  	v17 =	vmul.f32 v18, v17;
	_ =	sdelay $0x1  }
0x16b: {  	v16 =	vmul.f32 v17, v16;
	_ =	sdelay $0x1  }
0x16c: {  	v16 =	vmul.f32 v16, v17;
	_ =	sdelay $0x1  }
0x16d: {  	v16 =	vsub.f32 $1.500000000e+00, v16;
	_ =	sdelay $0x1  }
0x16e: {  	v16 =	vmul.f32 v16, v17;
	_ =	sdelay $0x1  }
0x16f: {  	v17 =	vmul.f32 v2, v16;
	_ =	sdelay $0x1  }
0x170: {  	(xrf2) =	vadd.scan.msk.f32 $0xffff, v17;
	_ =	sdelay $0x1  }
0x171: {  	v17 =	vmul.f32 v3, v16;
	_ =	sdelay $0x1  }
0x172: {  	(xrf2) =	vadd.scan.msk.f32 $0xffff, v17;
	_ =	sdelay $0x1  }
0x173: {  	v17 =	vmul.f32 v4, v16;
	_ =	sdelay $0x1  }
0x174: {  	(xrf2) =	vadd.scan.msk.f32 $0xffff, v17;
	_ =	sdelay $0x1  }
0x175: {  	v49 =	vmul.f32 v5, v16;
	v17, _, _ =	vpop (xrf2)  }
0x176: {  	(v2sf) =	vpush v17, $0xF  }
0x177: {  	(xrf2) =	vadd.scan.msk.f32 $0xffff, v49  }
0x178: {  	v19 =	vmul.f32 v6, v16  }
0x179: {  	v50, _, _ =	vpop (xrf2)  }
0x17a: {  	(xrf2) =	vadd.scan.msk.f32 $0xffff, v19;
	(v2sf) =	vpush v50, $0xF;
	_ =	sdelay $0x1  }
0x17b: {  	v20 =	vmul.f32 v7, v16  }
0x17c: {  	v51, _, _ =	vpop (xrf2)  }
0x17d: {  	(xrf2) =	vadd.scan.msk.f32 $0xffff, v20;
	(v2sf) =	vpush v51, $0xF;
	_ =	sdelay $0x1  }
0x17e: {  	v21 =	vmul.f32 v8, v16  }
0x17f: {  	v52, _, _ =	vpop (xrf2)  }
0x180: {  	(xrf2) =	vadd.scan.msk.f32 $0xffff, v21;
	(v2sf) =	vpush v52, $0xF;
	_ =	sdelay $0x1  }
0x181: {  	v23 =	vmul.f32 v9, v16;
	v22, _, _ =	vpop (xrf2)  }
0x182: {  	v17 =	vbroadcast v17, $0xF;
	s1 =	spop (v2sf);
	(v2sf) =	vpush v22, $0xF  }
0x183: {  	s18 =	sshra.s32 s0, $0x2;
	v18 =	vbroadcast v50, $0xF;
	(xrf2) =	vadd.scan.msk.f32 $0xffff, v23  }
0x184: {  	v53 =	vld [tilespmem:s18+$0x11800];
	v26 =	vmul.f32 v10, v16;
	[tilespmem:s18+$0x1BC00] =	vst v17;
	v19 =	vbroadcast v51, $0xF  }
0x185: {  	[tilespmem:s18+$0x1BC10] =	vst v18;
	v20 =	vbroadcast v52, $0xF;
	v25, _, _ =	vpop (xrf2)  }
0x186: {  	[tilespmem:s18+$0x1BC20] =	vst v19;
	(xrf2) =	vadd.scan.msk.f32 $0xffff, v26;
	v22 =	vbroadcast v22, $0xF;
	s2 =	smul.f32 $8.999999760e-01, s1;
	s30 =	spop (v2sf);
	(v2sf) =	vpush v25, $0xF  }
0x187: {  	v24 =	vld [tilespmem:s18+$0x11810];
	[tilespmem:s18+$0x1BC30] =	vst v20;
	s1 =	smul.f32 $1.000000010e-01, s1;
	v25 =	vbroadcast v25, $0xF  }
0x188: {  	v58 =	vmul.f32 v11, v16;
	[tilespmem:s18+$0x1BC40] =	vst v22;
	v54 =	vmul.f32 s2, v17  }
0x189: {  	v55 =	vmul.f32 s1, v53;
	s31 =	smul.f32 $8.999999760e-01, s30;
	v57, _, _ =	vpop (xrf2);
	[tilespmem:s18+$0x1BC50] =	vst v25  }
0x18a: {  	v17 =	vmul.f32 v17, v53;
	s2 =	smul.f32 $1.000000010e-01, s30;
	s7 =	spop (v2sf);
	(xrf2) =	vadd.scan.msk.f32 $0xffff, v58;
	[tilespmem:s18+$0x16C00] =	vst v54;
	(v2sf) =	vpush v57, $0xF  }
0x18b: {  	v61 =	vld [tilespmem:s18+$0x11830];
	[tilespmem:s18+$0x19400] =	vst v55;
	v56 =	vmul.f32 s31, v18  }
0x18c: {  	v63 =	vmul.f32 v12, v16;
	[tilespmem:s18+$0x14400] =	vst v17;
	v17 =	vld [tilespmem:s18+$0x11820];
	v59 =	vmul.f32 s2, v24  }
0x18d: {  	s19 =	smul.f32 $8.999999760e-01, s7;
	v18 =	vmul.f32 v18, v24;
	v62, _, _ =	vpop (xrf2);
	[tilespmem:s18+$0x16C10] =	vst v56  }
0x18e: {  	v33 =	vld [tilespmem:s18+$0x11850];
	v23 =	vbroadcast v57, $0xF;
	(xrf2) =	vadd.scan.msk.f32 $0xffff, v63;
	[tilespmem:s18+$0x19410] =	vst v59;
	s21 =	spop (v2sf);
	(v2sf) =	vpush v62, $0xF  }
0x18f: {  	v42 =	vld [tilespmem:s18+$0x11870];
	s20 =	smul.f32 $1.000000010e-01, s7;
	v60 =	vmul.f32 s19, v19;
	[tilespmem:s18+$0x14410] =	vst v18  }
0x190: {  	v30 =	vmul.f32 v13, v16;
	v18 =	vmul.f32 v20, v61;
	[tilespmem:s18+$0x1BC60] =	vst v23;
	v29, _, _ =	vpop (xrf2)  }
0x191: {  	[tilespmem:s18+$0x16C20] =	vst v60;
	v27 =	vmul.f32 s20, v17;
	v17 =	vmul.f32 v19, v17;
	s24 =	spop (v2sf);
	(v2sf) =	vpush v29, $0xF  }
0x192: {  	v47 =	vld [tilespmem:s18+$0x11880];
	v24 =	vbroadcast v62, $0xF;
	(xrf2) =	vadd.scan.msk.f32 $0xffff, v30;
	[tilespmem:s18+$0x14430] =	vst v18  }
0x193: {  	v18 =	vmul.f32 v33, v25;
	[tilespmem:s18+$0x14420] =	vst v17;
	v17 =	vld [tilespmem:s18+$0x11840]  }
0x194: {  	v35 =	vmul.f32 v14, v16;
	[tilespmem:s18+$0x1BC70] =	vst v24;
	v50 =	vmul.f32 v42, v24;
	v34, _, _ =	vpop (xrf2)  }
0x195: {  	v49 =	vbroadcast v29, $0xF;
	[tilespmem:s18+$0x14450] =	vst v18;
	s28 =	spop (v2sf);
	(v2sf) =	vpush v34, $0xF  }
0x196: {  	[tilespmem:s18+$0x14470] =	vst v50;
	(xrf2) =	vadd.scan.msk.f32 $0xffff, v35;
	s26 =	smul.f32 $1.000000010e-01, s24  }
0x197: {  	v39 =	vmul.f32 v15, v16;
	s22 =	smul.f32 $8.999999760e-01, s21;
	[tilespmem:s18+$0x1BC80] =	vst v49;
	v19 =	vmul.f32 v47, v49  }
0x198: {  	s23 =	smul.f32 $1.000000010e-01, s21;
	[tilespmem:s18+$0x19420] =	vst v27;
	v38, _, _ =	vpop (xrf2);
	v36 =	vmul.f32 s26, v17;
	v17 =	vmul.f32 v17, v22  }
0x199: {  	v28 =	vmul.f32 s22, v20;
	[tilespmem:s18+$0x14480] =	vst v19;
	s31 =	spop (v2sf);
	(v2sf) =	vpush v38, $0xF  }
0x19a: {  	v31 =	vmul.f32 s23, v61;
	s25 =	smul.f32 $8.999999760e-01, s24;
	(xrf2) =	vadd.scan.msk.f32 $0xffff, v39;
	[tilespmem:s18+$0x14440] =	vst v17;
	v17 =	vld [tilespmem:s18+$0x11860]  }
0x19b: {  	[tilespmem:s18+$0x16C30] =	vst v28;
	v20 =	vbroadcast v34, $0xF  }
0x19c: {  	[tilespmem:s18+$0x19430] =	vst v31;
	v32 =	vmul.f32 s25, v22;
	v43, _, _ =	vpop (xrf2)  }
0x19d: {  	v44 =	vmul.f32 v1, v16;
	[tilespmem:s18+$0x1BC90] =	vst v20;
	s19 =	smul.f32 $1.000000010e-01, s31;
	s20 =	spop (v2sf);
	(v2sf) =	vpush v43, $0xF  }
0x19e: {  	v22 =	vbroadcast v38, $0xF;
	[tilespmem:s18+$0x16C40] =	vst v32  }
0x19f: {  	(xrf2) =	vadd.scan.msk.f32 $0xffff, v44;
	[tilespmem:s18+$0x19440] =	vst v36;
	v45 =	vmul.f32 s19, v17;
	v17 =	vmul.f32 v17, v23;
	s2 =	smul.f32 $1.000000010e-01, s20  }
0x1a0: {  	v16 =	vmul.f32 v0, v16;
	s29 =	smul.f32 $8.999999760e-01, s28;
	v18 =	vbroadcast v43, $0xF;
	[tilespmem:s18+$0x1BCA0] =	vst v22;
	v48, _, _ =	vpop (xrf2);
	s22 =	spop (v2sf)  }
0x1a1: {  	v53 =	vld [tilespmem:s18+$0x118A0];
	[tilespmem:s18+$0x14460] =	vst v17;
	v17 =	vmul.f32 s2, v42;
	(v2sf) =	vpush v48, $0xF;
	s23 =	smul.f32 $8.999999760e-01, s22  }
0x1a2: {  	s30 =	smul.f32 $1.000000010e-01, s28;
	v37 =	vmul.f32 s29, v25;
	[tilespmem:s18+$0x1BCB0] =	vst v18;
	(xrf2) =	vadd.scan.msk.f32 $0xffff, v16  }
0x1a3: {  	[tilespmem:s18+$0x19470] =	vst v17;
	s1 =	smul.f32 $1.000000010e-01, s22;
	v17 =	vmul.f32 s23, v49  }
0x1a4: {  	v51 =	vld [tilespmem:s18+$0x11890];
	v40 =	vmul.f32 s30, v33;
	[tilespmem:s18+$0x16C50] =	vst v37;
	v16, _, _ =	vpop (xrf2);
	s24 =	spop (v2sf)  }
0x1a5: {  	(v2sf) =	vpush v16, $0xF;
	s25 =	smul.f32 $8.999999760e-01, s24;
	[tilespmem:s18+$0x16C80] =	vst v17;
	v17 =	vmul.f32 s1, v47  }
0x1a6: {  	v19 =	vmul.f32 v53, v22;
	s7 =	smul.f32 $8.999999760e-01, s31;
	[tilespmem:s18+$0x19450] =	vst v40  }
0x1a7: {  	s26 =	smul.f32 $1.000000010e-01, s24;
	[tilespmem:s18+$0x19480] =	vst v17;
	v17 =	vmul.f32 s25, v20  }
0x1a8: {  	[tilespmem:s18+$0x144A0] =	vst v19;
	v41 =	vmul.f32 s7, v23;
	s28 =	spop (v2sf)  }
0x1a9: {  	v56 =	vld [tilespmem:s18+$0x118C0];
	v52, _, _ =	vpop (xrf2);
	s29 =	smul.f32 $8.999999760e-01, s28;
	[tilespmem:s18+$0x16C90] =	vst v17;
	v17 =	vmul.f32 s26, v51  }
0x1aa: {  	[tilespmem:s18+$0x16C60] =	vst v41;
	(v2sf) =	vpush v52, $0xF  }
0x1ab: {  	s30 =	smul.f32 $1.000000010e-01, s28;
	[tilespmem:s18+$0x19490] =	vst v17;
	v17 =	vmul.f32 s29, v22  }
0x1ac: {  	v54 =	vld [tilespmem:s18+$0x118B0];
	v57 =	vbroadcast v48, $0xF;
	[tilespmem:s18+$0x19460] =	vst v45;
	v55, _, _ =	vpop (xrf2);
	s31 =	spop (v2sf)  }
0x1ad: {  	(v2sf) =	vpush v55, $0xF;
	s7 =	smul.f32 $8.999999760e-01, s31;
	[tilespmem:s18+$0x16CA0] =	vst v17;
	v17 =	vmul.f32 s30, v53  }
0x1ae: {  	s21 =	smul.f32 $8.999999760e-01, s20;
	[tilespmem:s18+$0x1BCC0] =	vst v57;
	v19 =	vmul.f32 v56, v57  }
0x1af: {  	v59 =	vld [tilespmem:s18+$0x118E0];
	s19 =	smul.f32 $1.000000010e-01, s31;
	[tilespmem:s18+$0x194A0] =	vst v17;
	v17 =	vmul.f32 s7, v18  }
0x1b0: {  	v46 =	vmul.f32 s21, v24;
	[tilespmem:s18+$0x144C0] =	vst v19;
	s20 =	spop (v2sf)  }
0x1b1: {  	s21 =	smul.f32 $8.999999760e-01, s20;
	[tilespmem:s18+$0x16CB0] =	vst v17;
	v17 =	vmul.f32 s19, v54  }
0x1b2: {  	v60 =	vbroadcast v52, $0xF;
	[tilespmem:s18+$0x16C70] =	vst v46  }
0x1b3: {  	v58 =	vld [tilespmem:s18+$0x118D0];
	s22 =	smul.f32 $1.000000010e-01, s20;
	[tilespmem:s18+$0x194B0] =	vst v17;
	v17 =	vmul.f32 s21, v57  }
0x1b4: {  	[tilespmem:s18+$0x1BCE0] =	vst v60;
	v61 =	vmul.f32 v59, v60;
	s23 =	spop (v2sf)  }
0x1b5: {  	v16 =	vbroadcast v16, $0xF;
	s24 =	smul.f32 $8.999999760e-01, s23;
	[tilespmem:s18+$0x16CC0] =	vst v17;
	v17 =	vmul.f32 s22, v56  }
0x1b6: {  	[tilespmem:s18+$0x144E0] =	vst v61  }
0x1b7: {  	[tilespmem:s18+$0x194C0] =	vst v17;
	v17 =	vmul.f32 s24, v16  }
0x1b8: {  	[tilespmem:s18+$0x1BCD0] =	vst v16;
	s25 =	smul.f32 $1.000000010e-01, s23;
	v16 =	vmul.f32 v58, v16  }
0x1b9: {  	v62 =	vbroadcast v55, $0xF;
	s26 =	spop (v2sf);
	[tilespmem:s18+$0x16CD0] =	vst v17  }
0x1ba: {  	s28 =	smul.f32 $8.999999760e-01, s26;
	v17 =	vmul.f32 s25, v58;
	[tilespmem:s18+$0x144D0] =	vst v16;
	v16 =	vld [tilespmem:s18+$0x118F0]  }
0x1bb: {  	v20 =	vmul.f32 v51, v20;
	[tilespmem:s18+$0x1BCF0] =	vst v62  }
0x1bc: {  	s29 =	smul.f32 $1.000000010e-01, s26;
	s30 =	spop (v2sf);
	[tilespmem:s18+$0x194D0] =	vst v17;
	v17 =	vmul.f32 s28, v60  }
0x1bd: {  	[tilespmem:s18+$0x14490] =	vst v20;
	v18 =	vmul.f32 v54, v18;
	s1 =	smul.f32 $1.000000010e-01, s30  }
0x1be: {  	p0 =	sne.s32 s0, $0x9C00;
	s31 =	smul.f32 $8.999999760e-01, s30;
	[tilespmem:s18+$0x16CE0] =	vst v17;
	v17 =	vmul.f32 s29, v59  }
.Ltmp2:
0x1bf: {  	[tilespmem:s18+$0x144B0] =	vst v18;
	v63 =	vmul.f32 s1, v16;
	(pc) =	sbr.rel @p0 .LBB2_4-.Ltmp2, $4  }
0x1c0: {  	v16 =	vmul.f32 v16, v62;
	[tilespmem:s18+$0x194E0] =	vst v17  }
0x1c1: {  	v17 =	vmul.f32 s31, v62;
	[tilespmem:s18+$0x194F0] =	vst v63  }
0x1c2: {  	[tilespmem:s18+$0x144F0] =	vst v16  }
0x1c3: {  	s17 =	sadd.s32 $0x10, s17;
	s0 =	sadd.s32 $0x400, s0;
	[tilespmem:s18+$0x16CF0] =	vst v17  }
0x1c4: {  	s17 =	simm.s32 $0x14400  }
0x1c5: {  	s18 =	simm.s32 $0x5;
	s19 =	simm.s32 $0x0;
	s20 =	simm.s32 $0x200  }
0x1c6: {  	s21 =	simm.s32 $0x5000;
	s22 =	simm.s32 $0xF000;
	s23 =	simm.s32 $0x1  }
0x1c7: {  	[spmem:s6] =	stream.linear.scatter [tilespmem:s17], [sflag:$0x5], $0x2800, $0x38;
	[tilespmem:$0x1EB00] =	vst v63  }
0x1c8: {  	s24 =	simm.s32 $0x11800;
	s25 =	simm.s32 $0x2;
	_ =	swait.ge [sflag:s18], $0x2800  }
0x1c9: {  	s26 =	simm.s32 $0x3;
	s28 =	simm.s32 $0x4;
	[sflag:s18] =	ssyncset.done $0x0  }
0x1ca: {  	s29 =	simm.s32 $0xEC00;
	s30 =	simm.s32 $0x9E00;
	[sflag:s18] =	ssyncadd.s32 $0xFFFFD800  }
0x1cb: {  	s31 =	simm.s32 $0xEE00;
	s0 =	simm.s32 $0x14000;
	[bflag:$0x0] =	sbarrier.arrive $0xFFFF  }
.LBB2_6:
0x1cc: {  	[tilespmem:s22], [sflag:$0x1] =	stream.indirect.gather [spmem:s4], $0x10, s21, s20, $0xb8;
	[tilespmem:$0x1EB00] =	vst v63  }
0x1cd: {  	_ =	swait.ge [sflag:s23], $0x2000  }
0x1ce: {  	[sflag:s23] =	ssyncset.done $0x0  }
0x1cf: {  	s1 =	simm.s32 $0xA000;
	[sflag:s23] =	ssyncadd.s32 $0xFFFFE000  }
0x1d0: {  	[spmem:s3] =	stream.indirect.scatter.add.f32 [tilespmem:s22], [sflag:$0x3], $0x10, s1, s20, $0xb8;
	[tilespmem:$0x1EB00] =	vst v63  }
0x1d1: {  	s7 =	simm.s32 $0x5200  }
0x1d2: {  	[tilespmem:s24], [sflag:$0x2] =	stream.indirect.gather [spmem:s4], $0x10, s7, s20, $0xb8;
	[tilespmem:$0x1EB00] =	vst v63  }
0x1d3: {  	_ =	swait.ge [sflag:s25], $0x2000  }
0x1d4: {  	[sflag:s25] =	ssyncset.done $0x0  }
0x1d5: {  	[sflag:s25] =	ssyncadd.s32 $0xFFFFE000  }
0x1d6: {  	_ =	swait.ge [sflag:s26], $0x2000  }
0x1d7: {  	[sflag:s26] =	ssyncset.done $0x0  }
0x1d8: {  	s2 =	simm.s32 $0xA200;
	[sflag:s26] =	ssyncadd.s32 $0xFFFFE000  }
0x1d9: {  	[spmem:s3] =	stream.indirect.scatter.add.f32 [tilespmem:s24], [sflag:$0x4], $0x10, s2, s20, $0xb8;
	[tilespmem:$0x1EB00] =	vst v63  }
0x1da: {  	s7 =	simm.s32 $0x5400  }
0x1db: {  	[tilespmem:s22], [sflag:$0x1] =	stream.indirect.gather [spmem:s4], $0x10, s7, s20, $0xb8;
	[tilespmem:$0x1EB00] =	vst v63  }
0x1dc: {  	_ =	swait.ge [sflag:s28], $0x2000  }
0x1dd: {  	s1 =	simm.s32 $0x1000;
	[sflag:s28] =	ssyncset.done $0x0  }
.LBB2_7:
0x1de: {  	p0 =	sne.s32 s1, $0x12000  }
0x1df: {  	[sflag:s28] =	ssyncadd.s32 $0xFFFFE000;
	s2 =	smov.u32 s1;
	s1 =	sadd.s32 $0x1000, s1  }
0x1e0: {  	_ = 	snop  }
0x1e1: {  	_ =	swait.ge [sflag:s23], $0x2000  }
0x1e2: {  	s2 =	sshra.s32 s2, $0x2;
	[sflag:s23] =	ssyncset.done $0x0  }
0x1e3: {  	s7 =	sadd.s32 $0xA000, s2;
	[sflag:s23] =	ssyncadd.s32 $0xFFFFE000  }
0x1e4: {  	[spmem:s3] =	stream.indirect.scatter.add.f32 [tilespmem:s22], [sflag:$0x3], $0x10, s7, s20, $0xb8;
	[tilespmem:$0x1EB00] =	vst v63  }
0x1e5: {  	s7 =	sadd.s32 $0x5200, s2  }
0x1e6: {  	[tilespmem:s24], [sflag:$0x2] =	stream.indirect.gather [spmem:s4], $0x10, s7, s20, $0xb8;
	[tilespmem:$0x1EB00] =	vst v63  }
0x1e7: {  	_ =	swait.ge [sflag:s25], $0x2000  }
0x1e8: {  	[sflag:s25] =	ssyncset.done $0x0  }
0x1e9: {  	[sflag:s25] =	ssyncadd.s32 $0xFFFFE000  }
0x1ea: {  	_ =	swait.ge [sflag:s26], $0x2000  }
0x1eb: {  	[sflag:s26] =	ssyncset.done $0x0  }
0x1ec: {  	s7 =	sadd.s32 $0xA200, s2;
	[sflag:s26] =	ssyncadd.s32 $0xFFFFE000  }
0x1ed: {  	[spmem:s3] =	stream.indirect.scatter.add.f32 [tilespmem:s24], [sflag:$0x4], $0x10, s7, s20, $0xb8;
	[tilespmem:$0x1EB00] =	vst v63  }
.Ltmp3:
0x1ee: {  	_ = 	snop;
	(pc) =	sbr.rel @p0 .LBB2_7-.Ltmp3, $4  }
0x1ef: {  	s2 =	sadd.s32 $0x5400, s2  }
0x1f0: {  	[tilespmem:s22], [sflag:$0x1] =	stream.indirect.gather [spmem:s4], $0x10, s2, s20, $0xb8;
	[tilespmem:$0x1EB00] =	vst v63  }
0x1f1: {  	_ =	swait.ge [sflag:s28], $0x2000  }
0x1f2: {  	[sflag:s28] =	ssyncset.done $0x0  }
0x1f3: {  	[sflag:s28] =	ssyncadd.s32 $0xFFFFE000  }
0x1f4: {  	_ =	swait.ge [sflag:s23], $0x2000  }
0x1f5: {  	[sflag:s23] =	ssyncset.done $0x0  }
0x1f6: {  	[sflag:s23] =	ssyncadd.s32 $0xFFFFE000  }
0x1f7: {  	[spmem:s3] =	stream.indirect.scatter.add.f32 [tilespmem:s22], [sflag:$0x3], $0x10, s29, s20, $0xb8;
	[tilespmem:$0x1EB00] =	vst v63  }
0x1f8: {  	_ = 	snop  }
0x1f9: {  	[tilespmem:s24], [sflag:$0x2] =	stream.indirect.gather [spmem:s4], $0x10, s30, s20, $0xb8;
	[tilespmem:$0x1EB00] =	vst v63  }
0x1fa: {  	_ =	swait.ge [sflag:s25], $0x2000  }
0x1fb: {  	[sflag:s25] =	ssyncset.done $0x0  }
0x1fc: {  	[sflag:s25] =	ssyncadd.s32 $0xFFFFE000  }
0x1fd: {  	_ =	swait.ge [sflag:s26], $0x2000  }
0x1fe: {  	[sflag:s26] =	ssyncset.done $0x0  }
0x1ff: {  	[sflag:s26] =	ssyncadd.s32 $0xFFFFE000  }
0x200: {  	[spmem:s3] =	stream.indirect.scatter.add.f32 [tilespmem:s24], [sflag:$0x4], $0x10, s31, s20, $0xb8;
	[tilespmem:$0x1EB00] =	vst v63  }
0x201: {  	_ = 	snop  }
0x202: {  	[tilespmem:s22], [sflag:$0x1] =	stream.indirect.gather [spmem:s4], $0x10, s30, s20, $0xb8;
	[tilespmem:$0x1EB00] =	vst v63  }
0x203: {  	_ =	swait.ge [sflag:s28], $0x2000  }
0x204: {  	[sflag:s28] =	ssyncset.done $0x0  }
0x205: {  	[sflag:s28] =	ssyncadd.s32 $0xFFFFE000  }
0x206: {  	_ =	swait.ge [sflag:s23], $0x2000  }
0x207: {  	[sflag:s23] =	ssyncset.done $0x0  }
0x208: {  	[sflag:s23] =	ssyncadd.s32 $0xFFFFE000  }
0x209: {  	[bflag:$0x0] =	sbarrier.arrive $0xFFFF  }
0x20a: {  	s1 =	rddreg [dreg:$0x6]  }
0x20b: {  	[tilespmem:s22], [sflag:$0x5] =	stream.linear.gather [spmem:s1], $0x2800, $0x38;
	[tilespmem:$0x1EB00] =	vst v63  }
0x20c: {  	_ =	swait.ge [sflag:s18], $0x2800  }
0x20d: {  	[sflag:s18] =	ssyncset.done $0x0  }
0x20e: {  	s2 =	simm.s32 $0x0;
	[sflag:s18] =	ssyncadd.s32 $0xFFFFD800  }
0x20f: {  	v5 =	vld [tilespmem:s2+$0x19400]  }
0x210: {  	v4 =	vld [tilespmem:s2+$0x19410]  }
0x211: {  	v3 =	vld [tilespmem:s2+$0x19420]  }
0x212: {  	v2 =	vld [tilespmem:s2+$0x19430]  }
0x213: {  	v1 =	vld [tilespmem:s2+$0x19440]  }
0x214: {  	v0 =	vld [tilespmem:s2+$0x19450]  }
0x215: {  	v13 =	vld [tilespmem:s2+$0x16C00]  }
0x216: {  	v11 =	vld [tilespmem:s2+$0x16C10]  }
0x217: {  	v10 =	vld [tilespmem:s2+$0x16C20]  }
0x218: {  	v8 =	vld [tilespmem:s2+$0x16C30]  }
0x219: {  	v7 =	vld [tilespmem:s2+$0x16C40]  }
0x21a: {  	v6 =	vld [tilespmem:s2+$0x16C50]  }
0x21b: {  	v18 =	vld [tilespmem:s2+$0xF000]  }
0x21c: {  	v23 =	vld [tilespmem:s2+$0xF010]  }
0x21d: {  	v17 =	vld [tilespmem:s2+$0xF020]  }
0x21e: {  	v16 =	vld [tilespmem:s2+$0xF030]  }
0x21f: {  	v15 =	vld [tilespmem:s2+$0xF040]  }
0x220: {  	v14 =	vld [tilespmem:s2+$0xF050]  }
0x221: {  	v12 =	vld [tilespmem:s2+$0xF060]  }
0x222: {  	v9 =	vld [tilespmem:s2+$0xF070]  }
0x223: {  	v24 =	vld [tilespmem:s2+$0x14400]  }
0x224: {  	v25 =	vld [tilespmem:s2+$0x14410]  }
0x225: {  	v22 =	vld [tilespmem:s2+$0x14420]  }
0x226: {  	v21 =	vld [tilespmem:s2+$0x14430]  }
0x227: {  	v20 =	vld [tilespmem:s2+$0x14440]  }
0x228: {  	v19 =	vld [tilespmem:s2+$0x14450];
	v24 =	vadd.f32 v24, v18  }
0x229: {  	s1 =	simm.s32 $0x200;
	v23 =	vadd.f32 v25, v23;
	v18 =	vld [tilespmem:s2+$0x14460]  }
.LBB2_9:
0x22a: {  	p0 =	sne.s32 s1, $0x9E00;
	v13 =	vmul.f32 v24, v13;
	v17 =	vadd.f32 v22, v17;
	v22 =	vld [tilespmem:s2+$0x14470]  }
0x22b: {  	v11 =	vmul.f32 v23, v11;
	v16 =	vadd.f32 v21, v16;
	v21 =	vld [tilespmem:s2+$0x16C60]  }
0x22c: {  	v5 =	vadd.f32 v13, v5;
	v10 =	vmul.f32 v17, v10;
	v13 =	vadd.f32 v20, v15;
	v15 =	vld [tilespmem:s2+$0x16C70]  }
0x22d: {  	v4 =	vadd.f32 v11, v4;
	v8 =	vmul.f32 v16, v8;
	v11 =	vadd.f32 v19, v14;
	v14 =	vld [tilespmem:s2+$0x19460]  }
0x22e: {  	s7 =	sshra.s32 s1, $0x2;
	[tilespmem:s2+$0x14400] =	vst v5;
	v3 =	vadd.f32 v10, v3;
	v7 =	vmul.f32 v13, v7;
	v10 =	vadd.f32 v18, v12;
	v12 =	vld [tilespmem:s2+$0x19470]  }
0x22f: {  	v5 =	vld [tilespmem:s7+$0x19400];
	[tilespmem:s2+$0x14410] =	vst v4;
	v2 =	vadd.f32 v8, v2;
	v6 =	vmul.f32 v11, v6;
	v8 =	vadd.f32 v22, v9  }
0x230: {  	v4 =	vld [tilespmem:s7+$0x19410];
	[tilespmem:s2+$0x14420] =	vst v3;
	v1 =	vadd.f32 v7, v1;
	v7 =	vmul.f32 v10, v21  }
0x231: {  	v3 =	vld [tilespmem:s7+$0x19420];
	[tilespmem:s2+$0x14430] =	vst v2;
	v0 =	vadd.f32 v6, v0;
	v6 =	vmul.f32 v8, v15  }
0x232: {  	v2 =	vld [tilespmem:s7+$0x19430];
	[tilespmem:s2+$0x14440] =	vst v1;
	v7 =	vadd.f32 v7, v14  }
0x233: {  	v1 =	vld [tilespmem:s7+$0x19440];
	[tilespmem:s2+$0x14450] =	vst v0;
	v6 =	vadd.f32 v6, v12  }
0x234: {  	v0 =	vld [tilespmem:s7+$0x19450];
	[tilespmem:s2+$0x14460] =	vst v7  }
0x235: {  	v13 =	vld [tilespmem:s7+$0x16C00];
	[tilespmem:s2+$0x14470] =	vst v6;
	s2 =	smov.u32 s7  }
0x236: {  	v11 =	vld [tilespmem:s2+$0x16C10]  }
0x237: {  	v10 =	vld [tilespmem:s2+$0x16C20]  }
0x238: {  	v8 =	vld [tilespmem:s2+$0x16C30]  }
0x239: {  	v7 =	vld [tilespmem:s2+$0x16C40]  }
0x23a: {  	v6 =	vld [tilespmem:s2+$0x16C50]  }
0x23b: {  	v18 =	vld [tilespmem:s2+$0xF000]  }
0x23c: {  	v23 =	vld [tilespmem:s2+$0xF010]  }
0x23d: {  	v17 =	vld [tilespmem:s2+$0xF020]  }
0x23e: {  	v16 =	vld [tilespmem:s2+$0xF030]  }
0x23f: {  	v15 =	vld [tilespmem:s2+$0xF040]  }
0x240: {  	v14 =	vld [tilespmem:s2+$0xF050]  }
0x241: {  	v12 =	vld [tilespmem:s2+$0xF060]  }
0x242: {  	v9 =	vld [tilespmem:s2+$0xF070]  }
0x243: {  	v19 =	vld [tilespmem:s2+$0x14400]  }
0x244: {  	v25 =	vld [tilespmem:s2+$0x14410]  }
.Ltmp4:
0x245: {  	v22 =	vld [tilespmem:s2+$0x14420];
	(pc) =	sbr.rel @p0 .LBB2_9-.Ltmp4, $4  }
0x246: {  	v21 =	vld [tilespmem:s2+$0x14430]  }
0x247: {  	v20 =	vld [tilespmem:s2+$0x14440]  }
0x248: {  	v24 =	vadd.f32 v19, v18;
	v19 =	vld [tilespmem:s2+$0x14450]  }
0x249: {  	s1 =	sadd.s32 $0x200, s1;
	v23 =	vadd.f32 v25, v23;
	v18 =	vld [tilespmem:s2+$0x14460]  }
0x24a: {  	v13 =	vmul.f32 v24, v13;
	v50 =	vld [tilespmem:s2+$0x14470];
	v17 =	vadd.f32 v22, v17  }
0x24b: {  	v51 =	vld [tilespmem:s2+$0x16C60];
	v11 =	vmul.f32 v23, v11;
	v16 =	vadd.f32 v21, v16  }
0x24c: {  	v52 =	vld [tilespmem:s2+$0x16C70];
	v5 =	vadd.f32 v13, v5;
	v10 =	vmul.f32 v17, v10;
	v15 =	vadd.f32 v20, v15  }
0x24d: {  	v53 =	vld [tilespmem:s2+$0x19460];
	v4 =	vadd.f32 v11, v4;
	v8 =	vmul.f32 v16, v8;
	v54 =	vadd.f32 v19, v14  }
0x24e: {  	v57 =	vld [tilespmem:s2+$0x19470];
	[tilespmem:s2+$0x14400] =	vst v5;
	v3 =	vadd.f32 v10, v3;
	v55 =	vmul.f32 v15, v7;
	v56 =	vadd.f32 v18, v12  }
0x24f: {  	[tilespmem:s2+$0x14410] =	vst v4;
	v2 =	vadd.f32 v8, v2;
	v58 =	vmul.f32 v54, v6;
	v59 =	vadd.f32 v50, v9  }
0x250: {  	[tilespmem:s2+$0x14420] =	vst v3;
	v1 =	vadd.f32 v55, v1;
	v60 =	vmul.f32 v56, v51  }
0x251: {  	[tilespmem:s2+$0x14430] =	vst v2;
	v0 =	vadd.f32 v58, v0;
	v61 =	vmul.f32 v59, v52  }
0x252: {  	[tilespmem:s2+$0x14440] =	vst v1;
	v62 =	vadd.f32 v60, v53  }
0x253: {  	[tilespmem:s2+$0x14450] =	vst v0;
	v63 =	vadd.f32 v61, v57  }
0x254: {  	[tilespmem:s2+$0x14460] =	vst v62  }
0x255: {  	[tilespmem:s2+$0x14470] =	vst v63  }
0x256: {  	[spmem:s6] =	stream.linear.scatter [tilespmem:s17], [sflag:$0x5], $0x2800, $0x38;
	[tilespmem:$0x1EB00] =	vst v63  }
0x257: {  	_ =	swait.ge [sflag:s18], $0x2800  }
0x258: {  	[sflag:s18] =	ssyncset.done $0x0  }
0x259: {  	[sflag:s18] =	ssyncadd.s32 $0xFFFFD800  }
0x25a: {  	[spmem:s5] =	stream.linear.scatter [tilespmem:s0], [sflag:$0x5], $0x400, $0x38;
	[tilespmem:$0x1EB00] =	vst v63  }
0x25b: {  	_ =	swait.ge [sflag:s18], $0x400  }
0x25c: {  	[sflag:s18] =	ssyncset.done $0x0  }
0x25d: {  	[sflag:s18] =	ssyncadd.s32 $0xFFFFFC00  }
0x25e: {  	[spmem:s8] =	stream.linear.scatter [tilespmem:s0], [sflag:$0x5], $0x400, $0x38;
	[tilespmem:$0x1EB00] =	vst v63  }
0x25f: {  	_ =	swait.ge [sflag:s18], $0x400  }
0x260: {  	[sflag:s18] =	ssyncset.done $0x0  }
0x261: {  	[sflag:s18] =	ssyncadd.s32 $0xFFFFFC00  }
0x262: {  	[spmem:s9] =	stream.linear.scatter [tilespmem:s0], [sflag:$0x5], $0x400, $0x38;
	[tilespmem:$0x1EB00] =	vst v63  }
0x263: {  	_ =	swait.ge [sflag:s18], $0x400  }
0x264: {  	[sflag:s18] =	ssyncset.done $0x0  }
0x265: {  	[sflag:s18] =	ssyncadd.s32 $0xFFFFFC00  }
0x266: {  	[spmem:s10] =	stream.linear.scatter [tilespmem:s0], [sflag:$0x5], $0x400, $0x38;
	[tilespmem:$0x1EB00] =	vst v63  }
0x267: {  	_ =	swait.ge [sflag:s18], $0x400  }
0x268: {  	[sflag:s18] =	ssyncset.done $0x0  }
0x269: {  	[sflag:s18] =	ssyncadd.s32 $0xFFFFFC00  }
0x26a: {  	[spmem:s11] =	stream.linear.scatter [tilespmem:s0], [sflag:$0x5], $0x400, $0x38;
	[tilespmem:$0x1EB00] =	vst v63  }
0x26b: {  	_ =	swait.ge [sflag:s18], $0x400  }
0x26c: {  	[sflag:s18] =	ssyncset.done $0x0  }
0x26d: {  	[sflag:s18] =	ssyncadd.s32 $0xFFFFFC00  }
0x26e: {  	[spmem:s12] =	stream.linear.scatter [tilespmem:s0], [sflag:$0x5], $0x400, $0x38;
	[tilespmem:$0x1EB00] =	vst v63  }
0x26f: {  	_ =	swait.ge [sflag:s18], $0x400  }
0x270: {  	[sflag:s18] =	ssyncset.done $0x0  }
0x271: {  	[sflag:s18] =	ssyncadd.s32 $0xFFFFFC00  }
0x272: {  	[spmem:s13] =	stream.linear.scatter [tilespmem:s0], [sflag:$0x5], $0x400, $0x38;
	[tilespmem:$0x1EB00] =	vst v63  }
0x273: {  	_ =	swait.ge [sflag:s18], $0x400  }
0x274: {  	[sflag:s18] =	ssyncset.done $0x0  }
0x275: {  	[sflag:s18] =	ssyncadd.s32 $0xFFFFFC00  }
0x276: {  	[spmem:s14] =	stream.linear.scatter [tilespmem:s0], [sflag:$0x5], $0x400, $0x38;
	[tilespmem:$0x1EB00] =	vst v63  }
0x277: {  	_ =	swait.ge [sflag:s18], $0x400  }
0x278: {  	[sflag:s18] =	ssyncset.done $0x0  }
0x279: {  	[sflag:s18] =	ssyncadd.s32 $0xFFFFFC00  }
0x27a: {  	[spmem:s15] =	stream.linear.scatter [tilespmem:s0], [sflag:$0x5], $0x400, $0x38;
	[tilespmem:$0x1EB00] =	vst v63  }
0x27b: {  	_ =	swait.ge [sflag:s18], $0x400  }
0x27c: {  	s19 =	sadd.s32 $0x1, s19;
	[sflag:s18] =	ssyncset.done $0x0  }
0x27d: {  	p0 =	sne.s32 s19, $0xA;
	[sflag:s18] =	ssyncadd.s32 $0xFFFFFC00  }
0x27e: {  	[spmem:s16] =	stream.linear.scatter [tilespmem:s0], [sflag:$0x5], $0x400, $0x38;
	[tilespmem:$0x1EB00] =	vst v63  }
.Ltmp5:
0x27f: {  	_ =	swait.ge [sflag:s18], $0x400;
	(pc) =	sbr.rel @p0 .LBB2_6-.Ltmp5, $3  }
0x280: {  	[sflag:s18] =	ssyncset.done $0x0  }
0x281: {  	[sflag:s18] =	ssyncadd.s32 $0xFFFFFC00  }
0x282: {  	[bflag:$0x0] =	sbarrier.arrive $0xFFFF;
	_ =	sdelay $0x1  }
0x283: {  	s1 =	simm.s32 $0x0  }
0x284: {  	v0 =	vld [tilespmem:s1+$0x1BC00];
	_ =	sdelay $0x4  }
0x285: {  	(erf) = vrcp.f32 v0;
	_ =	sdelay $0x2  }
0x286: {  	s0 =	simm.s32 $0x10  }
0x287: {  	v0 =	vld [tilespmem:s0+$0x1BC00];
	_ =	sdelay $0x1  }
0x288: {  	v1 =	vld [tilespmem:s1+$0x14400];
	_ =	sdelay $0x2  }
0x289: {  	v2 =	vpop (erf);
	(erf) = vrcp.f32 v0;
	_ =	sdelay $0x1  }
0x28a: {  	s2 =	simm.s32 $0x20;
	s3 =	simm.s32 $0xC0;
	v0 =	vmul.f32 v2, v1  }
.LBB2_12:
0x28b: {  	p0 =	sne.s32 s3, $0x9FC0;
	v1 =	vld [tilespmem:s2+$0x1BC00]  }
0x28c: {  	[tilespmem:s1+$0x14400] =	vst v0;
	s1 =	smov.u32 s0;
	s0 =	smov.u32 s2  }
0x28d: {  	v0 =	vld [tilespmem:s1+$0x14400]  }
.Ltmp6:
0x28e: {  	(pc) =	sbr.rel @p0 .LBB2_12-.Ltmp6, $4  }
0x28f: {  	_ = 	snop  }
0x290: {  	(erf) = vrcp.f32 v1  }
0x291: {  	v1 =	vpop (erf)  }
0x292: {  	s2 =	sshra.s32 s3, $0x2;
	s3 =	sadd.s32 $0x40, s3;
	v0 =	vmul.f32 v1, v0  }
0x293: {  	v1 =	vld [tilespmem:s2+$0x1BC00]  }
0x294: {  	[tilespmem:s1+$0x14400] =	vst v0  }
0x295: {  	v0 =	vld [tilespmem:s0+$0x14400];
	_ =	sdelay $0x2  }
0x296: {  	(erf) = vrcp.f32 v1  }
0x297: {  	v62 =	vpop (erf)  }
0x298: {  	v0 =	vmul.f32 v62, v0;
	_ =	sdelay $0x1  }
0x299: {  	[tilespmem:s0+$0x14400] =	vst v0  }
0x29a: {  	v0 =	vld [tilespmem:s2+$0x14400];
	_ =	sdelay $0x3  }
0x29b: {  	v63 =	vpop (erf)  }
0x29c: {  	v0 =	vmul.f32 v63, v0  }
0x29d: {  	s28 =	simm.s32 $0x0  }
0x29e: {  	s29 =	simm.s32 $0x14400;
	s30 =	rddreg [dreg:$0x5];
	s31 =	simm.s32 $0x5;
	[tilespmem:s2+$0x14400] =	vst v0  }
0x29f: {  	[hbm4b:s30+s28] =	stream.linear.scatter [tilespmem:s29], [sflag:$0x5], $0x2800, $0x38;
	[tilespmem:$0x1EB00] =	vst v63  }
0x2a0: {  	_ =	swait.ge [sflag:s31], $0x2800  }
0x2a1: {  	[sflag:s31] =	ssyncset.done $0x0  }
0x2a2: {  	[sflag:s31] =	ssyncadd.s32 $0xFFFFD800  }
0x2a3: {  	s6 =	stileid.u32;
	s5 =	rddreg [dreg:$0x4]  }
.LBB2_14:
0x2a4: {  	_ =	sfence.sel $0x180000  }
0x2a5: {  	[bflag:$0x0] =	sbarrier.arrive $0xFFFF  }
0x2a6: {  	p0 =	sne.s32 s6, $0x0;
	_ =	strace $0x90000047  }
0x2a7: {  	s0 =	sadd.s32 @!p0 $0x100000, s5;
	[bflag:$0x2] =	sbarrier.arrive $0xFFFF  }
0x2a8: {  	[sflag:s0] =	ssyncadd.tile.s32 @!p0 $0x1;
	_ =	shalt  }
.Lfunc_end2:
_tile_overlayer_lowered:
.L_overlay_start_2:
0x2a9: {  	(tag) =	ssettag $0x2  }
0x2aa: {  	s0 =	rddreg [dreg:$0x0];
	s2 =	stileid.u32  }
0x2ab: {  	s1 =	rddreg [dreg:$0x1];
	p0 =	sne.s32 s2, $0x0  }
0x2ac: {  	s3 =	rddreg [dreg:$0x2];
	[bflag:$0x3] =	sbarrier.arrive $0xFFFF;
	s2 =	simm.s32 @!p0 $0x1C05  }
0x2ad: {  	[timem:s3], [sflag:s2] =	dma.local @!p0 [hbm:s0], s1  }
0x2ae: {  	s0 =	simm.s32 @!p0 $0x5  }
0x2af: {  	_ =	swait.ge @!p0 [sflag:s0], s1  }
0x2b0: {  	s1 =	ssub.s32 @!p0 $0x0, s1;
	[sflag:s0] =	ssyncset.done @!p0 $0x0  }
0x2b1: {  	[sflag:s0] =	ssyncadd.s32 @!p0 s1  }
0x2b2: {  	[bflag:$0x3] =	sbarrier.arrive $0xFFFF  }
0x2b3: {  	_ =	shalt  }

</sc_bundles>
